<compile_context>
chip_gen: v7x
topology: tpu7x:2x2x1
jax: 0.10.2.dev20260603
libtpu: 0.0.44.dev20260713+nightly
codegen_flags: <defaults>
</compile_context>

<pallas_src>
import functools

import jax
import jax.numpy as jnp
from jax import lax
from jax.experimental import pallas as pl
from jax.experimental.pallas import tpu as pltpu
from jax.experimental.pallas import tpu_sc as plsc

S, D, FF, E = 2048, 1024, 2048, 8
TILE = 128
NT = 24
NPAD = NT * TILE
NW = 32
CHUNK = S // NW
FFC = 1024
NF = FF // FFC


def _router_body(x_ref, rw_ref, logits_ref, ei_ref, xs_ref, pos_ref, te_ref):
    x = x_ref[...]
    logits = lax.dot_general(
        x, rw_ref[...], (((1,), (0,)), ((), ())),
        precision=lax.Precision.DEFAULT, preferred_element_type=jnp.float32)
    logits_ref[...] = logits
    m = jnp.max(logits, axis=1, keepdims=True)
    ex = jnp.exp(logits - m)
    probs = ex / jnp.sum(ex, axis=1, keepdims=True)
    pmax = jnp.max(probs, axis=1, keepdims=True)
    col = lax.broadcasted_iota(jnp.int32, (S, E), 1)
    ei = jnp.min(jnp.where(probs == pmax, col, E), axis=1, keepdims=True)
    ei_ref[...] = ei
    xs_ref[...] = x * pmax
    onehot = (col == ei).astype(jnp.bfloat16)
    tri = (lax.broadcasted_iota(jnp.int32, (S, S), 1)
           <= lax.broadcasted_iota(jnp.int32, (S, S), 0)).astype(jnp.bfloat16)
    ranks = lax.dot_general(tri, onehot, (((1,), (0,)), ((), ())),
                            preferred_element_type=jnp.float32)
    counts = ranks[S - 1:S, :].astype(jnp.int32)
    ntiles = (counts + (TILE - 1)) // TILE
    etri = (lax.broadcasted_iota(jnp.int32, (E, E), 0)
            < lax.broadcasted_iota(jnp.int32, (E, E), 1)).astype(jnp.bfloat16)
    cum_excl = lax.dot_general(ntiles.astype(jnp.bfloat16), etri,
                               (((1,), (0,)), ((), ())),
                               preferred_element_type=jnp.float32)
    row_off = cum_excl * float(TILE)
    onehot_f = onehot.astype(jnp.float32)
    pos = jnp.sum(onehot_f * (row_off + ranks - 1.0), axis=1, keepdims=True)
    pos_ref[...] = pos.astype(jnp.int32)
    cum_incl = cum_excl + ntiles.astype(jnp.float32)
    te_ref[...] = jnp.concatenate(
        [cum_excl.astype(jnp.int32), cum_incl.astype(jnp.int32)], axis=0)


def _ffn_body(meta_ref, x_ref, wi_hbm, wo_hbm, y_ref, wi_b, wo_b, sems):
    copies = {}

    def start(j):
        e, f = divmod(j, NF)
        slot = j % 2
        c1 = pltpu.make_async_copy(
            wi_hbm.at[e, :, pl.ds(f * FFC, FFC)], wi_b.at[slot],
            sems.at[2 * slot])
        c2 = pltpu.make_async_copy(
            wo_hbm.at[e, pl.ds(f * FFC, FFC), :], wo_b.at[slot],
            sems.at[2 * slot + 1])
        c1.start()
        c2.start()
        copies[j] = (c1, c2)

    start(0)
    for j in range(E * NF):
        e, f = divmod(j, NF)
        slot = j % 2
        if j + 1 < E * NF:
            start(j + 1)
        c1, c2 = copies.pop(j)
        c1.wait()
        c2.wait()
        t0 = meta_ref[0, e]
        t1 = meta_ref[1, e]

        def tile_body(t, carry, slot=slot, f=f):
            row = pl.multiple_of(t * TILE, TILE)
            h = jnp.maximum(
                jnp.dot(x_ref[pl.ds(row, TILE), :], wi_b[slot],
                        preferred_element_type=jnp.float32), 0.0)
            yv = jnp.dot(h, wo_b[slot], preferred_element_type=jnp.float32)
            if f == 0:
                y_ref[pl.ds(row, TILE), :] = yv
            else:
                y_ref[pl.ds(row, TILE), :] += yv
            return carry

        lax.fori_loop(t0, t1, tile_body, 0)


def _sc_scatter_body(xs_hbm, pos_hbm, out_hbm, idx_v, rows_v, sem, sem2):
    wid = lax.axis_index("s") * 2 + lax.axis_index("c")
    base = wid * CHUNK
    cp_idx = pltpu.async_copy(pos_hbm.at[pl.ds(base, CHUNK)], idx_v, sem2)
    cp_rows = pltpu.async_copy(xs_hbm.at[pl.ds(base, CHUNK)], rows_v, sem)
    cp_idx.wait()
    cp_rows.wait()
    pltpu.async_copy(rows_v, out_hbm.at[idx_v], sem).wait()


def _sc_gather_body(y_hbm, pos_hbm, out_hbm, idx_v, rows_v, sem):
    wid = lax.axis_index("s") * 2 + lax.axis_index("c")
    base = wid * CHUNK
    pltpu.sync_copy(pos_hbm.at[pl.ds(base, CHUNK)], idx_v)
    pltpu.async_copy(y_hbm.at[idx_v], rows_v, sem).wait()
    pltpu.sync_copy(rows_v, out_hbm.at[pl.ds(base, CHUNK)])


def kernel(hidden_states, router_weight, wi, wo):
    x2d = hidden_states.reshape(S, D)

    logits, ei, xs, pos, te = pl.pallas_call(
        _router_body,
        out_shape=(
            jax.ShapeDtypeStruct((S, E), jnp.float32),
            jax.ShapeDtypeStruct((S, 1), jnp.int32),
            jax.ShapeDtypeStruct((S, D), jnp.float32),
            jax.ShapeDtypeStruct((S, 1), jnp.int32),
            jax.ShapeDtypeStruct((2, E), jnp.int32),
        ),
    )(x2d, router_weight)

    pos1d = pos.reshape(S)

    mesh = plsc.VectorSubcoreMesh(core_axis_name="c", subcore_axis_name="s")
    x_sorted = pl.kernel(
        _sc_scatter_body,
        out_type=jax.ShapeDtypeStruct((NPAD, D), jnp.float32),
        mesh=mesh,
        scratch_types=[
            pltpu.VMEM((CHUNK,), jnp.int32),
            pltpu.VMEM((CHUNK, D), jnp.float32),
            pltpu.SemaphoreType.DMA,
            pltpu.SemaphoreType.DMA,
        ],
    )(xs, pos1d)

    y_sorted = pl.pallas_call(
        _ffn_body,
        grid_spec=pltpu.PrefetchScalarGridSpec(
            num_scalar_prefetch=1,
            grid=(1,),
            in_specs=[
                pl.BlockSpec((NPAD, D), lambda t, m_s: (0, 0)),
                pl.BlockSpec(memory_space=pltpu.MemorySpace.HBM),
                pl.BlockSpec(memory_space=pltpu.MemorySpace.HBM),
            ],
            out_specs=pl.BlockSpec((NPAD, D), lambda t, m_s: (0, 0)),
            scratch_shapes=[
                pltpu.VMEM((2, D, FFC), jnp.float32),
                pltpu.VMEM((2, FFC, D), jnp.float32),
                pltpu.SemaphoreType.DMA((4,)),
            ],
        ),
        out_shape=jax.ShapeDtypeStruct((NPAD, D), jnp.float32),
    )(te, x_sorted, wi, wo)

    next2d = pl.kernel(
        _sc_gather_body,
        out_type=jax.ShapeDtypeStruct((S, D), jnp.float32),
        mesh=mesh,
        scratch_types=[
            pltpu.VMEM((CHUNK,), jnp.int32),
            pltpu.VMEM((CHUNK, D), jnp.float32),
            pltpu.SemaphoreType.DMA,
        ],
    )(y_sorted, pos1d)

    return (next2d.reshape(1, S, D), logits.reshape(1, S, E), ei.reshape(1, S))

# --- scband reference (transcript-rebuilt; emitter-appended) ---
"""Pipeline reference for scband-switch-moe-wrapper-9053791060362 (READ-ONLY COPY).

The authoritative reference and input builder live on the scoring server;
editing this copy changes nothing except your own understanding.
"""

import jax, jax.numpy as jnp
import numpy as np

B, S, D, FF, E = 1, 2048, 1024, 2048, 8

def setup_inputs(seed: int = 0) -> dict:
    key = jax.random.key(seed)
    k1, k2, k3, k4 = jax.random.split(key, 4)
    hidden_states = jax.random.normal(k1, (B, S, D), dtype=jnp.float32)
    router_weight = jax.random.normal(k2, (D, E), dtype=jnp.float32) * 0.02
    wi = jax.random.normal(k3, (E, D, FF), dtype=jnp.float32) * 0.02
    wo = jax.random.normal(k4, (E, FF, D), dtype=jnp.float32) * 0.02
    return {"hidden_states": hidden_states, "router_weight": router_weight, "wi": wi, "wo": wo}

def reference(hidden_states, router_weight, wi, wo):
    # Switch-style top-1 router: logits -> softmax -> argmax one-hot mask
    router_logits = jnp.einsum('bsd,de->bse', hidden_states, router_weight)
    router_probs_full = jax.nn.softmax(router_logits, axis=-1)
    expert_index = jnp.argmax(router_probs_full, axis=-1)  # [B, S]
    router_mask = jax.nn.one_hot(expert_index, E, dtype=hidden_states.dtype)  # [B, S, E]
    router_probs = jnp.max(router_probs_full, axis=-1, keepdims=True)  # [B, S, 1]
    # Expert FFN (Switch dense: wi -> relu -> wo, no bias), computed densely
    # over all experts then combined with the one-hot mask. Mathematically
    # identical to the per-expert token-masked dispatch in the torch module.
    h = jnp.einsum('bsd,edf->ebsf', hidden_states, wi)
    h = jax.nn.relu(h)
    y = jnp.einsum('ebsf,efd->ebsd', h, wo)
    next_states = jnp.einsum('ebsd,bse->bsd', y, router_mask) * router_probs
    # reduce_from_model_parallel_region is identity on a single device
    return (next_states, router_logits, expert_index)

if __name__ == "__main__":
    import jax
    _d = setup_inputs()
    print(jax.jit(kernel)(*tuple(_d.values())))

</pallas_src>

<mosaic_0001>
#map = affine_map<(d0, d1) -> (0, 0)>
#map1 = affine_map<(d0, d1) -> (0)>
module attributes {stable_mosaic.version = 14 : i64} {
  func.func @_sc_gather_body(%arg0: i32, %arg1: i32, %arg2: memref<3072x1024xf32, #tpu.memory_space<hbm>>, %arg3: memref<2048xi32, #tpu.memory_space<hbm>>, %arg4: memref<2048x1024xf32, #tpu.memory_space<hbm>>, %arg5: memref<64xi32, #tpu.memory_space<vmem>>, %arg6: memref<64x1024xf32, #tpu.memory_space<vmem>>, %arg7: memref<!tpu.dma_semaphore, #tpu.memory_space<semaphore_mem>>) attributes {dimension_semantics = [#tpu.dimension_semantics<core_parallel>, #tpu.dimension_semantics<subcore_parallel>], iteration_bounds = array<i64: 2, 16>, scalar_prefetch = 0 : i64, scratch_operands = 3 : i64, tpu.core_type = #tpu.core_type<sc_vector_subcore>, window_params = [{transform_indices = #map}, {transform_indices = #map1}, {transform_indices = #map}]} {
    %mul3A = arith.constant 2 : i32
    %mul3A_0 = arith.muli %arg1, %mul3A : i32
    %add3A = arith.addi %mul3A_0, %arg0 : i32
    %mul3A_1 = arith.constant 64 : i32
    %mul3A_2 = arith.muli %add3A, %mul3A_1 : i32
    "tpu.region"() ({
      %run_scoped3A = tpu.sem_alloc : memref<!tpu.dma_semaphore, #tpu.memory_space<semaphore_mem>>
      %dma_start3A_7 = tpu.memref_slice %arg3[%mul3A_2] : memref<2048xi32, #tpu.memory_space<hbm>> -> memref<64xi32, #tpu.memory_space<hbm>>
      %dma_start3A_8 = tpu.memref_slice %arg3[%mul3A_2] : memref<2048xi32, #tpu.memory_space<hbm>> -> memref<64xi32, #tpu.memory_space<hbm>>
      tpu.enqueue_dma source(%dma_start3A_8 : memref<64xi32, #tpu.memory_space<hbm>>) target(%arg5 : memref<64xi32, #tpu.memory_space<vmem>>) target_semaphore(%run_scoped3A : memref<!tpu.dma_semaphore, #tpu.memory_space<semaphore_mem>>)
      %dma_wait3A_9 = tpu.memref_slice %arg3[%mul3A_2] : memref<2048xi32, #tpu.memory_space<hbm>> -> memref<64xi32, #tpu.memory_space<hbm>>
      %dma_wait3A_10 = tpu.memref_slice %arg3[%mul3A_2] : memref<2048xi32, #tpu.memory_space<hbm>> -> memref<64xi32, #tpu.memory_space<hbm>>
      tpu.wait_dma2 semaphore(%run_scoped3A : memref<!tpu.dma_semaphore, #tpu.memory_space<semaphore_mem>>) src(%dma_wait3A_10 : memref<64xi32, #tpu.memory_space<hbm>>) dst(%arg5 : memref<64xi32, #tpu.memory_space<vmem>>)
      tpu.yield
    }) : () -> ()
    %dma_start3A = arith.constant 0 : i32
    %dma_start3A_3 = arith.constant 0 : i32
    %dma_start3A_4 = tpu.memref_slice %arg2[%dma_start3A, %dma_start3A_3] : memref<3072x1024xf32, #tpu.memory_space<hbm>> -> memref<3072x1024xf32, #tpu.memory_space<hbm>>
    tpu.enqueue_indirect_dma source(%dma_start3A_4 : memref<3072x1024xf32, #tpu.memory_space<hbm>>) target(%arg6 : memref<64x1024xf32, #tpu.memory_space<vmem>>) offsets(%arg5 : memref<64xi32, #tpu.memory_space<vmem>>) semaphore(%arg7 : memref<!tpu.dma_semaphore, #tpu.memory_space<semaphore_mem>>)
    %dma_wait3A = arith.constant 0 : i32
    %dma_wait3A_5 = arith.constant 0 : i32
    %dma_wait3A_6 = tpu.memref_slice %arg2[%dma_wait3A, %dma_wait3A_5] : memref<3072x1024xf32, #tpu.memory_space<hbm>> -> memref<3072x1024xf32, #tpu.memory_space<hbm>>
    tpu.wait_indirect_dma semaphore(%arg7 : memref<!tpu.dma_semaphore, #tpu.memory_space<semaphore_mem>>) src(%dma_wait3A_6 : memref<3072x1024xf32, #tpu.memory_space<hbm>>) dst(%arg6 : memref<64x1024xf32, #tpu.memory_space<vmem>>)
    "tpu.region"() ({
      %run_scoped3A = tpu.sem_alloc : memref<!tpu.dma_semaphore, #tpu.memory_space<semaphore_mem>>
      %dma_start3A_7 = arith.constant 0 : i32
      %dma_start3A_8 = tpu.memref_slice %arg4[%mul3A_2, %dma_start3A_7] : memref<2048x1024xf32, #tpu.memory_space<hbm>> -> memref<64x1024xf32, #tpu.memory_space<hbm>>
      %dma_start3A_9 = arith.constant 0 : i32
      %dma_start3A_10 = tpu.memref_slice %arg4[%mul3A_2, %dma_start3A_9] : memref<2048x1024xf32, #tpu.memory_space<hbm>> -> memref<64x1024xf32, #tpu.memory_space<hbm>>
      tpu.enqueue_dma source(%arg6 : memref<64x1024xf32, #tpu.memory_space<vmem>>) target(%dma_start3A_10 : memref<64x1024xf32, #tpu.memory_space<hbm>>) target_semaphore(%run_scoped3A : memref<!tpu.dma_semaphore, #tpu.memory_space<semaphore_mem>>)
      %dma_wait3A_11 = arith.constant 0 : i32
      %dma_wait3A_12 = tpu.memref_slice %arg4[%mul3A_2, %dma_wait3A_11] : memref<2048x1024xf32, #tpu.memory_space<hbm>> -> memref<64x1024xf32, #tpu.memory_space<hbm>>
      %dma_wait3A_13 = arith.constant 0 : i32
      %dma_wait3A_14 = tpu.memref_slice %arg4[%mul3A_2, %dma_wait3A_13] : memref<2048x1024xf32, #tpu.memory_space<hbm>> -> memref<64x1024xf32, #tpu.memory_space<hbm>>
      tpu.wait_dma2 semaphore(%run_scoped3A : memref<!tpu.dma_semaphore, #tpu.memory_space<semaphore_mem>>) src(%arg6 : memref<64x1024xf32, #tpu.memory_space<vmem>>) dst(%dma_wait3A_14 : memref<64x1024xf32, #tpu.memory_space<hbm>>)
      tpu.yield
    }) : () -> ()
    return
  }
}

#map = affine_map<(d0, d1) -> (0, 0)>
#map1 = affine_map<(d0, d1) -> (0)>
module attributes {stable_mosaic.version = 14 : i64} {
  func.func @_sc_scatter_body(%arg0: i32, %arg1: i32, %arg2: memref<2048x1024xf32, #tpu.memory_space<hbm>>, %arg3: memref<2048xi32, #tpu.memory_space<hbm>>, %arg4: memref<3072x1024xf32, #tpu.memory_space<hbm>>, %arg5: memref<64xi32, #tpu.memory_space<vmem>>, %arg6: memref<64x1024xf32, #tpu.memory_space<vmem>>, %arg7: memref<!tpu.dma_semaphore, #tpu.memory_space<semaphore_mem>>, %arg8: memref<!tpu.dma_semaphore, #tpu.memory_space<semaphore_mem>>) attributes {dimension_semantics = [#tpu.dimension_semantics<core_parallel>, #tpu.dimension_semantics<subcore_parallel>], iteration_bounds = array<i64: 2, 16>, scalar_prefetch = 0 : i64, scratch_operands = 4 : i64, tpu.core_type = #tpu.core_type<sc_vector_subcore>, window_params = [{transform_indices = #map}, {transform_indices = #map1}, {transform_indices = #map}]} {
    %mul3A = arith.constant 2 : i32
    %mul3A_0 = arith.muli %arg1, %mul3A : i32
    %add3A = arith.addi %mul3A_0, %arg0 : i32
    %mul3A_1 = arith.constant 64 : i32
    %mul3A_2 = arith.muli %add3A, %mul3A_1 : i32
    %dma_start3A = tpu.memref_slice %arg3[%mul3A_2] : memref<2048xi32, #tpu.memory_space<hbm>> -> memref<64xi32, #tpu.memory_space<hbm>>
    %dma_start3A_3 = tpu.memref_slice %arg3[%mul3A_2] : memref<2048xi32, #tpu.memory_space<hbm>> -> memref<64xi32, #tpu.memory_space<hbm>>
    tpu.enqueue_dma source(%dma_start3A_3 : memref<64xi32, #tpu.memory_space<hbm>>) target(%arg5 : memref<64xi32, #tpu.memory_space<vmem>>) target_semaphore(%arg8 : memref<!tpu.dma_semaphore, #tpu.memory_space<semaphore_mem>>)
    %dma_start3A_4 = arith.constant 0 : i32
    %dma_start3A_5 = tpu.memref_slice %arg2[%mul3A_2, %dma_start3A_4] : memref<2048x1024xf32, #tpu.memory_space<hbm>> -> memref<64x1024xf32, #tpu.memory_space<hbm>>
    %dma_start3A_6 = arith.constant 0 : i32
    %dma_start3A_7 = tpu.memref_slice %arg2[%mul3A_2, %dma_start3A_6] : memref<2048x1024xf32, #tpu.memory_space<hbm>> -> memref<64x1024xf32, #tpu.memory_space<hbm>>
    tpu.enqueue_dma source(%dma_start3A_7 : memref<64x1024xf32, #tpu.memory_space<hbm>>) target(%arg6 : memref<64x1024xf32, #tpu.memory_space<vmem>>) target_semaphore(%arg7 : memref<!tpu.dma_semaphore, #tpu.memory_space<semaphore_mem>>)
    %dma_wait3A = tpu.memref_slice %arg3[%mul3A_2] : memref<2048xi32, #tpu.memory_space<hbm>> -> memref<64xi32, #tpu.memory_space<hbm>>
    %dma_wait3A_8 = tpu.memref_slice %arg3[%mul3A_2] : memref<2048xi32, #tpu.memory_space<hbm>> -> memref<64xi32, #tpu.memory_space<hbm>>
    tpu.wait_dma2 semaphore(%arg8 : memref<!tpu.dma_semaphore, #tpu.memory_space<semaphore_mem>>) src(%dma_wait3A_8 : memref<64xi32, #tpu.memory_space<hbm>>) dst(%arg5 : memref<64xi32, #tpu.memory_space<vmem>>)
    %dma_wait3A_9 = arith.constant 0 : i32
    %dma_wait3A_10 = tpu.memref_slice %arg2[%mul3A_2, %dma_wait3A_9] : memref<2048x1024xf32, #tpu.memory_space<hbm>> -> memref<64x1024xf32, #tpu.memory_space<hbm>>
    %dma_wait3A_11 = arith.constant 0 : i32
    %dma_wait3A_12 = tpu.memref_slice %arg2[%mul3A_2, %dma_wait3A_11] : memref<2048x1024xf32, #tpu.memory_space<hbm>> -> memref<64x1024xf32, #tpu.memory_space<hbm>>
    tpu.wait_dma2 semaphore(%arg7 : memref<!tpu.dma_semaphore, #tpu.memory_space<semaphore_mem>>) src(%dma_wait3A_12 : memref<64x1024xf32, #tpu.memory_space<hbm>>) dst(%arg6 : memref<64x1024xf32, #tpu.memory_space<vmem>>)
    %dma_start3A_13 = arith.constant 0 : i32
    %dma_start3A_14 = arith.constant 0 : i32
    %dma_start3A_15 = tpu.memref_slice %arg4[%dma_start3A_13, %dma_start3A_14] : memref<3072x1024xf32, #tpu.memory_space<hbm>> -> memref<3072x1024xf32, #tpu.memory_space<hbm>>
    tpu.enqueue_indirect_dma source(%arg6 : memref<64x1024xf32, #tpu.memory_space<vmem>>) target(%dma_start3A_15 : memref<3072x1024xf32, #tpu.memory_space<hbm>>) offsets(%arg5 : memref<64xi32, #tpu.memory_space<vmem>>) semaphore(%arg7 : memref<!tpu.dma_semaphore, #tpu.memory_space<semaphore_mem>>)
    %dma_wait3A_16 = arith.constant 0 : i32
    %dma_wait3A_17 = arith.constant 0 : i32
    %dma_wait3A_18 = tpu.memref_slice %arg4[%dma_wait3A_16, %dma_wait3A_17] : memref<3072x1024xf32, #tpu.memory_space<hbm>> -> memref<3072x1024xf32, #tpu.memory_space<hbm>>
    tpu.wait_indirect_dma semaphore(%arg7 : memref<!tpu.dma_semaphore, #tpu.memory_space<semaphore_mem>>) src(%arg6 : memref<64x1024xf32, #tpu.memory_space<vmem>>) dst(%dma_wait3A_18 : memref<3072x1024xf32, #tpu.memory_space<hbm>>)
    return
  }
}

module attributes {stable_mosaic.version = 14 : i64} {
  func.func @_router_body(%arg0: memref<2048x1024xf32, #tpu.memory_space<vmem>>, %arg1: memref<1024x8xf32, #tpu.memory_space<vmem>>, %arg2: memref<2048x8xf32, #tpu.memory_space<vmem>>, %arg3: memref<2048x1xi32, #tpu.memory_space<vmem>>, %arg4: memref<2048x1024xf32, #tpu.memory_space<vmem>>, %arg5: memref<2048x1xi32, #tpu.memory_space<vmem>>, %arg6: memref<2x8xi32, #tpu.memory_space<vmem>>) attributes {dimension_semantics = [], scalar_prefetch = 0 : i64, scratch_operands = 0 : i64, tpu.core_type = #tpu.core_type<tc>} {
    %get3A = arith.constant 0 : index
    %get3A_0 = arith.constant 0 : index
    %get3A_1 = vector.load %arg0[%get3A, %get3A_0] : memref<2048x1024xf32, #tpu.memory_space<vmem>>, vector<2048x1024xf32>
    %get3A_2 = arith.constant 0 : index
    %get3A_3 = arith.constant 0 : index
    %get3A_4 = vector.load %arg1[%get3A_2, %get3A_3] : memref<1024x8xf32, #tpu.memory_space<vmem>>, vector<1024x8xf32>
    %dot_general3A = arith.constant dense<0.000000e+00> : vector<2048x8xf32>
    %dot_general3A_5 = tpu.matmul %get3A_1, %get3A_4, %dot_general3A {dimension_numbers = #tpu.dot_dimension_numbers<[1], [0], [0], [1], [0, 0, 1, 1], [], []>, transpose_lhs_hint = false} : vector<2048x1024xf32>, vector<1024x8xf32>, vector<2048x8xf32> -> vector<2048x8xf32>
    %swap3A = arith.constant 0 : index
    %swap3A_6 = arith.constant 0 : index
    %swap3A_7 = vector.load %arg2[%swap3A, %swap3A_6] : memref<2048x8xf32, #tpu.memory_space<vmem>>, vector<2048x8xf32>
    tpu.vector_store %arg2[%swap3A, %swap3A_6], %dot_general3A_5 {strides = array<i32>} : memref<2048x8xf32, #tpu.memory_space<vmem>>, vector<2048x8xf32>,
    %reduce_max3A = arith.constant dense<0xFF800000> : vector<2048xf32>
    %reduce_max3A_8 = vector.multi_reduction <maximumf>, %dot_general3A_5, %reduce_max3A [1] : vector<2048x8xf32> to vector<2048xf32>
    %broadcast_in_dim3A = vector.shape_cast %reduce_max3A_8 : vector<2048xf32> to vector<2048x1xf32>
    %sub3A = vector.broadcast %broadcast_in_dim3A : vector<2048x1xf32> to vector<2048x8xf32>
    %sub3A_9 = arith.subf %dot_general3A_5, %sub3A : vector<2048x8xf32>
    %exp3A = math.exp %sub3A_9 : vector<2048x8xf32>
    %reduce_sum3A = arith.constant dense<0.000000e+00> : vector<2048xf32>
    %reduce_sum3A_10 = vector.multi_reduction <add>, %exp3A, %reduce_sum3A [1] : vector<2048x8xf32> to vector<2048xf32>
    %broadcast_in_dim3A_11 = vector.shape_cast %reduce_sum3A_10 : vector<2048xf32> to vector<2048x1xf32>
    %div3A = vector.broadcast %broadcast_in_dim3A_11 : vector<2048x1xf32> to vector<2048x8xf32>
    %div3A_12 = arith.divf %exp3A, %div3A : vector<2048x8xf32>
    %reduce_max3A_13 = arith.constant dense<0xFF800000> : vector<2048xf32>
    %reduce_max3A_14 = vector.multi_reduction <maximumf>, %div3A_12, %reduce_max3A_13 [1] : vector<2048x8xf32> to vector<2048xf32>
    %broadcast_in_dim3A_15 = vector.shape_cast %reduce_max3A_14 : vector<2048xf32> to vector<2048x1xf32>
    %iota3A = tpu.iota {dimensions = array<i32: 1>} : vector<2048x8xi32>
    %eq3A = vector.broadcast %broadcast_in_dim3A_15 : vector<2048x1xf32> to vector<2048x8xf32>
    %eq3A_16 = arith.cmpf oeq, %div3A_12, %eq3A : vector<2048x8xf32>
    %jit3A = arith.constant 8 : i32
    %broadcast_in_dim3A_17 = vector.broadcast %jit3A : i32 to vector<2048x8xi32>
    %select_n3A = arith.select %eq3A_16, %iota3A, %broadcast_in_dim3A_17 : vector<2048x8xi1>, vector<2048x8xi32>
    %reduce_min3A = arith.constant dense<2147483647> : vector<2048xi32>
    %reduce_min3A_18 = vector.multi_reduction <minsi>, %select_n3A, %reduce_min3A [1] : vector<2048x8xi32> to vector<2048xi32>
    %broadcast_in_dim3A_19 = vector.shape_cast %reduce_min3A_18 : vector<2048xi32> to vector<2048x1xi32>
    %swap3A_20 = arith.constant 0 : index
    %swap3A_21 = arith.constant 0 : index
    %swap3A_22 = vector.load %arg3[%swap3A_20, %swap3A_21] : memref<2048x1xi32, #tpu.memory_space<vmem>>, vector<2048x1xi32>
    tpu.vector_store %arg3[%swap3A_20, %swap3A_21], %broadcast_in_dim3A_19 {strides = array<i32>} : memref<2048x1xi32, #tpu.memory_space<vmem>>, vector<2048x1xi32>,
    %mul3A = vector.broadcast %broadcast_in_dim3A_15 : vector<2048x1xf32> to vector<2048x1024xf32>
    %mul3A_23 = arith.mulf %get3A_1, %mul3A : vector<2048x1024xf32>
    %swap3A_24 = arith.constant 0 : index
    %swap3A_25 = arith.constant 0 : index
    %swap3A_26 = vector.load %arg4[%swap3A_24, %swap3A_25] : memref<2048x1024xf32, #tpu.memory_space<vmem>>, vector<2048x1024xf32>
    tpu.vector_store %arg4[%swap3A_24, %swap3A_25], %mul3A_23 {strides = array<i32>} : memref<2048x1024xf32, #tpu.memory_space<vmem>>, vector<2048x1024xf32>,
    %eq3A_27 = vector.broadcast %broadcast_in_dim3A_19 : vector<2048x1xi32> to vector<2048x8xi32>
    %eq3A_28 = arith.cmpi eq, %iota3A, %eq3A_27 : vector<2048x8xi32>
    %convert_element_type3A = arith.extui %eq3A_28 : vector<2048x8xi1> to vector<2048x8xi32>
    %convert_element_type3A_29 = arith.sitofp %convert_element_type3A : vector<2048x8xi32> to vector<2048x8xf32>
    %convert_element_type3A_30 = arith.truncf %convert_element_type3A_29 : vector<2048x8xf32> to vector<2048x8xbf16>
    %iota3A_31 = tpu.iota {dimensions = array<i32: 1>} : vector<2048x2048xi32>
    %iota3A_32 = tpu.iota {dimensions = array<i32: 0>} : vector<2048x2048xi32>
    %le3A = arith.cmpi sle, %iota3A_31, %iota3A_32 : vector<2048x2048xi32>
    %convert_element_type3A_33 = arith.extui %le3A : vector<2048x2048xi1> to vector<2048x2048xi32>
    %convert_element_type3A_34 = arith.sitofp %convert_element_type3A_33 : vector<2048x2048xi32> to vector<2048x2048xf32>
    %convert_element_type3A_35 = arith.truncf %convert_element_type3A_34 : vector<2048x2048xf32> to vector<2048x2048xbf16>
    %dot_general3A_36 = arith.constant dense<0.000000e+00> : vector<2048x8xf32>
    %dot_general3A_37 = tpu.matmul %convert_element_type3A_35, %convert_element_type3A_30, %dot_general3A_36 {dimension_numbers = #tpu.dot_dimension_numbers<[1], [0], [0], [1], [0, 0, 1, 1], [], []>, transpose_lhs_hint = false} : vector<2048x2048xbf16>, vector<2048x8xbf16>, vector<2048x8xf32> -> vector<2048x8xf32>
    %slice3A = vector.extract_strided_slice %dot_general3A_37 {offsets = [2047, 0], sizes = [1, 8], strides = [1, 1]} : vector<2048x8xf32> to vector<1x8xf32>
    %convert_element_type3A_38 = arith.fptosi %slice3A : vector<1x8xf32> to vector<1x8xi32>
    %add3A = arith.constant 127 : i32
    %add3A_39 = vector.broadcast %add3A : i32 to vector<1x8xi32>
    %add3A_40 = arith.addi %convert_element_type3A_38, %add3A_39 : vector<1x8xi32>
    %jit3A_41 = arith.constant 128 : i32
    %div3A_42 = vector.broadcast %jit3A_41 : i32 to vector<1x8xi32>
    %div3A_43 = arith.divsi %add3A_40, %div3A_42 : vector<1x8xi32>
    %sign3A = arith.constant 0 : i32
    %sign3A_44 = vector.broadcast %sign3A : i32 to vector<1x8xi32>
    %sign3A_45 = arith.cmpi sgt, %add3A_40, %sign3A_44 : vector<1x8xi32>
    %sign3A_46 = arith.extui %sign3A_45 : vector<1x8xi1> to vector<1x8xi32>
    %sign3A_47 = arith.constant 0 : i32
    %sign3A_48 = vector.broadcast %sign3A_47 : i32 to vector<1x8xi32>
    %sign3A_49 = arith.cmpi slt, %add3A_40, %sign3A_48 : vector<1x8xi32>
    %sign3A_50 = arith.extui %sign3A_49 : vector<1x8xi1> to vector<1x8xi32>
    %sign3A_51 = arith.subi %sign3A_46, %sign3A_50 : vector<1x8xi32>
    %sign3A_52 = arith.constant 0 : i32
    %sign3A_53 = arith.cmpi sgt, %jit3A_41, %sign3A_52 : i32
    %sign3A_54 = arith.extui %sign3A_53 : i1 to i32
    %sign3A_55 = arith.constant 0 : i32
    %sign3A_56 = arith.cmpi slt, %jit3A_41, %sign3A_55 : i32
    %sign3A_57 = arith.extui %sign3A_56 : i1 to i32
    %sign3A_58 = arith.subi %sign3A_54, %sign3A_57 : i32
    %ne3A = vector.broadcast %sign3A_58 : i32 to vector<1x8xi32>
    %ne3A_59 = arith.cmpi ne, %sign3A_51, %ne3A : vector<1x8xi32>
    %rem3A = vector.broadcast %jit3A_41 : i32 to vector<1x8xi32>
    %rem3A_60 = arith.remsi %add3A_40, %rem3A : vector<1x8xi32>
    %ne3A_61 = arith.constant 0 : i32
    %ne3A_62 = vector.broadcast %ne3A_61 : i32 to vector<1x8xi32>
    %ne3A_63 = arith.cmpi ne, %rem3A_60, %ne3A_62 : vector<1x8xi32>
    %and3A = arith.andi %ne3A_59, %ne3A_63 : vector<1x8xi1>
    %sub3A_64 = arith.constant 1 : i32
    %sub3A_65 = vector.broadcast %sub3A_64 : i32 to vector<1x8xi32>
    %sub3A_66 = arith.subi %div3A_43, %sub3A_65 : vector<1x8xi32>
    %select_n3A_67 = arith.select %and3A, %sub3A_66, %div3A_43 : vector<1x8xi1>, vector<1x8xi32>
    %iota3A_68 = tpu.iota {dimensions = array<i32: 0>} : vector<8x8xi32>
    %iota3A_69 = tpu.iota {dimensions = array<i32: 1>} : vector<8x8xi32>
    %lt3A = arith.cmpi slt, %iota3A_68, %iota3A_69 : vector<8x8xi32>
    %convert_element_type3A_70 = arith.extui %lt3A : vector<8x8xi1> to vector<8x8xi32>
    %convert_element_type3A_71 = arith.sitofp %convert_element_type3A_70 : vector<8x8xi32> to vector<8x8xf32>
    %convert_element_type3A_72 = arith.truncf %convert_element_type3A_71 : vector<8x8xf32> to vector<8x8xbf16>
    %convert_element_type3A_73 = arith.sitofp %select_n3A_67 : vector<1x8xi32> to vector<1x8xbf16>
    %dot_general3A_74 = arith.constant dense<0.000000e+00> : vector<1x8xf32>
    %dot_general3A_75 = tpu.matmul %convert_element_type3A_73, %convert_element_type3A_72, %dot_general3A_74 {dimension_numbers = #tpu.dot_dimension_numbers<[1], [0], [0], [1], [0, 0, 1, 1], [], []>, transpose_lhs_hint = false} : vector<1x8xbf16>, vector<8x8xbf16>, vector<1x8xf32> -> vector<1x8xf32>
    %mul3A_76 = arith.constant 1.280000e+02 : f32
    %mul3A_77 = vector.broadcast %mul3A_76 : f32 to vector<1x8xf32>
    %mul3A_78 = arith.mulf %dot_general3A_75, %mul3A_77 : vector<1x8xf32>
    %convert_element_type3A_79 = arith.extf %convert_element_type3A_30 : vector<2048x8xbf16> to vector<2048x8xf32>
    %add3A_80 = vector.broadcast %mul3A_78 : vector<1x8xf32> to vector<2048x8xf32>
    %add3A_81 = arith.addf %add3A_80, %dot_general3A_37 : vector<2048x8xf32>
    %sub3A_82 = arith.constant 1.000000e+00 : f32
    %sub3A_83 = vector.broadcast %sub3A_82 : f32 to vector<2048x8xf32>
    %sub3A_84 = arith.subf %add3A_81, %sub3A_83 : vector<2048x8xf32>
    %mul3A_85 = arith.mulf %convert_element_type3A_79, %sub3A_84 : vector<2048x8xf32>
    %reduce_sum3A_86 = arith.constant dense<0.000000e+00> : vector<2048xf32>
    %reduce_sum3A_87 = vector.multi_reduction <add>, %mul3A_85, %reduce_sum3A_86 [1] : vector<2048x8xf32> to vector<2048xf32>
    %broadcast_in_dim3A_88 = vector.shape_cast %reduce_sum3A_87 : vector<2048xf32> to vector<2048x1xf32>
    %convert_element_type3A_89 = arith.fptosi %broadcast_in_dim3A_88 : vector<2048x1xf32> to vector<2048x1xi32>
    %swap3A_90 = arith.constant 0 : index
    %swap3A_91 = arith.constant 0 : index
    %swap3A_92 = vector.load %arg5[%swap3A_90, %swap3A_91] : memref<2048x1xi32, #tpu.memory_space<vmem>>, vector<2048x1xi32>
    tpu.vector_store %arg5[%swap3A_90, %swap3A_91], %convert_element_type3A_89 {strides = array<i32>} : memref<2048x1xi32, #tpu.memory_space<vmem>>, vector<2048x1xi32>,
    %convert_element_type3A_93 = arith.sitofp %select_n3A_67 : vector<1x8xi32> to vector<1x8xf32>
    %add3A_94 = arith.addf %dot_general3A_75, %convert_element_type3A_93 : vector<1x8xf32>
    %convert_element_type3A_95 = arith.fptosi %dot_general3A_75 : vector<1x8xf32> to vector<1x8xi32>
    %convert_element_type3A_96 = arith.fptosi %add3A_94 : vector<1x8xf32> to vector<1x8xi32>
    %concatenate3A = tpu.concatenate %convert_element_type3A_95, %convert_element_type3A_96 in 0 : vector<1x8xi32>, vector<1x8xi32> -> vector<2x8xi32>
    %swap3A_97 = arith.constant 0 : index
    %swap3A_98 = arith.constant 0 : index
    %swap3A_99 = vector.load %arg6[%swap3A_97, %swap3A_98] : memref<2x8xi32, #tpu.memory_space<vmem>>, vector<2x8xi32>
    tpu.vector_store %arg6[%swap3A_97, %swap3A_98], %concatenate3A {strides = array<i32>} : memref<2x8xi32, #tpu.memory_space<vmem>>, vector<2x8xi32>,
    return
  }
}

module attributes {stable_mosaic.version = 14 : i64} {
  func.func @_ffn_body(%arg0: i32, %arg1: memref<2x8xi32, #tpu.memory_space<smem>>, %arg2: memref<3072x1024xf32, #tpu.memory_space<vmem>>, %arg3: memref<8x1024x2048xf32, #tpu.memory_space<hbm>>, %arg4: memref<8x2048x1024xf32, #tpu.memory_space<hbm>>, %arg5: memref<3072x1024xf32, #tpu.memory_space<vmem>>, %arg6: memref<2x1024x1024xf32, #tpu.memory_space<vmem>>, %arg7: memref<2x1024x1024xf32, #tpu.memory_space<vmem>>, %arg8: memref<4x!tpu.dma_semaphore, #tpu.memory_space<semaphore_mem>>) attributes {dimension_semantics = [#tpu.dimension_semantics<arbitrary>], iteration_bounds = array<i64: 1>, scalar_prefetch = 1 : i64, scratch_operands = 3 : i64, tpu.core_type = #tpu.core_type<tc>, window_params = [{pipeline_mode = #tpu.pipeline_mode<synchronous>, transform_indices = @transform_0, window_bounds = array<i64: 3072, 1024>}, {}, {}, {pipeline_mode = #tpu.pipeline_mode<synchronous>, transform_indices = @transform_3, window_bounds = array<i64: 3072, 1024>}]} {
    %dma_start3A = arith.constant 0 : i32
    %dma_start3A_0 = arith.constant 0 : i32
    %dma_start3A_1 = arith.constant 0 : i32
    %dma_start3A_2 = tpu.memref_slice %arg8[%dma_start3A_1] : memref<4x!tpu.dma_semaphore, #tpu.memory_space<semaphore_mem>> -> memref<1x!tpu.dma_semaphore, #tpu.memory_space<semaphore_mem>>
    %dma_start3A_3 = tpu.memref_squeeze %dma_start3A_2 : memref<1x!tpu.dma_semaphore, #tpu.memory_space<semaphore_mem>> -> memref<!tpu.dma_semaphore, #tpu.memory_space<semaphore_mem>>
    %dma_start3A_4 = arith.constant 0 : i32
    %dma_start3A_5 = arith.constant 0 : i32
    %dma_start3A_6 = tpu.memref_slice %arg6[%dma_start3A_0, %dma_start3A_4, %dma_start3A_5] : memref<2x1024x1024xf32, #tpu.memory_space<vmem>> -> memref<1x1024x1024xf32, #tpu.memory_space<vmem>>
    %dma_start3A_7 = tpu.memref_squeeze %dma_start3A_6 : memref<1x1024x1024xf32, #tpu.memory_space<vmem>> -> memref<1024x1024xf32, #tpu.memory_space<vmem>>
    %dma_start3A_8 = arith.constant 0 : i32
    %dma_start3A_9 = arith.constant 0 : i32
    %dma_start3A_10 = tpu.memref_slice %arg3[%dma_start3A, %dma_start3A_8, %dma_start3A_9] : memref<8x1024x2048xf32, #tpu.memory_space<hbm>> -> memref<1x1024x1024xf32, #tpu.memory_space<hbm>>
    %dma_start3A_11 = tpu.memref_squeeze %dma_start3A_10 : memref<1x1024x1024xf32, #tpu.memory_space<hbm>> -> memref<1024x1024xf32, #tpu.memory_space<hbm>>
    tpu.enqueue_dma source(%dma_start3A_11 : memref<1024x1024xf32, #tpu.memory_space<hbm>>) target(%dma_start3A_7 : memref<1024x1024xf32, #tpu.memory_space<vmem>>) target_semaphore(%dma_start3A_3 : memref<!tpu.dma_semaphore, #tpu.memory_space<semaphore_mem>>)
    %dma_start3A_12 = arith.constant 0 : i32
    %dma_start3A_13 = arith.constant 0 : i32
    %dma_start3A_14 = arith.constant 1 : i32
    %dma_start3A_15 = tpu.memref_slice %arg8[%dma_start3A_14] : memref<4x!tpu.dma_semaphore, #tpu.memory_space<semaphore_mem>> -> memref<1x!tpu.dma_semaphore, #tpu.memory_space<semaphore_mem>>
    %dma_start3A_16 = tpu.memref_squeeze %dma_start3A_15 : memref<1x!tpu.dma_semaphore, #tpu.memory_space<semaphore_mem>> -> memref<!tpu.dma_semaphore, #tpu.memory_space<semaphore_mem>>
    %dma_start3A_17 = arith.constant 0 : i32
    %dma_start3A_18 = arith.constant 0 : i32
    %dma_start3A_19 = tpu.memref_slice %arg7[%dma_start3A_13, %dma_start3A_17, %dma_start3A_18] : memref<2x1024x1024xf32, #tpu.memory_space<vmem>> -> memref<1x1024x1024xf32, #tpu.memory_space<vmem>>
    %dma_start3A_20 = tpu.memref_squeeze %dma_start3A_19 : memref<1x1024x1024xf32, #tpu.memory_space<vmem>> -> memref<1024x1024xf32, #tpu.memory_space<vmem>>
    %dma_start3A_21 = arith.constant 0 : i32
    %dma_start3A_22 = arith.constant 0 : i32
    %dma_start3A_23 = tpu.memref_slice %arg4[%dma_start3A_12, %dma_start3A_21, %dma_start3A_22] : memref<8x2048x1024xf32, #tpu.memory_space<hbm>> -> memref<1x1024x1024xf32, #tpu.memory_space<hbm>>
    %dma_start3A_24 = tpu.memref_squeeze %dma_start3A_23 : memref<1x1024x1024xf32, #tpu.memory_space<hbm>> -> memref<1024x1024xf32, #tpu.memory_space<hbm>>
    tpu.enqueue_dma source(%dma_start3A_24 : memref<1024x1024xf32, #tpu.memory_space<hbm>>) target(%dma_start3A_20 : memref<1024x1024xf32, #tpu.memory_space<vmem>>) target_semaphore(%dma_start3A_16 : memref<!tpu.dma_semaphore, #tpu.memory_space<semaphore_mem>>)
    %dma_start3A_25 = arith.constant 0 : i32
    %dma_start3A_26 = arith.constant 1 : i32
    %dma_start3A_27 = arith.constant 2 : i32
    %dma_start3A_28 = tpu.memref_slice %arg8[%dma_start3A_27] : memref<4x!tpu.dma_semaphore, #tpu.memory_space<semaphore_mem>> -> memref<1x!tpu.dma_semaphore, #tpu.memory_space<semaphore_mem>>
    %dma_start3A_29 = tpu.memref_squeeze %dma_start3A_28 : memref<1x!tpu.dma_semaphore, #tpu.memory_space<semaphore_mem>> -> memref<!tpu.dma_semaphore, #tpu.memory_space<semaphore_mem>>
    %dma_start3A_30 = arith.constant 0 : i32
    %dma_start3A_31 = arith.constant 0 : i32
    %dma_start3A_32 = tpu.memref_slice %arg6[%dma_start3A_26, %dma_start3A_30, %dma_start3A_31] : memref<2x1024x1024xf32, #tpu.memory_space<vmem>> -> memref<1x1024x1024xf32, #tpu.memory_space<vmem>>
    %dma_start3A_33 = tpu.memref_squeeze %dma_start3A_32 : memref<1x1024x1024xf32, #tpu.memory_space<vmem>> -> memref<1024x1024xf32, #tpu.memory_space<vmem>>
    %dma_start3A_34 = arith.constant 0 : i32
    %dma_start3A_35 = arith.constant 1024 : i32
    %dma_start3A_36 = tpu.memref_slice %arg3[%dma_start3A_25, %dma_start3A_34, %dma_start3A_35] : memref<8x1024x2048xf32, #tpu.memory_space<hbm>> -> memref<1x1024x1024xf32, #tpu.memory_space<hbm>>
    %dma_start3A_37 = tpu.memref_squeeze %dma_start3A_36 : memref<1x1024x1024xf32, #tpu.memory_space<hbm>> -> memref<1024x1024xf32, #tpu.memory_space<hbm>>
    tpu.enqueue_dma source(%dma_start3A_37 : memref<1024x1024xf32, #tpu.memory_space<hbm>>) target(%dma_start3A_33 : memref<1024x1024xf32, #tpu.memory_space<vmem>>) target_semaphore(%dma_start3A_29 : memref<!tpu.dma_semaphore, #tpu.memory_space<semaphore_mem>>)
    %dma_start3A_38 = arith.constant 0 : i32
    %dma_start3A_39 = arith.constant 1 : i32
    %dma_start3A_40 = arith.constant 3 : i32
    %dma_start3A_41 = tpu.memref_slice %arg8[%dma_start3A_40] : memref<4x!tpu.dma_semaphore, #tpu.memory_space<semaphore_mem>> -> memref<1x!tpu.dma_semaphore, #tpu.memory_space<semaphore_mem>>
    %dma_start3A_42 = tpu.memref_squeeze %dma_start3A_41 : memref<1x!tpu.dma_semaphore, #tpu.memory_space<semaphore_mem>> -> memref<!tpu.dma_semaphore, #tpu.memory_space<semaphore_mem>>
    %dma_start3A_43 = arith.constant 0 : i32
    %dma_start3A_44 = arith.constant 0 : i32
    %dma_start3A_45 = tpu.memref_slice %arg7[%dma_start3A_39, %dma_start3A_43, %dma_start3A_44] : memref<2x1024x1024xf32, #tpu.memory_space<vmem>> -> memref<1x1024x1024xf32, #tpu.memory_space<vmem>>
    %dma_start3A_46 = tpu.memref_squeeze %dma_start3A_45 : memref<1x1024x1024xf32, #tpu.memory_space<vmem>> -> memref<1024x1024xf32, #tpu.memory_space<vmem>>
    %dma_start3A_47 = arith.constant 1024 : i32
    %dma_start3A_48 = arith.constant 0 : i32
    %dma_start3A_49 = tpu.memref_slice %arg4[%dma_start3A_38, %dma_start3A_47, %dma_start3A_48] : memref<8x2048x1024xf32, #tpu.memory_space<hbm>> -> memref<1x1024x1024xf32, #tpu.memory_space<hbm>>
    %dma_start3A_50 = tpu.memref_squeeze %dma_start3A_49 : memref<1x1024x1024xf32, #tpu.memory_space<hbm>> -> memref<1024x1024xf32, #tpu.memory_space<hbm>>
    tpu.enqueue_dma source(%dma_start3A_50 : memref<1024x1024xf32, #tpu.memory_space<hbm>>) target(%dma_start3A_46 : memref<1024x1024xf32, #tpu.memory_space<vmem>>) target_semaphore(%dma_start3A_42 : memref<!tpu.dma_semaphore, #tpu.memory_space<semaphore_mem>>)
    %dma_wait3A = arith.constant 0 : i32
    %dma_wait3A_51 = arith.constant 0 : i32
    %dma_wait3A_52 = arith.constant 0 : i32
    %dma_wait3A_53 = tpu.memref_slice %arg8[%dma_wait3A_52] : memref<4x!tpu.dma_semaphore, #tpu.memory_space<semaphore_mem>> -> memref<1x!tpu.dma_semaphore, #tpu.memory_space<semaphore_mem>>
    %dma_wait3A_54 = tpu.memref_squeeze %dma_wait3A_53 : memref<1x!tpu.dma_semaphore, #tpu.memory_space<semaphore_mem>> -> memref<!tpu.dma_semaphore, #tpu.memory_space<semaphore_mem>>
    %dma_wait3A_55 = arith.constant 0 : i32
    %dma_wait3A_56 = arith.constant 0 : i32
    %dma_wait3A_57 = tpu.memref_slice %arg6[%dma_wait3A_51, %dma_wait3A_55, %dma_wait3A_56] : memref<2x1024x1024xf32, #tpu.memory_space<vmem>> -> memref<1x1024x1024xf32, #tpu.memory_space<vmem>>
    %dma_wait3A_58 = tpu.memref_squeeze %dma_wait3A_57 : memref<1x1024x1024xf32, #tpu.memory_space<vmem>> -> memref<1024x1024xf32, #tpu.memory_space<vmem>>
    %dma_wait3A_59 = arith.constant 0 : i32
    %dma_wait3A_60 = arith.constant 0 : i32
    %dma_wait3A_61 = tpu.memref_slice %arg3[%dma_wait3A, %dma_wait3A_59, %dma_wait3A_60] : memref<8x1024x2048xf32, #tpu.memory_space<hbm>> -> memref<1x1024x1024xf32, #tpu.memory_space<hbm>>
    %dma_wait3A_62 = tpu.memref_squeeze %dma_wait3A_61 : memref<1x1024x1024xf32, #tpu.memory_space<hbm>> -> memref<1024x1024xf32, #tpu.memory_space<hbm>>
    tpu.wait_dma2 semaphore(%dma_wait3A_54 : memref<!tpu.dma_semaphore, #tpu.memory_space<semaphore_mem>>) src(%dma_wait3A_62 : memref<1024x1024xf32, #tpu.memory_space<hbm>>) dst(%dma_wait3A_58 : memref<1024x1024xf32, #tpu.memory_space<vmem>>)
    %dma_wait3A_63 = arith.constant 0 : i32
    %dma_wait3A_64 = arith.constant 0 : i32
    %dma_wait3A_65 = arith.constant 1 : i32
    %dma_wait3A_66 = tpu.memref_slice %arg8[%dma_wait3A_65] : memref<4x!tpu.dma_semaphore, #tpu.memory_space<semaphore_mem>> -> memref<1x!tpu.dma_semaphore, #tpu.memory_space<semaphore_mem>>
    %dma_wait3A_67 = tpu.memref_squeeze %dma_wait3A_66 : memref<1x!tpu.dma_semaphore, #tpu.memory_space<semaphore_mem>> -> memref<!tpu.dma_semaphore, #tpu.memory_space<semaphore_mem>>
    %dma_wait3A_68 = arith.constant 0 : i32
    %dma_wait3A_69 = arith.constant 0 : i32
    %dma_wait3A_70 = tpu.memref_slice %arg7[%dma_wait3A_64, %dma_wait3A_68, %dma_wait3A_69] : memref<2x1024x1024xf32, #tpu.memory_space<vmem>> -> memref<1x1024x1024xf32, #tpu.memory_space<vmem>>
    %dma_wait3A_71 = tpu.memref_squeeze %dma_wait3A_70 : memref<1x1024x1024xf32, #tpu.memory_space<vmem>> -> memref<1024x1024xf32, #tpu.memory_space<vmem>>
    %dma_wait3A_72 = arith.constant 0 : i32
    %dma_wait3A_73 = arith.constant 0 : i32
    %dma_wait3A_74 = tpu.memref_slice %arg4[%dma_wait3A_63, %dma_wait3A_72, %dma_wait3A_73] : memref<8x2048x1024xf32, #tpu.memory_space<hbm>> -> memref<1x1024x1024xf32, #tpu.memory_space<hbm>>
    %dma_wait3A_75 = tpu.memref_squeeze %dma_wait3A_74 : memref<1x1024x1024xf32, #tpu.memory_space<hbm>> -> memref<1024x1024xf32, #tpu.memory_space<hbm>>
    tpu.wait_dma2 semaphore(%dma_wait3A_67 : memref<!tpu.dma_semaphore, #tpu.memory_space<semaphore_mem>>) src(%dma_wait3A_75 : memref<1024x1024xf32, #tpu.memory_space<hbm>>) dst(%dma_wait3A_71 : memref<1024x1024xf32, #tpu.memory_space<vmem>>)
    %get3A = arith.constant 0 : index
    %get3A_76 = arith.constant 0 : index
    %get3A_77 = memref.load %arg1[%get3A, %get3A_76] : memref<2x8xi32, #tpu.memory_space<smem>>
    %get3A_78 = arith.constant 1 : index
    %get3A_79 = arith.constant 0 : index
    %get3A_80 = memref.load %arg1[%get3A_78, %get3A_79] : memref<2x8xi32, #tpu.memory_space<smem>>
    %while3A = arith.constant 0 : i32
    %while3A_81 = arith.subi %get3A_80, %get3A_77 : i32
    %while3A_82 = arith.addi %get3A_77, %while3A_81 : i32
    %while3A_83 = arith.constant 1 : i32
    %while3A_84 = arith.divsi %while3A_81, %while3A_83 : i32
    %while3A_85 = arith.muli %while3A_84, %while3A_83 : i32
    %while3A_86 = arith.addi %get3A_77, %while3A_85 : i32
    %while3A_87 = arith.constant 1 : i32
    scf.for %while3A_1068 = %get3A_77 to %while3A_86 step %while3A_87  : i32 {
      %mul3A = arith.constant 128 : i32
      %mul3A_1069 = arith.muli %while3A_1068, %mul3A : i32
      %multiple_of3A = tpu.assume_multiple %mul3A_1069, 128 : i32
      %get3A_1070 = arith.index_cast %multiple_of3A : i32 to index
      %get3A_1071 = arith.constant 0 : index
      %get3A_1072 = vector.load %arg2[%get3A_1070, %get3A_1071] : memref<3072x1024xf32, #tpu.memory_space<vmem>>, vector<128x1024xf32>
      %get3A_1073 = arith.constant 0 : index
      %get3A_1074 = arith.constant 0 : index
      %get3A_1075 = arith.constant 0 : index
      %get3A_1076 = vector.load %arg6[%get3A_1073, %get3A_1074, %get3A_1075] : memref<2x1024x1024xf32, #tpu.memory_space<vmem>>, vector<1x1024x1024xf32>
      %get3A_1077 = vector.shape_cast %get3A_1076 : vector<1x1024x1024xf32> to vector<1024x1024xf32>
      %dot_general3A = arith.constant dense<0.000000e+00> : vector<128x1024xf32>
      %dot_general3A_1078 = tpu.matmul %get3A_1072, %get3A_1077, %dot_general3A {dimension_numbers = #tpu.dot_dimension_numbers<[1], [0], [0], [1], [0, 0, 1, 1], [], []>, transpose_lhs_hint = false} : vector<128x1024xf32>, vector<1024x1024xf32>, vector<128x1024xf32> -> vector<128x1024xf32>
      %max3A = arith.constant 0.000000e+00 : f32
      %max3A_1079 = vector.broadcast %max3A : f32 to vector<128x1024xf32>
      %max3A_1080 = arith.maximumf %dot_general3A_1078, %max3A_1079 : vector<128x1024xf32>
      %get3A_1081 = arith.constant 0 : index
      %get3A_1082 = arith.constant 0 : index
      %get3A_1083 = arith.constant 0 : index
      %get3A_1084 = vector.load %arg7[%get3A_1081, %get3A_1082, %get3A_1083] : memref<2x1024x1024xf32, #tpu.memory_space<vmem>>, vector<1x1024x1024xf32>
      %get3A_1085 = vector.shape_cast %get3A_1084 : vector<1x1024x1024xf32> to vector<1024x1024xf32>
      %dot_general3A_1086 = arith.constant dense<0.000000e+00> : vector<128x1024xf32>
      %dot_general3A_1087 = tpu.matmul %max3A_1080, %get3A_1085, %dot_general3A_1086 {dimension_numbers = #tpu.dot_dimension_numbers<[1], [0], [0], [1], [0, 0, 1, 1], [], []>, transpose_lhs_hint = false} : vector<128x1024xf32>, vector<1024x1024xf32>, vector<128x1024xf32> -> vector<128x1024xf32>
      %swap3A = arith.index_cast %multiple_of3A : i32 to index
      %swap3A_1088 = arith.constant 0 : index
      %swap3A_1089 = vector.load %arg5[%swap3A, %swap3A_1088] : memref<3072x1024xf32, #tpu.memory_space<vmem>>, vector<128x1024xf32>
      tpu.vector_store %arg5[%swap3A, %swap3A_1088], %dot_general3A_1087 {strides = array<i32>} : memref<3072x1024xf32, #tpu.memory_space<vmem>>, vector<128x1024xf32>,
    }
    %while3A_88 = arith.constant 1 : i32
    scf.for %while3A_1068 = %while3A_86 to %while3A_82 step %while3A_88  : i32 {
      %mul3A = arith.constant 128 : i32
      %mul3A_1069 = arith.muli %while3A_1068, %mul3A : i32
      %multiple_of3A = tpu.assume_multiple %mul3A_1069, 128 : i32
      %get3A_1070 = arith.index_cast %multiple_of3A : i32 to index
      %get3A_1071 = arith.constant 0 : index
      %get3A_1072 = vector.load %arg2[%get3A_1070, %get3A_1071] : memref<3072x1024xf32, #tpu.memory_space<vmem>>, vector<128x1024xf32>
      %get3A_1073 = arith.constant 0 : index
      %get3A_1074 = arith.constant 0 : index
      %get3A_1075 = arith.constant 0 : index
      %get3A_1076 = vector.load %arg6[%get3A_1073, %get3A_1074, %get3A_1075] : memref<2x1024x1024xf32, #tpu.memory_space<vmem>>, vector<1x1024x1024xf32>
      %get3A_1077 = vector.shape_cast %get3A_1076 : vector<1x1024x1024xf32> to vector<1024x1024xf32>
      %dot_general3A = arith.constant dense<0.000000e+00> : vector<128x1024xf32>
      %dot_general3A_1078 = tpu.matmul %get3A_1072, %get3A_1077, %dot_general3A {dimension_numbers = #tpu.dot_dimension_numbers<[1], [0], [0], [1], [0, 0, 1, 1], [], []>, transpose_lhs_hint = false} : vector<128x1024xf32>, vector<1024x1024xf32>, vector<128x1024xf32> -> vector<128x1024xf32>
      %max3A = arith.constant 0.000000e+00 : f32
      %max3A_1079 = vector.broadcast %max3A : f32 to vector<128x1024xf32>
      %max3A_1080 = arith.maximumf %dot_general3A_1078, %max3A_1079 : vector<128x1024xf32>
      %get3A_1081 = arith.constant 0 : index
      %get3A_1082 = arith.constant 0 : index
      %get3A_1083 = arith.constant 0 : index
      %get3A_1084 = vector.load %arg7[%get3A_1081, %get3A_1082, %get3A_1083] : memref<2x1024x1024xf32, #tpu.memory_space<vmem>>, vector<1x1024x1024xf32>
      %get3A_1085 = vector.shape_cast %get3A_1084 : vector<1x1024x1024xf32> to vector<1024x1024xf32>
      %dot_general3A_1086 = arith.constant dense<0.000000e+00> : vector<128x1024xf32>
      %dot_general3A_1087 = tpu.matmul %max3A_1080, %get3A_1085, %dot_general3A_1086 {dimension_numbers = #tpu.dot_dimension_numbers<[1], [0], [0], [1], [0, 0, 1, 1], [], []>, transpose_lhs_hint = false} : vector<128x1024xf32>, vector<1024x1024xf32>, vector<128x1024xf32> -> vector<128x1024xf32>
      %swap3A = arith.index_cast %multiple_of3A : i32 to index
      %swap3A_1088 = arith.constant 0 : index
      %swap3A_1089 = vector.load %arg5[%swap3A, %swap3A_1088] : memref<3072x1024xf32, #tpu.memory_space<vmem>>, vector<128x1024xf32>
      tpu.vector_store %arg5[%swap3A, %swap3A_1088], %dot_general3A_1087 {strides = array<i32>} : memref<3072x1024xf32, #tpu.memory_space<vmem>>, vector<128x1024xf32>,
    }
    %dma_start3A_89 = arith.constant 1 : i32
    %dma_start3A_90 = arith.constant 0 : i32
    %dma_start3A_91 = arith.constant 0 : i32
    %dma_start3A_92 = tpu.memref_slice %arg8[%dma_start3A_91] : memref<4x!tpu.dma_semaphore, #tpu.memory_space<semaphore_mem>> -> memref<1x!tpu.dma_semaphore, #tpu.memory_space<semaphore_mem>>
    %dma_start3A_93 = tpu.memref_squeeze %dma_start3A_92 : memref<1x!tpu.dma_semaphore, #tpu.memory_space<semaphore_mem>> -> memref<!tpu.dma_semaphore, #tpu.memory_space<semaphore_mem>>
    %dma_start3A_94 = arith.constant 0 : i32
    %dma_start3A_95 = arith.constant 0 : i32
    %dma_start3A_96 = tpu.memref_slice %arg6[%dma_start3A_90, %dma_start3A_94, %dma_start3A_95] : memref<2x1024x1024xf32, #tpu.memory_space<vmem>> -> memref<1x1024x1024xf32, #tpu.memory_space<vmem>>
    %dma_start3A_97 = tpu.memref_squeeze %dma_start3A_96 : memref<1x1024x1024xf32, #tpu.memory_space<vmem>> -> memref<1024x1024xf32, #tpu.memory_space<vmem>>
    %dma_start3A_98 = arith.constant 0 : i32
    %dma_start3A_99 = arith.constant 0 : i32
    %dma_start3A_100 = tpu.memref_slice %arg3[%dma_start3A_89, %dma_start3A_98, %dma_start3A_99] : memref<8x1024x2048xf32, #tpu.memory_space<hbm>> -> memref<1x1024x1024xf32, #tpu.memory_space<hbm>>
    %dma_start3A_101 = tpu.memref_squeeze %dma_start3A_100 : memref<1x1024x1024xf32, #tpu.memory_space<hbm>> -> memref<1024x1024xf32, #tpu.memory_space<hbm>>
    tpu.enqueue_dma source(%dma_start3A_101 : memref<1024x1024xf32, #tpu.memory_space<hbm>>) target(%dma_start3A_97 : memref<1024x1024xf32, #tpu.memory_space<vmem>>) target_semaphore(%dma_start3A_93 : memref<!tpu.dma_semaphore, #tpu.memory_space<semaphore_mem>>)
    %dma_start3A_102 = arith.constant 1 : i32
    %dma_start3A_103 = arith.constant 0 : i32
    %dma_start3A_104 = arith.constant 1 : i32
    %dma_start3A_105 = tpu.memref_slice %arg8[%dma_start3A_104] : memref<4x!tpu.dma_semaphore, #tpu.memory_space<semaphore_mem>> -> memref<1x!tpu.dma_semaphore, #tpu.memory_space<semaphore_mem>>
    %dma_start3A_106 = tpu.memref_squeeze %dma_start3A_105 : memref<1x!tpu.dma_semaphore, #tpu.memory_space<semaphore_mem>> -> memref<!tpu.dma_semaphore, #tpu.memory_space<semaphore_mem>>
    %dma_start3A_107 = arith.constant 0 : i32
    %dma_start3A_108 = arith.constant 0 : i32
    %dma_start3A_109 = tpu.memref_slice %arg7[%dma_start3A_103, %dma_start3A_107, %dma_start3A_108] : memref<2x1024x1024xf32, #tpu.memory_space<vmem>> -> memref<1x1024x1024xf32, #tpu.memory_space<vmem>>
    %dma_start3A_110 = tpu.memref_squeeze %dma_start3A_109 : memref<1x1024x1024xf32, #tpu.memory_space<vmem>> -> memref<1024x1024xf32, #tpu.memory_space<vmem>>
    %dma_start3A_111 = arith.constant 0 : i32
    %dma_start3A_112 = arith.constant 0 : i32
    %dma_start3A_113 = tpu.memref_slice %arg4[%dma_start3A_102, %dma_start3A_111, %dma_start3A_112] : memref<8x2048x1024xf32, #tpu.memory_space<hbm>> -> memref<1x1024x1024xf32, #tpu.memory_space<hbm>>
    %dma_start3A_114 = tpu.memref_squeeze %dma_start3A_113 : memref<1x1024x1024xf32, #tpu.memory_space<hbm>> -> memref<1024x1024xf32, #tpu.memory_space<hbm>>
    tpu.enqueue_dma source(%dma_start3A_114 : memref<1024x1024xf32, #tpu.memory_space<hbm>>) target(%dma_start3A_110 : memref<1024x1024xf32, #tpu.memory_space<vmem>>) target_semaphore(%dma_start3A_106 : memref<!tpu.dma_semaphore, #tpu.memory_space<semaphore_mem>>)
    %dma_wait3A_115 = arith.constant 0 : i32
    %dma_wait3A_116 = arith.constant 1 : i32
    %dma_wait3A_117 = arith.constant 2 : i32
    %dma_wait3A_118 = tpu.memref_slice %arg8[%dma_wait3A_117] : memref<4x!tpu.dma_semaphore, #tpu.memory_space<semaphore_mem>> -> memref<1x!tpu.dma_semaphore, #tpu.memory_space<semaphore_mem>>
    %dma_wait3A_119 = tpu.memref_squeeze %dma_wait3A_118 : memref<1x!tpu.dma_semaphore, #tpu.memory_space<semaphore_mem>> -> memref<!tpu.dma_semaphore, #tpu.memory_space<semaphore_mem>>
    %dma_wait3A_120 = arith.constant 0 : i32
    %dma_wait3A_121 = arith.constant 0 : i32
    %dma_wait3A_122 = tpu.memref_slice %arg6[%dma_wait3A_116, %dma_wait3A_120, %dma_wait3A_121] : memref<2x1024x1024xf32, #tpu.memory_space<vmem>> -> memref<1x1024x1024xf32, #tpu.memory_space<vmem>>
    %dma_wait3A_123 = tpu.memref_squeeze %dma_wait3A_122 : memref<1x1024x1024xf32, #tpu.memory_space<vmem>> -> memref<1024x1024xf32, #tpu.memory_space<vmem>>
    %dma_wait3A_124 = arith.constant 0 : i32
    %dma_wait3A_125 = arith.constant 1024 : i32
    %dma_wait3A_126 = tpu.memref_slice %arg3[%dma_wait3A_115, %dma_wait3A_124, %dma_wait3A_125] : memref<8x1024x2048xf32, #tpu.memory_space<hbm>> -> memref<1x1024x1024xf32, #tpu.memory_space<hbm>>
    %dma_wait3A_127 = tpu.memref_squeeze %dma_wait3A_126 : memref<1x1024x1024xf32, #tpu.memory_space<hbm>> -> memref<1024x1024xf32, #tpu.memory_space<hbm>>
    tpu.wait_dma2 semaphore(%dma_wait3A_119 : memref<!tpu.dma_semaphore, #tpu.memory_space<semaphore_mem>>) src(%dma_wait3A_127 : memref<1024x1024xf32, #tpu.memory_space<hbm>>) dst(%dma_wait3A_123 : memref<1024x1024xf32, #tpu.memory_space<vmem>>)
    %dma_wait3A_128 = arith.constant 0 : i32
    %dma_wait3A_129 = arith.constant 1 : i32
    %dma_wait3A_130 = arith.constant 3 : i32
    %dma_wait3A_131 = tpu.memref_slice %arg8[%dma_wait3A_130] : memref<4x!tpu.dma_semaphore, #tpu.memory_space<semaphore_mem>> -> memref<1x!tpu.dma_semaphore, #tpu.memory_space<semaphore_mem>>
    %dma_wait3A_132 = tpu.memref_squeeze %dma_wait3A_131 : memref<1x!tpu.dma_semaphore, #tpu.memory_space<semaphore_mem>> -> memref<!tpu.dma_semaphore, #tpu.memory_space<semaphore_mem>>
    %dma_wait3A_133 = arith.constant 0 : i32
    %dma_wait3A_134 = arith.constant 0 : i32
    %dma_wait3A_135 = tpu.memref_slice %arg7[%dma_wait3A_129, %dma_wait3A_133, %dma_wait3A_134] : memref<2x1024x1024xf32, #tpu.memory_space<vmem>> -> memref<1x1024x1024xf32, #tpu.memory_space<vmem>>
    %dma_wait3A_136 = tpu.memref_squeeze %dma_wait3A_135 : memref<1x1024x1024xf32, #tpu.memory_space<vmem>> -> memref<1024x1024xf32, #tpu.memory_space<vmem>>
    %dma_wait3A_137 = arith.constant 1024 : i32
    %dma_wait3A_138 = arith.constant 0 : i32
    %dma_wait3A_139 = tpu.memref_slice %arg4[%dma_wait3A_128, %dma_wait3A_137, %dma_wait3A_138] : memref<8x2048x1024xf32, #tpu.memory_space<hbm>> -> memref<1x1024x1024xf32, #tpu.memory_space<hbm>>
    %dma_wait3A_140 = tpu.memref_squeeze %dma_wait3A_139 : memref<1x1024x1024xf32, #tpu.memory_space<hbm>> -> memref<1024x1024xf32, #tpu.memory_space<hbm>>
    tpu.wait_dma2 semaphore(%dma_wait3A_132 : memref<!tpu.dma_semaphore, #tpu.memory_space<semaphore_mem>>) src(%dma_wait3A_140 : memref<1024x1024xf32, #tpu.memory_space<hbm>>) dst(%dma_wait3A_136 : memref<1024x1024xf32, #tpu.memory_space<vmem>>)
    %get3A_141 = arith.constant 0 : index
    %get3A_142 = arith.constant 0 : index
    %get3A_143 = memref.load %arg1[%get3A_141, %get3A_142] : memref<2x8xi32, #tpu.memory_space<smem>>
    %get3A_144 = arith.constant 1 : index
    %get3A_145 = arith.constant 0 : index
    %get3A_146 = memref.load %arg1[%get3A_144, %get3A_145] : memref<2x8xi32, #tpu.memory_space<smem>>
    %while3A_147 = arith.constant 0 : i32
    %while3A_148 = arith.subi %get3A_146, %get3A_143 : i32
    %while3A_149 = arith.addi %get3A_143, %while3A_148 : i32
    %while3A_150 = arith.constant 1 : i32
    %while3A_151 = arith.divsi %while3A_148, %while3A_150 : i32
    %while3A_152 = arith.muli %while3A_151, %while3A_150 : i32
    %while3A_153 = arith.addi %get3A_143, %while3A_152 : i32
    %while3A_154 = arith.constant 1 : i32
    scf.for %while3A_1068 = %get3A_143 to %while3A_153 step %while3A_154  : i32 {
      %mul3A = arith.constant 128 : i32
      %mul3A_1069 = arith.muli %while3A_1068, %mul3A : i32
      %multiple_of3A = tpu.assume_multiple %mul3A_1069, 128 : i32
      %get3A_1070 = arith.index_cast %multiple_of3A : i32 to index
      %get3A_1071 = arith.constant 0 : index
      %get3A_1072 = vector.load %arg2[%get3A_1070, %get3A_1071] : memref<3072x1024xf32, #tpu.memory_space<vmem>>, vector<128x1024xf32>
      %get3A_1073 = arith.constant 1 : index
      %get3A_1074 = arith.constant 0 : index
      %get3A_1075 = arith.constant 0 : index
      %get3A_1076 = vector.load %arg6[%get3A_1073, %get3A_1074, %get3A_1075] : memref<2x1024x1024xf32, #tpu.memory_space<vmem>>, vector<1x1024x1024xf32>
      %get3A_1077 = vector.shape_cast %get3A_1076 : vector<1x1024x1024xf32> to vector<1024x1024xf32>
      %dot_general3A = arith.constant dense<0.000000e+00> : vector<128x1024xf32>
      %dot_general3A_1078 = tpu.matmul %get3A_1072, %get3A_1077, %dot_general3A {dimension_numbers = #tpu.dot_dimension_numbers<[1], [0], [0], [1], [0, 0, 1, 1], [], []>, transpose_lhs_hint = false} : vector<128x1024xf32>, vector<1024x1024xf32>, vector<128x1024xf32> -> vector<128x1024xf32>
      %max3A = arith.constant 0.000000e+00 : f32
      %max3A_1079 = vector.broadcast %max3A : f32 to vector<128x1024xf32>
      %max3A_1080 = arith.maximumf %dot_general3A_1078, %max3A_1079 : vector<128x1024xf32>
      %get3A_1081 = arith.constant 1 : index
      %get3A_1082 = arith.constant 0 : index
      %get3A_1083 = arith.constant 0 : index
      %get3A_1084 = vector.load %arg7[%get3A_1081, %get3A_1082, %get3A_1083] : memref<2x1024x1024xf32, #tpu.memory_space<vmem>>, vector<1x1024x1024xf32>
      %get3A_1085 = vector.shape_cast %get3A_1084 : vector<1x1024x1024xf32> to vector<1024x1024xf32>
      %dot_general3A_1086 = arith.constant dense<0.000000e+00> : vector<128x1024xf32>
      %dot_general3A_1087 = tpu.matmul %max3A_1080, %get3A_1085, %dot_general3A_1086 {dimension_numbers = #tpu.dot_dimension_numbers<[1], [0], [0], [1], [0, 0, 1, 1], [], []>, transpose_lhs_hint = false} : vector<128x1024xf32>, vector<1024x1024xf32>, vector<128x1024xf32> -> vector<128x1024xf32>
      %get3A_1088 = arith.index_cast %multiple_of3A : i32 to index
      %get3A_1089 = arith.constant 0 : index
      %get3A_1090 = vector.load %arg5[%get3A_1088, %get3A_1089] : memref<3072x1024xf32, #tpu.memory_space<vmem>>, vector<128x1024xf32>
      %add3A = arith.addf %get3A_1090, %dot_general3A_1087 : vector<128x1024xf32>
      %swap3A = arith.index_cast %multiple_of3A : i32 to index
      %swap3A_1091 = arith.constant 0 : index
      %swap3A_1092 = vector.load %arg5[%swap3A, %swap3A_1091] : memref<3072x1024xf32, #tpu.memory_space<vmem>>, vector<128x1024xf32>
      tpu.vector_store %arg5[%swap3A, %swap3A_1091], %add3A {strides = array<i32>} : memref<3072x1024xf32, #tpu.memory_space<vmem>>, vector<128x1024xf32>,
    }
    %while3A_155 = arith.constant 1 : i32
    scf.for %while3A_1068 = %while3A_153 to %while3A_149 step %while3A_155  : i32 {
      %mul3A = arith.constant 128 : i32
      %mul3A_1069 = arith.muli %while3A_1068, %mul3A : i32
      %multiple_of3A = tpu.assume_multiple %mul3A_1069, 128 : i32
      %get3A_1070 = arith.index_cast %multiple_of3A : i32 to index
      %get3A_1071 = arith.constant 0 : index
      %get3A_1072 = vector.load %arg2[%get3A_1070, %get3A_1071] : memref<3072x1024xf32, #tpu.memory_space<vmem>>, vector<128x1024xf32>
      %get3A_1073 = arith.constant 1 : index
      %get3A_1074 = arith.constant 0 : index
      %get3A_1075 = arith.constant 0 : index
      %get3A_1076 = vector.load %arg6[%get3A_1073, %get3A_1074, %get3A_1075] : memref<2x1024x1024xf32, #tpu.memory_space<vmem>>, vector<1x1024x1024xf32>
      %get3A_1077 = vector.shape_cast %get3A_1076 : vector<1x1024x1024xf32> to vector<1024x1024xf32>
      %dot_general3A = arith.constant dense<0.000000e+00> : vector<128x1024xf32>
      %dot_general3A_1078 = tpu.matmul %get3A_1072, %get3A_1077, %dot_general3A {dimension_numbers = #tpu.dot_dimension_numbers<[1], [0], [0], [1], [0, 0, 1, 1], [], []>, transpose_lhs_hint = false} : vector<128x1024xf32>, vector<1024x1024xf32>, vector<128x1024xf32> -> vector<128x1024xf32>
      %max3A = arith.constant 0.000000e+00 : f32
      %max3A_1079 = vector.broadcast %max3A : f32 to vector<128x1024xf32>
      %max3A_1080 = arith.maximumf %dot_general3A_1078, %max3A_1079 : vector<128x1024xf32>
      %get3A_1081 = arith.constant 1 : index
      %get3A_1082 = arith.constant 0 : index
      %get3A_1083 = arith.constant 0 : index
      %get3A_1084 = vector.load %arg7[%get3A_1081, %get3A_1082, %get3A_1083] : memref<2x1024x1024xf32, #tpu.memory_space<vmem>>, vector<1x1024x1024xf32>
      %get3A_1085 = vector.shape_cast %get3A_1084 : vector<1x1024x1024xf32> to vector<1024x1024xf32>
      %dot_general3A_1086 = arith.constant dense<0.000000e+00> : vector<128x1024xf32>
      %dot_general3A_1087 = tpu.matmul %max3A_1080, %get3A_1085, %dot_general3A_1086 {dimension_numbers = #tpu.dot_dimension_numbers<[1], [0], [0], [1], [0, 0, 1, 1], [], []>, transpose_lhs_hint = false} : vector<128x1024xf32>, vector<1024x1024xf32>, vector<128x1024xf32> -> vector<128x1024xf32>
      %get3A_1088 = arith.index_cast %multiple_of3A : i32 to index
      %get3A_1089 = arith.constant 0 : index
      %get3A_1090 = vector.load %arg5[%get3A_1088, %get3A_1089] : memref<3072x1024xf32, #tpu.memory_space<vmem>>, vector<128x1024xf32>
      %add3A = arith.addf %get3A_1090, %dot_general3A_1087 : vector<128x1024xf32>
      %swap3A = arith.index_cast %multiple_of3A : i32 to index
      %swap3A_1091 = arith.constant 0 : index
      %swap3A_1092 = vector.load %arg5[%swap3A, %swap3A_1091] : memref<3072x1024xf32, #tpu.memory_space<vmem>>, vector<128x1024xf32>
      tpu.vector_store %arg5[%swap3A, %swap3A_1091], %add3A {strides = array<i32>} : memref<3072x1024xf32, #tpu.memory_space<vmem>>, vector<128x1024xf32>,
    }
    %dma_start3A_156 = arith.constant 1 : i32
    %dma_start3A_157 = arith.constant 1 : i32
    %dma_start3A_158 = arith.constant 2 : i32
    %dma_start3A_159 = tpu.memref_slice %arg8[%dma_start3A_158] : memref<4x!tpu.dma_semaphore, #tpu.memory_space<semaphore_mem>> -> memref<1x!tpu.dma_semaphore, #tpu.memory_space<semaphore_mem>>
    %dma_start3A_160 = tpu.memref_squeeze %dma_start3A_159 : memref<1x!tpu.dma_semaphore, #tpu.memory_space<semaphore_mem>> -> memref<!tpu.dma_semaphore, #tpu.memory_space<semaphore_mem>>
    %dma_start3A_161 = arith.constant 0 : i32
    %dma_start3A_162 = arith.constant 0 : i32
    %dma_start3A_163 = tpu.memref_slice %arg6[%dma_start3A_157, %dma_start3A_161, %dma_start3A_162] : memref<2x1024x1024xf32, #tpu.memory_space<vmem>> -> memref<1x1024x1024xf32, #tpu.memory_space<vmem>>
    %dma_start3A_164 = tpu.memref_squeeze %dma_start3A_163 : memref<1x1024x1024xf32, #tpu.memory_space<vmem>> -> memref<1024x1024xf32, #tpu.memory_space<vmem>>
    %dma_start3A_165 = arith.constant 0 : i32
    %dma_start3A_166 = arith.constant 1024 : i32
    %dma_start3A_167 = tpu.memref_slice %arg3[%dma_start3A_156, %dma_start3A_165, %dma_start3A_166] : memref<8x1024x2048xf32, #tpu.memory_space<hbm>> -> memref<1x1024x1024xf32, #tpu.memory_space<hbm>>
    %dma_start3A_168 = tpu.memref_squeeze %dma_start3A_167 : memref<1x1024x1024xf32, #tpu.memory_space<hbm>> -> memref<1024x1024xf32, #tpu.memory_space<hbm>>
    tpu.enqueue_dma source(%dma_start3A_168 : memref<1024x1024xf32, #tpu.memory_space<hbm>>) target(%dma_start3A_164 : memref<1024x1024xf32, #tpu.memory_space<vmem>>) target_semaphore(%dma_start3A_160 : memref<!tpu.dma_semaphore, #tpu.memory_space<semaphore_mem>>)
    %dma_start3A_169 = arith.constant 1 : i32
    %dma_start3A_170 = arith.constant 1 : i32
    %dma_start3A_171 = arith.constant 3 : i32
    %dma_start3A_172 = tpu.memref_slice %arg8[%dma_start3A_171] : memref<4x!tpu.dma_semaphore, #tpu.memory_space<semaphore_mem>> -> memref<1x!tpu.dma_semaphore, #tpu.memory_space<semaphore_mem>>
    %dma_start3A_173 = tpu.memref_squeeze %dma_start3A_172 : memref<1x!tpu.dma_semaphore, #tpu.memory_space<semaphore_mem>> -> memref<!tpu.dma_semaphore, #tpu.memory_space<semaphore_mem>>
    %dma_start3A_174 = arith.constant 0 : i32
    %dma_start3A_175 = arith.constant 0 : i32
    %dma_start3A_176 = tpu.memref_slice %arg7[%dma_start3A_170, %dma_start3A_174, %dma_start3A_175] : memref<2x1024x1024xf32, #tpu.memory_space<vmem>> -> memref<1x1024x1024xf32, #tpu.memory_space<vmem>>
    %dma_start3A_177 = tpu.memref_squeeze %dma_start3A_176 : memref<1x1024x1024xf32, #tpu.memory_space<vmem>> -> memref<1024x1024xf32, #tpu.memory_space<vmem>>
    %dma_start3A_178 = arith.constant 1024 : i32
    %dma_start3A_179 = arith.constant 0 : i32
    %dma_start3A_180 = tpu.memref_slice %arg4[%dma_start3A_169, %dma_start3A_178, %dma_start3A_179] : memref<8x2048x1024xf32, #tpu.memory_space<hbm>> -> memref<1x1024x1024xf32, #tpu.memory_space<hbm>>
    %dma_start3A_181 = tpu.memref_squeeze %dma_start3A_180 : memref<1x1024x1024xf32, #tpu.memory_space<hbm>> -> memref<1024x1024xf32, #tpu.memory_space<hbm>>
    tpu.enqueue_dma source(%dma_start3A_181 : memref<1024x1024xf32, #tpu.memory_space<hbm>>) target(%dma_start3A_177 : memref<1024x1024xf32, #tpu.memory_space<vmem>>) target_semaphore(%dma_start3A_173 : memref<!tpu.dma_semaphore, #tpu.memory_space<semaphore_mem>>)
    %dma_wait3A_182 = arith.constant 1 : i32
    %dma_wait3A_183 = arith.constant 0 : i32
    %dma_wait3A_184 = arith.constant 0 : i32
    %dma_wait3A_185 = tpu.memref_slice %arg8[%dma_wait3A_184] : memref<4x!tpu.dma_semaphore, #tpu.memory_space<semaphore_mem>> -> memref<1x!tpu.dma_semaphore, #tpu.memory_space<semaphore_mem>>
    %dma_wait3A_186 = tpu.memref_squeeze %dma_wait3A_185 : memref<1x!tpu.dma_semaphore, #tpu.memory_space<semaphore_mem>> -> memref<!tpu.dma_semaphore, #tpu.memory_space<semaphore_mem>>
    %dma_wait3A_187 = arith.constant 0 : i32
    %dma_wait3A_188 = arith.constant 0 : i32
    %dma_wait3A_189 = tpu.memref_slice %arg6[%dma_wait3A_183, %dma_wait3A_187, %dma_wait3A_188] : memref<2x1024x1024xf32, #tpu.memory_space<vmem>> -> memref<1x1024x1024xf32, #tpu.memory_space<vmem>>
    %dma_wait3A_190 = tpu.memref_squeeze %dma_wait3A_189 : memref<1x1024x1024xf32, #tpu.memory_space<vmem>> -> memref<1024x1024xf32, #tpu.memory_space<vmem>>
    %dma_wait3A_191 = arith.constant 0 : i32
    %dma_wait3A_192 = arith.constant 0 : i32
    %dma_wait3A_193 = tpu.memref_slice %arg3[%dma_wait3A_182, %dma_wait3A_191, %dma_wait3A_192] : memref<8x1024x2048xf32, #tpu.memory_space<hbm>> -> memref<1x1024x1024xf32, #tpu.memory_space<hbm>>
    %dma_wait3A_194 = tpu.memref_squeeze %dma_wait3A_193 : memref<1x1024x1024xf32, #tpu.memory_space<hbm>> -> memref<1024x1024xf32, #tpu.memory_space<hbm>>
    tpu.wait_dma2 semaphore(%dma_wait3A_186 : memref<!tpu.dma_semaphore, #tpu.memory_space<semaphore_mem>>) src(%dma_wait3A_194 : memref<1024x1024xf32, #tpu.memory_space<hbm>>) dst(%dma_wait3A_190 : memref<1024x1024xf32, #tpu.memory_space<vmem>>)
    %dma_wait3A_195 = arith.constant 1 : i32
    %dma_wait3A_196 = arith.constant 0 : i32
    %dma_wait3A_197 = arith.constant 1 : i32
    %dma_wait3A_198 = tpu.memref_slice %arg8[%dma_wait3A_197] : memref<4x!tpu.dma_semaphore, #tpu.memory_space<semaphore_mem>> -> memref<1x!tpu.dma_semaphore, #tpu.memory_space<semaphore_mem>>
    %dma_wait3A_199 = tpu.memref_squeeze %dma_wait3A_198 : memref<1x!tpu.dma_semaphore, #tpu.memory_space<semaphore_mem>> -> memref<!tpu.dma_semaphore, #tpu.memory_space<semaphore_mem>>
    %dma_wait3A_200 = arith.constant 0 : i32
    %dma_wait3A_201 = arith.constant 0 : i32
    %dma_wait3A_202 = tpu.memref_slice %arg7[%dma_wait3A_196, %dma_wait3A_200, %dma_wait3A_201] : memref<2x1024x1024xf32, #tpu.memory_space<vmem>> -> memref<1x1024x1024xf32, #tpu.memory_space<vmem>>
    %dma_wait3A_203 = tpu.memref_squeeze %dma_wait3A_202 : memref<1x1024x1024xf32, #tpu.memory_space<vmem>> -> memref<1024x1024xf32, #tpu.memory_space<vmem>>
    %dma_wait3A_204 = arith.constant 0 : i32
    %dma_wait3A_205 = arith.constant 0 : i32
    %dma_wait3A_206 = tpu.memref_slice %arg4[%dma_wait3A_195, %dma_wait3A_204, %dma_wait3A_205] : memref<8x2048x1024xf32, #tpu.memory_space<hbm>> -> memref<1x1024x1024xf32, #tpu.memory_space<hbm>>
    %dma_wait3A_207 = tpu.memref_squeeze %dma_wait3A_206 : memref<1x1024x1024xf32, #tpu.memory_space<hbm>> -> memref<1024x1024xf32, #tpu.memory_space<hbm>>
    tpu.wait_dma2 semaphore(%dma_wait3A_199 : memref<!tpu.dma_semaphore, #tpu.memory_space<semaphore_mem>>) src(%dma_wait3A_207 : memref<1024x1024xf32, #tpu.memory_space<hbm>>) dst(%dma_wait3A_203 : memref<1024x1024xf32, #tpu.memory_space<vmem>>)
    %get3A_208 = arith.constant 0 : index
    %get3A_209 = arith.constant 1 : index
    %get3A_210 = memref.load %arg1[%get3A_208, %get3A_209] : memref<2x8xi32, #tpu.memory_space<smem>>
    %get3A_211 = arith.constant 1 : index
    %get3A_212 = arith.constant 1 : index
    %get3A_213 = memref.load %arg1[%get3A_211, %get3A_212] : memref<2x8xi32, #tpu.memory_space<smem>>
    %while3A_214 = arith.constant 0 : i32
    %while3A_215 = arith.subi %get3A_213, %get3A_210 : i32
    %while3A_216 = arith.addi %get3A_210, %while3A_215 : i32
    %while3A_217 = arith.constant 1 : i32
    %while3A_218 = arith.divsi %while3A_215, %while3A_217 : i32
    %while3A_219 = arith.muli %while3A_218, %while3A_217 : i32
    %while3A_220 = arith.addi %get3A_210, %while3A_219 : i32
    %while3A_221 = arith.constant 1 : i32
    scf.for %while3A_1068 = %get3A_210 to %while3A_220 step %while3A_221  : i32 {
      %mul3A = arith.constant 128 : i32
      %mul3A_1069 = arith.muli %while3A_1068, %mul3A : i32
      %multiple_of3A = tpu.assume_multiple %mul3A_1069, 128 : i32
      %get3A_1070 = arith.index_cast %multiple_of3A : i32 to index
      %get3A_1071 = arith.constant 0 : index
      %get3A_1072 = vector.load %arg2[%get3A_1070, %get3A_1071] : memref<3072x1024xf32, #tpu.memory_space<vmem>>, vector<128x1024xf32>
      %get3A_1073 = arith.constant 0 : index
      %get3A_1074 = arith.constant 0 : index
      %get3A_1075 = arith.constant 0 : index
      %get3A_1076 = vector.load %arg6[%get3A_1073, %get3A_1074, %get3A_1075] : memref<2x1024x1024xf32, #tpu.memory_space<vmem>>, vector<1x1024x1024xf32>
      %get3A_1077 = vector.shape_cast %get3A_1076 : vector<1x1024x1024xf32> to vector<1024x1024xf32>
      %dot_general3A = arith.constant dense<0.000000e+00> : vector<128x1024xf32>
      %dot_general3A_1078 = tpu.matmul %get3A_1072, %get3A_1077, %dot_general3A {dimension_numbers = #tpu.dot_dimension_numbers<[1], [0], [0], [1], [0, 0, 1, 1], [], []>, transpose_lhs_hint = false} : vector<128x1024xf32>, vector<1024x1024xf32>, vector<128x1024xf32> -> vector<128x1024xf32>
      %max3A = arith.constant 0.000000e+00 : f32
      %max3A_1079 = vector.broadcast %max3A : f32 to vector<128x1024xf32>
      %max3A_1080 = arith.maximumf %dot_general3A_1078, %max3A_1079 : vector<128x1024xf32>
      %get3A_1081 = arith.constant 0 : index
      %get3A_1082 = arith.constant 0 : index
      %get3A_1083 = arith.constant 0 : index
      %get3A_1084 = vector.load %arg7[%get3A_1081, %get3A_1082, %get3A_1083] : memref<2x1024x1024xf32, #tpu.memory_space<vmem>>, vector<1x1024x1024xf32>
      %get3A_1085 = vector.shape_cast %get3A_1084 : vector<1x1024x1024xf32> to vector<1024x1024xf32>
      %dot_general3A_1086 = arith.constant dense<0.000000e+00> : vector<128x1024xf32>
      %dot_general3A_1087 = tpu.matmul %max3A_1080, %get3A_1085, %dot_general3A_1086 {dimension_numbers = #tpu.dot_dimension_numbers<[1], [0], [0], [1], [0, 0, 1, 1], [], []>, transpose_lhs_hint = false} : vector<128x1024xf32>, vector<1024x1024xf32>, vector<128x1024xf32> -> vector<128x1024xf32>
      %swap3A = arith.index_cast %multiple_of3A : i32 to index
      %swap3A_1088 = arith.constant 0 : index
      %swap3A_1089 = vector.load %arg5[%swap3A, %swap3A_1088] : memref<3072x1024xf32, #tpu.memory_space<vmem>>, vector<128x1024xf32>
      tpu.vector_store %arg5[%swap3A, %swap3A_1088], %dot_general3A_1087 {strides = array<i32>} : memref<3072x1024xf32, #tpu.memory_space<vmem>>, vector<128x1024xf32>,
    }
    %while3A_222 = arith.constant 1 : i32
    scf.for %while3A_1068 = %while3A_220 to %while3A_216 step %while3A_222  : i32 {
      %mul3A = arith.constant 128 : i32
      %mul3A_1069 = arith.muli %while3A_1068, %mul3A : i32
      %multiple_of3A = tpu.assume_multiple %mul3A_1069, 128 : i32
      %get3A_1070 = arith.index_cast %multiple_of3A : i32 to index
      %get3A_1071 = arith.constant 0 : index
      %get3A_1072 = vector.load %arg2[%get3A_1070, %get3A_1071] : memref<3072x1024xf32, #tpu.memory_space<vmem>>, vector<128x1024xf32>
      %get3A_1073 = arith.constant 0 : index
      %get3A_1074 = arith.constant 0 : index
      %get3A_1075 = arith.constant 0 : index
      %get3A_1076 = vector.load %arg6[%get3A_1073, %get3A_1074, %get3A_1075] : memref<2x1024x1024xf32, #tpu.memory_space<vmem>>, vector<1x1024x1024xf32>
      %get3A_1077 = vector.shape_cast %get3A_1076 : vector<1x1024x1024xf32> to vector<1024x1024xf32>
      %dot_general3A = arith.constant dense<0.000000e+00> : vector<128x1024xf32>
      %dot_general3A_1078 = tpu.matmul %get3A_1072, %get3A_1077, %dot_general3A {dimension_numbers = #tpu.dot_dimension_numbers<[1], [0], [0], [1], [0, 0, 1, 1], [], []>, transpose_lhs_hint = false} : vector<128x1024xf32>, vector<1024x1024xf32>, vector<128x1024xf32> -> vector<128x1024xf32>
      %max3A = arith.constant 0.000000e+00 : f32
      %max3A_1079 = vector.broadcast %max3A : f32 to vector<128x1024xf32>
      %max3A_1080 = arith.maximumf %dot_general3A_1078, %max3A_1079 : vector<128x1024xf32>
      %get3A_1081 = arith.constant 0 : index
      %get3A_1082 = arith.constant 0 : index
      %get3A_1083 = arith.constant 0 : index
      %get3A_1084 = vector.load %arg7[%get3A_1081, %get3A_1082, %get3A_1083] : memref<2x1024x1024xf32, #tpu.memory_space<vmem>>, vector<1x1024x1024xf32>
      %get3A_1085 = vector.shape_cast %get3A_1084 : vector<1x1024x1024xf32> to vector<1024x1024xf32>
      %dot_general3A_1086 = arith.constant dense<0.000000e+00> : vector<128x1024xf32>
      %dot_general3A_1087 = tpu.matmul %max3A_1080, %get3A_1085, %dot_general3A_1086 {dimension_numbers = #tpu.dot_dimension_numbers<[1], [0], [0], [1], [0, 0, 1, 1], [], []>, transpose_lhs_hint = false} : vector<128x1024xf32>, vector<1024x1024xf32>, vector<128x1024xf32> -> vector<128x1024xf32>
      %swap3A = arith.index_cast %multiple_of3A : i32 to index
      %swap3A_1088 = arith.constant 0 : index
      %swap3A_1089 = vector.load %arg5[%swap3A, %swap3A_1088] : memref<3072x1024xf32, #tpu.memory_space<vmem>>, vector<128x1024xf32>
      tpu.vector_store %arg5[%swap3A, %swap3A_1088], %dot_general3A_1087 {strides = array<i32>} : memref<3072x1024xf32, #tpu.memory_space<vmem>>, vector<128x1024xf32>,
    }
    %dma_start3A_223 = arith.constant 2 : i32
    %dma_start3A_224 = arith.constant 0 : i32
    %dma_start3A_225 = arith.constant 0 : i32
    %dma_start3A_226 = tpu.memref_slice %arg8[%dma_start3A_225] : memref<4x!tpu.dma_semaphore, #tpu.memory_space<semaphore_mem>> -> memref<1x!tpu.dma_semaphore, #tpu.memory_space<semaphore_mem>>
    %dma_start3A_227 = tpu.memref_squeeze %dma_start3A_226 : memref<1x!tpu.dma_semaphore, #tpu.memory_space<semaphore_mem>> -> memref<!tpu.dma_semaphore, #tpu.memory_space<semaphore_mem>>
    %dma_start3A_228 = arith.constant 0 : i32
    %dma_start3A_229 = arith.constant 0 : i32
    %dma_start3A_230 = tpu.memref_slice %arg6[%dma_start3A_224, %dma_start3A_228, %dma_start3A_229] : memref<2x1024x1024xf32, #tpu.memory_space<vmem>> -> memref<1x1024x1024xf32, #tpu.memory_space<vmem>>
    %dma_start3A_231 = tpu.memref_squeeze %dma_start3A_230 : memref<1x1024x1024xf32, #tpu.memory_space<vmem>> -> memref<1024x1024xf32, #tpu.memory_space<vmem>>
    %dma_start3A_232 = arith.constant 0 : i32
    %dma_start3A_233 = arith.constant 0 : i32
    %dma_start3A_234 = tpu.memref_slice %arg3[%dma_start3A_223, %dma_start3A_232, %dma_start3A_233] : memref<8x1024x2048xf32, #tpu.memory_space<hbm>> -> memref<1x1024x1024xf32, #tpu.memory_space<hbm>>
    %dma_start3A_235 = tpu.memref_squeeze %dma_start3A_234 : memref<1x1024x1024xf32, #tpu.memory_space<hbm>> -> memref<1024x1024xf32, #tpu.memory_space<hbm>>
    tpu.enqueue_dma source(%dma_start3A_235 : memref<1024x1024xf32, #tpu.memory_space<hbm>>) target(%dma_start3A_231 : memref<1024x1024xf32, #tpu.memory_space<vmem>>) target_semaphore(%dma_start3A_227 : memref<!tpu.dma_semaphore, #tpu.memory_space<semaphore_mem>>)
    %dma_start3A_236 = arith.constant 2 : i32
    %dma_start3A_237 = arith.constant 0 : i32
    %dma_start3A_238 = arith.constant 1 : i32
    %dma_start3A_239 = tpu.memref_slice %arg8[%dma_start3A_238] : memref<4x!tpu.dma_semaphore, #tpu.memory_space<semaphore_mem>> -> memref<1x!tpu.dma_semaphore, #tpu.memory_space<semaphore_mem>>
    %dma_start3A_240 = tpu.memref_squeeze %dma_start3A_239 : memref<1x!tpu.dma_semaphore, #tpu.memory_space<semaphore_mem>> -> memref<!tpu.dma_semaphore, #tpu.memory_space<semaphore_mem>>
    %dma_start3A_241 = arith.constant 0 : i32
    %dma_start3A_242 = arith.constant 0 : i32
    %dma_start3A_243 = tpu.memref_slice %arg7[%dma_start3A_237, %dma_start3A_241, %dma_start3A_242] : memref<2x1024x1024xf32, #tpu.memory_space<vmem>> -> memref<1x1024x1024xf32, #tpu.memory_space<vmem>>
    %dma_start3A_244 = tpu.memref_squeeze %dma_start3A_243 : memref<1x1024x1024xf32, #tpu.memory_space<vmem>> -> memref<1024x1024xf32, #tpu.memory_space<vmem>>
    %dma_start3A_245 = arith.constant 0 : i32
    %dma_start3A_246 = arith.constant 0 : i32
    %dma_start3A_247 = tpu.memref_slice %arg4[%dma_start3A_236, %dma_start3A_245, %dma_start3A_246] : memref<8x2048x1024xf32, #tpu.memory_space<hbm>> -> memref<1x1024x1024xf32, #tpu.memory_space<hbm>>
    %dma_start3A_248 = tpu.memref_squeeze %dma_start3A_247 : memref<1x1024x1024xf32, #tpu.memory_space<hbm>> -> memref<1024x1024xf32, #tpu.memory_space<hbm>>
    tpu.enqueue_dma source(%dma_start3A_248 : memref<1024x1024xf32, #tpu.memory_space<hbm>>) target(%dma_start3A_244 : memref<1024x1024xf32, #tpu.memory_space<vmem>>) target_semaphore(%dma_start3A_240 : memref<!tpu.dma_semaphore, #tpu.memory_space<semaphore_mem>>)
    %dma_wait3A_249 = arith.constant 1 : i32
    %dma_wait3A_250 = arith.constant 1 : i32
    %dma_wait3A_251 = arith.constant 2 : i32
    %dma_wait3A_252 = tpu.memref_slice %arg8[%dma_wait3A_251] : memref<4x!tpu.dma_semaphore, #tpu.memory_space<semaphore_mem>> -> memref<1x!tpu.dma_semaphore, #tpu.memory_space<semaphore_mem>>
    %dma_wait3A_253 = tpu.memref_squeeze %dma_wait3A_252 : memref<1x!tpu.dma_semaphore, #tpu.memory_space<semaphore_mem>> -> memref<!tpu.dma_semaphore, #tpu.memory_space<semaphore_mem>>
    %dma_wait3A_254 = arith.constant 0 : i32
    %dma_wait3A_255 = arith.constant 0 : i32
    %dma_wait3A_256 = tpu.memref_slice %arg6[%dma_wait3A_250, %dma_wait3A_254, %dma_wait3A_255] : memref<2x1024x1024xf32, #tpu.memory_space<vmem>> -> memref<1x1024x1024xf32, #tpu.memory_space<vmem>>
    %dma_wait3A_257 = tpu.memref_squeeze %dma_wait3A_256 : memref<1x1024x1024xf32, #tpu.memory_space<vmem>> -> memref<1024x1024xf32, #tpu.memory_space<vmem>>
    %dma_wait3A_258 = arith.constant 0 : i32
    %dma_wait3A_259 = arith.constant 1024 : i32
    %dma_wait3A_260 = tpu.memref_slice %arg3[%dma_wait3A_249, %dma_wait3A_258, %dma_wait3A_259] : memref<8x1024x2048xf32, #tpu.memory_space<hbm>> -> memref<1x1024x1024xf32, #tpu.memory_space<hbm>>
    %dma_wait3A_261 = tpu.memref_squeeze %dma_wait3A_260 : memref<1x1024x1024xf32, #tpu.memory_space<hbm>> -> memref<1024x1024xf32, #tpu.memory_space<hbm>>
    tpu.wait_dma2 semaphore(%dma_wait3A_253 : memref<!tpu.dma_semaphore, #tpu.memory_space<semaphore_mem>>) src(%dma_wait3A_261 : memref<1024x1024xf32, #tpu.memory_space<hbm>>) dst(%dma_wait3A_257 : memref<1024x1024xf32, #tpu.memory_space<vmem>>)
    %dma_wait3A_262 = arith.constant 1 : i32
    %dma_wait3A_263 = arith.constant 1 : i32
    %dma_wait3A_264 = arith.constant 3 : i32
    %dma_wait3A_265 = tpu.memref_slice %arg8[%dma_wait3A_264] : memref<4x!tpu.dma_semaphore, #tpu.memory_space<semaphore_mem>> -> memref<1x!tpu.dma_semaphore, #tpu.memory_space<semaphore_mem>>
    %dma_wait3A_266 = tpu.memref_squeeze %dma_wait3A_265 : memref<1x!tpu.dma_semaphore, #tpu.memory_space<semaphore_mem>> -> memref<!tpu.dma_semaphore, #tpu.memory_space<semaphore_mem>>
    %dma_wait3A_267 = arith.constant 0 : i32
    %dma_wait3A_268 = arith.constant 0 : i32
    %dma_wait3A_269 = tpu.memref_slice %arg7[%dma_wait3A_263, %dma_wait3A_267, %dma_wait3A_268] : memref<2x1024x1024xf32, #tpu.memory_space<vmem>> -> memref<1x1024x1024xf32, #tpu.memory_space<vmem>>
    %dma_wait3A_270 = tpu.memref_squeeze %dma_wait3A_269 : memref<1x1024x1024xf32, #tpu.memory_space<vmem>> -> memref<1024x1024xf32, #tpu.memory_space<vmem>>
    %dma_wait3A_271 = arith.constant 1024 : i32
    %dma_wait3A_272 = arith.constant 0 : i32
    %dma_wait3A_273 = tpu.memref_slice %arg4[%dma_wait3A_262, %dma_wait3A_271, %dma_wait3A_272] : memref<8x2048x1024xf32, #tpu.memory_space<hbm>> -> memref<1x1024x1024xf32, #tpu.memory_space<hbm>>
    %dma_wait3A_274 = tpu.memref_squeeze %dma_wait3A_273 : memref<1x1024x1024xf32, #tpu.memory_space<hbm>> -> memref<1024x1024xf32, #tpu.memory_space<hbm>>
    tpu.wait_dma2 semaphore(%dma_wait3A_266 : memref<!tpu.dma_semaphore, #tpu.memory_space<semaphore_mem>>) src(%dma_wait3A_274 : memref<1024x1024xf32, #tpu.memory_space<hbm>>) dst(%dma_wait3A_270 : memref<1024x1024xf32, #tpu.memory_space<vmem>>)
    %get3A_275 = arith.constant 0 : index
    %get3A_276 = arith.constant 1 : index
    %get3A_277 = memref.load %arg1[%get3A_275, %get3A_276] : memref<2x8xi32, #tpu.memory_space<smem>>
    %get3A_278 = arith.constant 1 : index
    %get3A_279 = arith.constant 1 : index
    %get3A_280 = memref.load %arg1[%get3A_278, %get3A_279] : memref<2x8xi32, #tpu.memory_space<smem>>
    %while3A_281 = arith.constant 0 : i32
    %while3A_282 = arith.subi %get3A_280, %get3A_277 : i32
    %while3A_283 = arith.addi %get3A_277, %while3A_282 : i32
    %while3A_284 = arith.constant 1 : i32
    %while3A_285 = arith.divsi %while3A_282, %while3A_284 : i32
    %while3A_286 = arith.muli %while3A_285, %while3A_284 : i32
    %while3A_287 = arith.addi %get3A_277, %while3A_286 : i32
    %while3A_288 = arith.constant 1 : i32
    scf.for %while3A_1068 = %get3A_277 to %while3A_287 step %while3A_288  : i32 {
      %mul3A = arith.constant 128 : i32
      %mul3A_1069 = arith.muli %while3A_1068, %mul3A : i32
      %multiple_of3A = tpu.assume_multiple %mul3A_1069, 128 : i32
      %get3A_1070 = arith.index_cast %multiple_of3A : i32 to index
      %get3A_1071 = arith.constant 0 : index
      %get3A_1072 = vector.load %arg2[%get3A_1070, %get3A_1071] : memref<3072x1024xf32, #tpu.memory_space<vmem>>, vector<128x1024xf32>
      %get3A_1073 = arith.constant 1 : index
      %get3A_1074 = arith.constant 0 : index
      %get3A_1075 = arith.constant 0 : index
      %get3A_1076 = vector.load %arg6[%get3A_1073, %get3A_1074, %get3A_1075] : memref<2x1024x1024xf32, #tpu.memory_space<vmem>>, vector<1x1024x1024xf32>
      %get3A_1077 = vector.shape_cast %get3A_1076 : vector<1x1024x1024xf32> to vector<1024x1024xf32>
      %dot_general3A = arith.constant dense<0.000000e+00> : vector<128x1024xf32>
      %dot_general3A_1078 = tpu.matmul %get3A_1072, %get3A_1077, %dot_general3A {dimension_numbers = #tpu.dot_dimension_numbers<[1], [0], [0], [1], [0, 0, 1, 1], [], []>, transpose_lhs_hint = false} : vector<128x1024xf32>, vector<1024x1024xf32>, vector<128x1024xf32> -> vector<128x1024xf32>
      %max3A = arith.constant 0.000000e+00 : f32
      %max3A_1079 = vector.broadcast %max3A : f32 to vector<128x1024xf32>
      %max3A_1080 = arith.maximumf %dot_general3A_1078, %max3A_1079 : vector<128x1024xf32>
      %get3A_1081 = arith.constant 1 : index
      %get3A_1082 = arith.constant 0 : index
      %get3A_1083 = arith.constant 0 : index
      %get3A_1084 = vector.load %arg7[%get3A_1081, %get3A_1082, %get3A_1083] : memref<2x1024x1024xf32, #tpu.memory_space<vmem>>, vector<1x1024x1024xf32>
      %get3A_1085 = vector.shape_cast %get3A_1084 : vector<1x1024x1024xf32> to vector<1024x1024xf32>
      %dot_general3A_1086 = arith.constant dense<0.000000e+00> : vector<128x1024xf32>
      %dot_general3A_1087 = tpu.matmul %max3A_1080, %get3A_1085, %dot_general3A_1086 {dimension_numbers = #tpu.dot_dimension_numbers<[1], [0], [0], [1], [0, 0, 1, 1], [], []>, transpose_lhs_hint = false} : vector<128x1024xf32>, vector<1024x1024xf32>, vector<128x1024xf32> -> vector<128x1024xf32>
      %get3A_1088 = arith.index_cast %multiple_of3A : i32 to index
      %get3A_1089 = arith.constant 0 : index
      %get3A_1090 = vector.load %arg5[%get3A_1088, %get3A_1089] : memref<3072x1024xf32, #tpu.memory_space<vmem>>, vector<128x1024xf32>
      %add3A = arith.addf %get3A_1090, %dot_general3A_1087 : vector<128x1024xf32>
      %swap3A = arith.index_cast %multiple_of3A : i32 to index
      %swap3A_1091 = arith.constant 0 : index
      %swap3A_1092 = vector.load %arg5[%swap3A, %swap3A_1091] : memref<3072x1024xf32, #tpu.memory_space<vmem>>, vector<128x1024xf32>
      tpu.vector_store %arg5[%swap3A, %swap3A_1091], %add3A {strides = array<i32>} : memref<3072x1024xf32, #tpu.memory_space<vmem>>, vector<128x1024xf32>,
    }
    %while3A_289 = arith.constant 1 : i32
    scf.for %while3A_1068 = %while3A_287 to %while3A_283 step %while3A_289  : i32 {
      %mul3A = arith.constant 128 : i32
      %mul3A_1069 = arith.muli %while3A_1068, %mul3A : i32
      %multiple_of3A = tpu.assume_multiple %mul3A_1069, 128 : i32
      %get3A_1070 = arith.index_cast %multiple_of3A : i32 to index
      %get3A_1071 = arith.constant 0 : index
      %get3A_1072 = vector.load %arg2[%get3A_1070, %get3A_1071] : memref<3072x1024xf32, #tpu.memory_space<vmem>>, vector<128x1024xf32>
      %get3A_1073 = arith.constant 1 : index
      %get3A_1074 = arith.constant 0 : index
      %get3A_1075 = arith.constant 0 : index
      %get3A_1076 = vector.load %arg6[%get3A_1073, %get3A_1074, %get3A_1075] : memref<2x1024x1024xf32, #tpu.memory_space<vmem>>, vector<1x1024x1024xf32>
      %get3A_1077 = vector.shape_cast %get3A_1076 : vector<1x1024x1024xf32> to vector<1024x1024xf32>
      %dot_general3A = arith.constant dense<0.000000e+00> : vector<128x1024xf32>
      %dot_general3A_1078 = tpu.matmul %get3A_1072, %get3A_1077, %dot_general3A {dimension_numbers = #tpu.dot_dimension_numbers<[1], [0], [0], [1], [0, 0, 1, 1], [], []>, transpose_lhs_hint = false} : vector<128x1024xf32>, vector<1024x1024xf32>, vector<128x1024xf32> -> vector<128x1024xf32>
      %max3A = arith.constant 0.000000e+00 : f32
      %max3A_1079 = vector.broadcast %max3A : f32 to vector<128x1024xf32>
      %max3A_1080 = arith.maximumf %dot_general3A_1078, %max3A_1079 : vector<128x1024xf32>
      %get3A_1081 = arith.constant 1 : index
      %get3A_1082 = arith.constant 0 : index
      %get3A_1083 = arith.constant 0 : index
      %get3A_1084 = vector.load %arg7[%get3A_1081, %get3A_1082, %get3A_1083] : memref<2x1024x1024xf32, #tpu.memory_space<vmem>>, vector<1x1024x1024xf32>
      %get3A_1085 = vector.shape_cast %get3A_1084 : vector<1x1024x1024xf32> to vector<1024x1024xf32>
      %dot_general3A_1086 = arith.constant dense<0.000000e+00> : vector<128x1024xf32>
      %dot_general3A_1087 = tpu.matmul %max3A_1080, %get3A_1085, %dot_general3A_1086 {dimension_numbers = #tpu.dot_dimension_numbers<[1], [0], [0], [1], [0, 0, 1, 1], [], []>, transpose_lhs_hint = false} : vector<128x1024xf32>, vector<1024x1024xf32>, vector<128x1024xf32> -> vector<128x1024xf32>
      %get3A_1088 = arith.index_cast %multiple_of3A : i32 to index
      %get3A_1089 = arith.constant 0 : index
      %get3A_1090 = vector.load %arg5[%get3A_1088, %get3A_1089] : memref<3072x1024xf32, #tpu.memory_space<vmem>>, vector<128x1024xf32>
      %add3A = arith.addf %get3A_1090, %dot_general3A_1087 : vector<128x1024xf32>
      %swap3A = arith.index_cast %multiple_of3A : i32 to index
      %swap3A_1091 = arith.constant 0 : index
      %swap3A_1092 = vector.load %arg5[%swap3A, %swap3A_1091] : memref<3072x1024xf32, #tpu.memory_space<vmem>>, vector<128x1024xf32>
      tpu.vector_store %arg5[%swap3A, %swap3A_1091], %add3A {strides = array<i32>} : memref<3072x1024xf32, #tpu.memory_space<vmem>>, vector<128x1024xf32>,
    }
    %dma_start3A_290 = arith.constant 2 : i32
    %dma_start3A_291 = arith.constant 1 : i32
    %dma_start3A_292 = arith.constant 2 : i32
    %dma_start3A_293 = tpu.memref_slice %arg8[%dma_start3A_292] : memref<4x!tpu.dma_semaphore, #tpu.memory_space<semaphore_mem>> -> memref<1x!tpu.dma_semaphore, #tpu.memory_space<semaphore_mem>>
    %dma_start3A_294 = tpu.memref_squeeze %dma_start3A_293 : memref<1x!tpu.dma_semaphore, #tpu.memory_space<semaphore_mem>> -> memref<!tpu.dma_semaphore, #tpu.memory_space<semaphore_mem>>
    %dma_start3A_295 = arith.constant 0 : i32
    %dma_start3A_296 = arith.constant 0 : i32
    %dma_start3A_297 = tpu.memref_slice %arg6[%dma_start3A_291, %dma_start3A_295, %dma_start3A_296] : memref<2x1024x1024xf32, #tpu.memory_space<vmem>> -> memref<1x1024x1024xf32, #tpu.memory_space<vmem>>
    %dma_start3A_298 = tpu.memref_squeeze %dma_start3A_297 : memref<1x1024x1024xf32, #tpu.memory_space<vmem>> -> memref<1024x1024xf32, #tpu.memory_space<vmem>>
    %dma_start3A_299 = arith.constant 0 : i32
    %dma_start3A_300 = arith.constant 1024 : i32
    %dma_start3A_301 = tpu.memref_slice %arg3[%dma_start3A_290, %dma_start3A_299, %dma_start3A_300] : memref<8x1024x2048xf32, #tpu.memory_space<hbm>> -> memref<1x1024x1024xf32, #tpu.memory_space<hbm>>
    %dma_start3A_302 = tpu.memref_squeeze %dma_start3A_301 : memref<1x1024x1024xf32, #tpu.memory_space<hbm>> -> memref<1024x1024xf32, #tpu.memory_space<hbm>>
    tpu.enqueue_dma source(%dma_start3A_302 : memref<1024x1024xf32, #tpu.memory_space<hbm>>) target(%dma_start3A_298 : memref<1024x1024xf32, #tpu.memory_space<vmem>>) target_semaphore(%dma_start3A_294 : memref<!tpu.dma_semaphore, #tpu.memory_space<semaphore_mem>>)
    %dma_start3A_303 = arith.constant 2 : i32
    %dma_start3A_304 = arith.constant 1 : i32
    %dma_start3A_305 = arith.constant 3 : i32
    %dma_start3A_306 = tpu.memref_slice %arg8[%dma_start3A_305] : memref<4x!tpu.dma_semaphore, #tpu.memory_space<semaphore_mem>> -> memref<1x!tpu.dma_semaphore, #tpu.memory_space<semaphore_mem>>
    %dma_start3A_307 = tpu.memref_squeeze %dma_start3A_306 : memref<1x!tpu.dma_semaphore, #tpu.memory_space<semaphore_mem>> -> memref<!tpu.dma_semaphore, #tpu.memory_space<semaphore_mem>>
    %dma_start3A_308 = arith.constant 0 : i32
    %dma_start3A_309 = arith.constant 0 : i32
    %dma_start3A_310 = tpu.memref_slice %arg7[%dma_start3A_304, %dma_start3A_308, %dma_start3A_309] : memref<2x1024x1024xf32, #tpu.memory_space<vmem>> -> memref<1x1024x1024xf32, #tpu.memory_space<vmem>>
    %dma_start3A_311 = tpu.memref_squeeze %dma_start3A_310 : memref<1x1024x1024xf32, #tpu.memory_space<vmem>> -> memref<1024x1024xf32, #tpu.memory_space<vmem>>
    %dma_start3A_312 = arith.constant 1024 : i32
    %dma_start3A_313 = arith.constant 0 : i32
    %dma_start3A_314 = tpu.memref_slice %arg4[%dma_start3A_303, %dma_start3A_312, %dma_start3A_313] : memref<8x2048x1024xf32, #tpu.memory_space<hbm>> -> memref<1x1024x1024xf32, #tpu.memory_space<hbm>>
    %dma_start3A_315 = tpu.memref_squeeze %dma_start3A_314 : memref<1x1024x1024xf32, #tpu.memory_space<hbm>> -> memref<1024x1024xf32, #tpu.memory_space<hbm>>
    tpu.enqueue_dma source(%dma_start3A_315 : memref<1024x1024xf32, #tpu.memory_space<hbm>>) target(%dma_start3A_311 : memref<1024x1024xf32, #tpu.memory_space<vmem>>) target_semaphore(%dma_start3A_307 : memref<!tpu.dma_semaphore, #tpu.memory_space<semaphore_mem>>)
    %dma_wait3A_316 = arith.constant 2 : i32
    %dma_wait3A_317 = arith.constant 0 : i32
    %dma_wait3A_318 = arith.constant 0 : i32
    %dma_wait3A_319 = tpu.memref_slice %arg8[%dma_wait3A_318] : memref<4x!tpu.dma_semaphore, #tpu.memory_space<semaphore_mem>> -> memref<1x!tpu.dma_semaphore, #tpu.memory_space<semaphore_mem>>
    %dma_wait3A_320 = tpu.memref_squeeze %dma_wait3A_319 : memref<1x!tpu.dma_semaphore, #tpu.memory_space<semaphore_mem>> -> memref<!tpu.dma_semaphore, #tpu.memory_space<semaphore_mem>>
    %dma_wait3A_321 = arith.constant 0 : i32
    %dma_wait3A_322 = arith.constant 0 : i32
    %dma_wait3A_323 = tpu.memref_slice %arg6[%dma_wait3A_317, %dma_wait3A_321, %dma_wait3A_322] : memref<2x1024x1024xf32, #tpu.memory_space<vmem>> -> memref<1x1024x1024xf32, #tpu.memory_space<vmem>>
    %dma_wait3A_324 = tpu.memref_squeeze %dma_wait3A_323 : memref<1x1024x1024xf32, #tpu.memory_space<vmem>> -> memref<1024x1024xf32, #tpu.memory_space<vmem>>
    %dma_wait3A_325 = arith.constant 0 : i32
    %dma_wait3A_326 = arith.constant 0 : i32
    %dma_wait3A_327 = tpu.memref_slice %arg3[%dma_wait3A_316, %dma_wait3A_325, %dma_wait3A_326] : memref<8x1024x2048xf32, #tpu.memory_space<hbm>> -> memref<1x1024x1024xf32, #tpu.memory_space<hbm>>
    %dma_wait3A_328 = tpu.memref_squeeze %dma_wait3A_327 : memref<1x1024x1024xf32, #tpu.memory_space<hbm>> -> memref<1024x1024xf32, #tpu.memory_space<hbm>>
    tpu.wait_dma2 semaphore(%dma_wait3A_320 : memref<!tpu.dma_semaphore, #tpu.memory_space<semaphore_mem>>) src(%dma_wait3A_328 : memref<1024x1024xf32, #tpu.memory_space<hbm>>) dst(%dma_wait3A_324 : memref<1024x1024xf32, #tpu.memory_space<vmem>>)
    %dma_wait3A_329 = arith.constant 2 : i32
    %dma_wait3A_330 = arith.constant 0 : i32
    %dma_wait3A_331 = arith.constant 1 : i32
    %dma_wait3A_332 = tpu.memref_slice %arg8[%dma_wait3A_331] : memref<4x!tpu.dma_semaphore, #tpu.memory_space<semaphore_mem>> -> memref<1x!tpu.dma_semaphore, #tpu.memory_space<semaphore_mem>>
    %dma_wait3A_333 = tpu.memref_squeeze %dma_wait3A_332 : memref<1x!tpu.dma_semaphore, #tpu.memory_space<semaphore_mem>> -> memref<!tpu.dma_semaphore, #tpu.memory_space<semaphore_mem>>
    %dma_wait3A_334 = arith.constant 0 : i32
    %dma_wait3A_335 = arith.constant 0 : i32
    %dma_wait3A_336 = tpu.memref_slice %arg7[%dma_wait3A_330, %dma_wait3A_334, %dma_wait3A_335] : memref<2x1024x1024xf32, #tpu.memory_space<vmem>> -> memref<1x1024x1024xf32, #tpu.memory_space<vmem>>
    %dma_wait3A_337 = tpu.memref_squeeze %dma_wait3A_336 : memref<1x1024x1024xf32, #tpu.memory_space<vmem>> -> memref<1024x1024xf32, #tpu.memory_space<vmem>>
    %dma_wait3A_338 = arith.constant 0 : i32
    %dma_wait3A_339 = arith.constant 0 : i32
    %dma_wait3A_340 = tpu.memref_slice %arg4[%dma_wait3A_329, %dma_wait3A_338, %dma_wait3A_339] : memref<8x2048x1024xf32, #tpu.memory_space<hbm>> -> memref<1x1024x1024xf32, #tpu.memory_space<hbm>>
    %dma_wait3A_341 = tpu.memref_squeeze %dma_wait3A_340 : memref<1x1024x1024xf32, #tpu.memory_space<hbm>> -> memref<1024x1024xf32, #tpu.memory_space<hbm>>
    tpu.wait_dma2 semaphore(%dma_wait3A_333 : memref<!tpu.dma_semaphore, #tpu.memory_space<semaphore_mem>>) src(%dma_wait3A_341 : memref<1024x1024xf32, #tpu.memory_space<hbm>>) dst(%dma_wait3A_337 : memref<1024x1024xf32, #tpu.memory_space<vmem>>)
    %get3A_342 = arith.constant 0 : index
    %get3A_343 = arith.constant 2 : index
    %get3A_344 = memref.load %arg1[%get3A_342, %get3A_343] : memref<2x8xi32, #tpu.memory_space<smem>>
    %get3A_345 = arith.constant 1 : index
    %get3A_346 = arith.constant 2 : index
    %get3A_347 = memref.load %arg1[%get3A_345, %get3A_346] : memref<2x8xi32, #tpu.memory_space<smem>>
    %while3A_348 = arith.constant 0 : i32
    %while3A_349 = arith.subi %get3A_347, %get3A_344 : i32
    %while3A_350 = arith.addi %get3A_344, %while3A_349 : i32
    %while3A_351 = arith.constant 1 : i32
    %while3A_352 = arith.divsi %while3A_349, %while3A_351 : i32
    %while3A_353 = arith.muli %while3A_352, %while3A_351 : i32
    %while3A_354 = arith.addi %get3A_344, %while3A_353 : i32
    %while3A_355 = arith.constant 1 : i32
    scf.for %while3A_1068 = %get3A_344 to %while3A_354 step %while3A_355  : i32 {
      %mul3A = arith.constant 128 : i32
      %mul3A_1069 = arith.muli %while3A_1068, %mul3A : i32
      %multiple_of3A = tpu.assume_multiple %mul3A_1069, 128 : i32
      %get3A_1070 = arith.index_cast %multiple_of3A : i32 to index
      %get3A_1071 = arith.constant 0 : index
      %get3A_1072 = vector.load %arg2[%get3A_1070, %get3A_1071] : memref<3072x1024xf32, #tpu.memory_space<vmem>>, vector<128x1024xf32>
      %get3A_1073 = arith.constant 0 : index
      %get3A_1074 = arith.constant 0 : index
      %get3A_1075 = arith.constant 0 : index
      %get3A_1076 = vector.load %arg6[%get3A_1073, %get3A_1074, %get3A_1075] : memref<2x1024x1024xf32, #tpu.memory_space<vmem>>, vector<1x1024x1024xf32>
      %get3A_1077 = vector.shape_cast %get3A_1076 : vector<1x1024x1024xf32> to vector<1024x1024xf32>
      %dot_general3A = arith.constant dense<0.000000e+00> : vector<128x1024xf32>
      %dot_general3A_1078 = tpu.matmul %get3A_1072, %get3A_1077, %dot_general3A {dimension_numbers = #tpu.dot_dimension_numbers<[1], [0], [0], [1], [0, 0, 1, 1], [], []>, transpose_lhs_hint = false} : vector<128x1024xf32>, vector<1024x1024xf32>, vector<128x1024xf32> -> vector<128x1024xf32>
      %max3A = arith.constant 0.000000e+00 : f32
      %max3A_1079 = vector.broadcast %max3A : f32 to vector<128x1024xf32>
      %max3A_1080 = arith.maximumf %dot_general3A_1078, %max3A_1079 : vector<128x1024xf32>
      %get3A_1081 = arith.constant 0 : index
      %get3A_1082 = arith.constant 0 : index
      %get3A_1083 = arith.constant 0 : index
      %get3A_1084 = vector.load %arg7[%get3A_1081, %get3A_1082, %get3A_1083] : memref<2x1024x1024xf32, #tpu.memory_space<vmem>>, vector<1x1024x1024xf32>
      %get3A_1085 = vector.shape_cast %get3A_1084 : vector<1x1024x1024xf32> to vector<1024x1024xf32>
      %dot_general3A_1086 = arith.constant dense<0.000000e+00> : vector<128x1024xf32>
      %dot_general3A_1087 = tpu.matmul %max3A_1080, %get3A_1085, %dot_general3A_1086 {dimension_numbers = #tpu.dot_dimension_numbers<[1], [0], [0], [1], [0, 0, 1, 1], [], []>, transpose_lhs_hint = false} : vector<128x1024xf32>, vector<1024x1024xf32>, vector<128x1024xf32> -> vector<128x1024xf32>
      %swap3A = arith.index_cast %multiple_of3A : i32 to index
      %swap3A_1088 = arith.constant 0 : index
      %swap3A_1089 = vector.load %arg5[%swap3A, %swap3A_1088] : memref<3072x1024xf32, #tpu.memory_space<vmem>>, vector<128x1024xf32>
      tpu.vector_store %arg5[%swap3A, %swap3A_1088], %dot_general3A_1087 {strides = array<i32>} : memref<3072x1024xf32, #tpu.memory_space<vmem>>, vector<128x1024xf32>,
    }
    %while3A_356 = arith.constant 1 : i32
    scf.for %while3A_1068 = %while3A_354 to %while3A_350 step %while3A_356  : i32 {
      %mul3A = arith.constant 128 : i32
      %mul3A_1069 = arith.muli %while3A_1068, %mul3A : i32
      %multiple_of3A = tpu.assume_multiple %mul3A_1069, 128 : i32
      %get3A_1070 = arith.index_cast %multiple_of3A : i32 to index
      %get3A_1071 = arith.constant 0 : index
      %get3A_1072 = vector.load %arg2[%get3A_1070, %get3A_1071] : memref<3072x1024xf32, #tpu.memory_space<vmem>>, vector<128x1024xf32>
      %get3A_1073 = arith.constant 0 : index
      %get3A_1074 = arith.constant 0 : index
      %get3A_1075 = arith.constant 0 : index
      %get3A_1076 = vector.load %arg6[%get3A_1073, %get3A_1074, %get3A_1075] : memref<2x1024x1024xf32, #tpu.memory_space<vmem>>, vector<1x1024x1024xf32>
      %get3A_1077 = vector.shape_cast %get3A_1076 : vector<1x1024x1024xf32> to vector<1024x1024xf32>
      %dot_general3A = arith.constant dense<0.000000e+00> : vector<128x1024xf32>
      %dot_general3A_1078 = tpu.matmul %get3A_1072, %get3A_1077, %dot_general3A {dimension_numbers = #tpu.dot_dimension_numbers<[1], [0], [0], [1], [0, 0, 1, 1], [], []>, transpose_lhs_hint = false} : vector<128x1024xf32>, vector<1024x1024xf32>, vector<128x1024xf32> -> vector<128x1024xf32>
      %max3A = arith.constant 0.000000e+00 : f32
      %max3A_1079 = vector.broadcast %max3A : f32 to vector<128x1024xf32>
      %max3A_1080 = arith.maximumf %dot_general3A_1078, %max3A_1079 : vector<128x1024xf32>
      %get3A_1081 = arith.constant 0 : index
      %get3A_1082 = arith.constant 0 : index
      %get3A_1083 = arith.constant 0 : index
      %get3A_1084 = vector.load %arg7[%get3A_1081, %get3A_1082, %get3A_1083] : memref<2x1024x1024xf32, #tpu.memory_space<vmem>>, vector<1x1024x1024xf32>
      %get3A_1085 = vector.shape_cast %get3A_1084 : vector<1x1024x1024xf32> to vector<1024x1024xf32>
      %dot_general3A_1086 = arith.constant dense<0.000000e+00> : vector<128x1024xf32>
      %dot_general3A_1087 = tpu.matmul %max3A_1080, %get3A_1085, %dot_general3A_1086 {dimension_numbers = #tpu.dot_dimension_numbers<[1], [0], [0], [1], [0, 0, 1, 1], [], []>, transpose_lhs_hint = false} : vector<128x1024xf32>, vector<1024x1024xf32>, vector<128x1024xf32> -> vector<128x1024xf32>
      %swap3A = arith.index_cast %multiple_of3A : i32 to index
      %swap3A_1088 = arith.constant 0 : index
      %swap3A_1089 = vector.load %arg5[%swap3A, %swap3A_1088] : memref<3072x1024xf32, #tpu.memory_space<vmem>>, vector<128x1024xf32>
      tpu.vector_store %arg5[%swap3A, %swap3A_1088], %dot_general3A_1087 {strides = array<i32>} : memref<3072x1024xf32, #tpu.memory_space<vmem>>, vector<128x1024xf32>,
    }
    %dma_start3A_357 = arith.constant 3 : i32
    %dma_start3A_358 = arith.constant 0 : i32
    %dma_start3A_359 = arith.constant 0 : i32
    %dma_start3A_360 = tpu.memref_slice %arg8[%dma_start3A_359] : memref<4x!tpu.dma_semaphore, #tpu.memory_space<semaphore_mem>> -> memref<1x!tpu.dma_semaphore, #tpu.memory_space<semaphore_mem>>
    %dma_start3A_361 = tpu.memref_squeeze %dma_start3A_360 : memref<1x!tpu.dma_semaphore, #tpu.memory_space<semaphore_mem>> -> memref<!tpu.dma_semaphore, #tpu.memory_space<semaphore_mem>>
    %dma_start3A_362 = arith.constant 0 : i32
    %dma_start3A_363 = arith.constant 0 : i32
    %dma_start3A_364 = tpu.memref_slice %arg6[%dma_start3A_358, %dma_start3A_362, %dma_start3A_363] : memref<2x1024x1024xf32, #tpu.memory_space<vmem>> -> memref<1x1024x1024xf32, #tpu.memory_space<vmem>>
    %dma_start3A_365 = tpu.memref_squeeze %dma_start3A_364 : memref<1x1024x1024xf32, #tpu.memory_space<vmem>> -> memref<1024x1024xf32, #tpu.memory_space<vmem>>
    %dma_start3A_366 = arith.constant 0 : i32
    %dma_start3A_367 = arith.constant 0 : i32
    %dma_start3A_368 = tpu.memref_slice %arg3[%dma_start3A_357, %dma_start3A_366, %dma_start3A_367] : memref<8x1024x2048xf32, #tpu.memory_space<hbm>> -> memref<1x1024x1024xf32, #tpu.memory_space<hbm>>
    %dma_start3A_369 = tpu.memref_squeeze %dma_start3A_368 : memref<1x1024x1024xf32, #tpu.memory_space<hbm>> -> memref<1024x1024xf32, #tpu.memory_space<hbm>>
    tpu.enqueue_dma source(%dma_start3A_369 : memref<1024x1024xf32, #tpu.memory_space<hbm>>) target(%dma_start3A_365 : memref<1024x1024xf32, #tpu.memory_space<vmem>>) target_semaphore(%dma_start3A_361 : memref<!tpu.dma_semaphore, #tpu.memory_space<semaphore_mem>>)
    %dma_start3A_370 = arith.constant 3 : i32
    %dma_start3A_371 = arith.constant 0 : i32
    %dma_start3A_372 = arith.constant 1 : i32
    %dma_start3A_373 = tpu.memref_slice %arg8[%dma_start3A_372] : memref<4x!tpu.dma_semaphore, #tpu.memory_space<semaphore_mem>> -> memref<1x!tpu.dma_semaphore, #tpu.memory_space<semaphore_mem>>
    %dma_start3A_374 = tpu.memref_squeeze %dma_start3A_373 : memref<1x!tpu.dma_semaphore, #tpu.memory_space<semaphore_mem>> -> memref<!tpu.dma_semaphore, #tpu.memory_space<semaphore_mem>>
    %dma_start3A_375 = arith.constant 0 : i32
    %dma_start3A_376 = arith.constant 0 : i32
    %dma_start3A_377 = tpu.memref_slice %arg7[%dma_start3A_371, %dma_start3A_375, %dma_start3A_376] : memref<2x1024x1024xf32, #tpu.memory_space<vmem>> -> memref<1x1024x1024xf32, #tpu.memory_space<vmem>>
    %dma_start3A_378 = tpu.memref_squeeze %dma_start3A_377 : memref<1x1024x1024xf32, #tpu.memory_space<vmem>> -> memref<1024x1024xf32, #tpu.memory_space<vmem>>
    %dma_start3A_379 = arith.constant 0 : i32
    %dma_start3A_380 = arith.constant 0 : i32
    %dma_start3A_381 = tpu.memref_slice %arg4[%dma_start3A_370, %dma_start3A_379, %dma_start3A_380] : memref<8x2048x1024xf32, #tpu.memory_space<hbm>> -> memref<1x1024x1024xf32, #tpu.memory_space<hbm>>
    %dma_start3A_382 = tpu.memref_squeeze %dma_start3A_381 : memref<1x1024x1024xf32, #tpu.memory_space<hbm>> -> memref<1024x1024xf32, #tpu.memory_space<hbm>>
    tpu.enqueue_dma source(%dma_start3A_382 : memref<1024x1024xf32, #tpu.memory_space<hbm>>) target(%dma_start3A_378 : memref<1024x1024xf32, #tpu.memory_space<vmem>>) target_semaphore(%dma_start3A_374 : memref<!tpu.dma_semaphore, #tpu.memory_space<semaphore_mem>>)
    %dma_wait3A_383 = arith.constant 2 : i32
    %dma_wait3A_384 = arith.constant 1 : i32
    %dma_wait3A_385 = arith.constant 2 : i32
    %dma_wait3A_386 = tpu.memref_slice %arg8[%dma_wait3A_385] : memref<4x!tpu.dma_semaphore, #tpu.memory_space<semaphore_mem>> -> memref<1x!tpu.dma_semaphore, #tpu.memory_space<semaphore_mem>>
    %dma_wait3A_387 = tpu.memref_squeeze %dma_wait3A_386 : memref<1x!tpu.dma_semaphore, #tpu.memory_space<semaphore_mem>> -> memref<!tpu.dma_semaphore, #tpu.memory_space<semaphore_mem>>
    %dma_wait3A_388 = arith.constant 0 : i32
    %dma_wait3A_389 = arith.constant 0 : i32
    %dma_wait3A_390 = tpu.memref_slice %arg6[%dma_wait3A_384, %dma_wait3A_388, %dma_wait3A_389] : memref<2x1024x1024xf32, #tpu.memory_space<vmem>> -> memref<1x1024x1024xf32, #tpu.memory_space<vmem>>
    %dma_wait3A_391 = tpu.memref_squeeze %dma_wait3A_390 : memref<1x1024x1024xf32, #tpu.memory_space<vmem>> -> memref<1024x1024xf32, #tpu.memory_space<vmem>>
    %dma_wait3A_392 = arith.constant 0 : i32
    %dma_wait3A_393 = arith.constant 1024 : i32
    %dma_wait3A_394 = tpu.memref_slice %arg3[%dma_wait3A_383, %dma_wait3A_392, %dma_wait3A_393] : memref<8x1024x2048xf32, #tpu.memory_space<hbm>> -> memref<1x1024x1024xf32, #tpu.memory_space<hbm>>
    %dma_wait3A_395 = tpu.memref_squeeze %dma_wait3A_394 : memref<1x1024x1024xf32, #tpu.memory_space<hbm>> -> memref<1024x1024xf32, #tpu.memory_space<hbm>>
    tpu.wait_dma2 semaphore(%dma_wait3A_387 : memref<!tpu.dma_semaphore, #tpu.memory_space<semaphore_mem>>) src(%dma_wait3A_395 : memref<1024x1024xf32, #tpu.memory_space<hbm>>) dst(%dma_wait3A_391 : memref<1024x1024xf32, #tpu.memory_space<vmem>>)
    %dma_wait3A_396 = arith.constant 2 : i32
    %dma_wait3A_397 = arith.constant 1 : i32
    %dma_wait3A_398 = arith.constant 3 : i32
    %dma_wait3A_399 = tpu.memref_slice %arg8[%dma_wait3A_398] : memref<4x!tpu.dma_semaphore, #tpu.memory_space<semaphore_mem>> -> memref<1x!tpu.dma_semaphore, #tpu.memory_space<semaphore_mem>>
    %dma_wait3A_400 = tpu.memref_squeeze %dma_wait3A_399 : memref<1x!tpu.dma_semaphore, #tpu.memory_space<semaphore_mem>> -> memref<!tpu.dma_semaphore, #tpu.memory_space<semaphore_mem>>
    %dma_wait3A_401 = arith.constant 0 : i32
    %dma_wait3A_402 = arith.constant 0 : i32
    %dma_wait3A_403 = tpu.memref_slice %arg7[%dma_wait3A_397, %dma_wait3A_401, %dma_wait3A_402] : memref<2x1024x1024xf32, #tpu.memory_space<vmem>> -> memref<1x1024x1024xf32, #tpu.memory_space<vmem>>
    %dma_wait3A_404 = tpu.memref_squeeze %dma_wait3A_403 : memref<1x1024x1024xf32, #tpu.memory_space<vmem>> -> memref<1024x1024xf32, #tpu.memory_space<vmem>>
    %dma_wait3A_405 = arith.constant 1024 : i32
    %dma_wait3A_406 = arith.constant 0 : i32
    %dma_wait3A_407 = tpu.memref_slice %arg4[%dma_wait3A_396, %dma_wait3A_405, %dma_wait3A_406] : memref<8x2048x1024xf32, #tpu.memory_space<hbm>> -> memref<1x1024x1024xf32, #tpu.memory_space<hbm>>
    %dma_wait3A_408 = tpu.memref_squeeze %dma_wait3A_407 : memref<1x1024x1024xf32, #tpu.memory_space<hbm>> -> memref<1024x1024xf32, #tpu.memory_space<hbm>>
    tpu.wait_dma2 semaphore(%dma_wait3A_400 : memref<!tpu.dma_semaphore, #tpu.memory_space<semaphore_mem>>) src(%dma_wait3A_408 : memref<1024x1024xf32, #tpu.memory_space<hbm>>) dst(%dma_wait3A_404 : memref<1024x1024xf32, #tpu.memory_space<vmem>>)
    %get3A_409 = arith.constant 0 : index
    %get3A_410 = arith.constant 2 : index
    %get3A_411 = memref.load %arg1[%get3A_409, %get3A_410] : memref<2x8xi32, #tpu.memory_space<smem>>
    %get3A_412 = arith.constant 1 : index
    %get3A_413 = arith.constant 2 : index
    %get3A_414 = memref.load %arg1[%get3A_412, %get3A_413] : memref<2x8xi32, #tpu.memory_space<smem>>
    %while3A_415 = arith.constant 0 : i32
    %while3A_416 = arith.subi %get3A_414, %get3A_411 : i32
    %while3A_417 = arith.addi %get3A_411, %while3A_416 : i32
    %while3A_418 = arith.constant 1 : i32
    %while3A_419 = arith.divsi %while3A_416, %while3A_418 : i32
    %while3A_420 = arith.muli %while3A_419, %while3A_418 : i32
    %while3A_421 = arith.addi %get3A_411, %while3A_420 : i32
    %while3A_422 = arith.constant 1 : i32
    scf.for %while3A_1068 = %get3A_411 to %while3A_421 step %while3A_422  : i32 {
      %mul3A = arith.constant 128 : i32
      %mul3A_1069 = arith.muli %while3A_1068, %mul3A : i32
      %multiple_of3A = tpu.assume_multiple %mul3A_1069, 128 : i32
      %get3A_1070 = arith.index_cast %multiple_of3A : i32 to index
      %get3A_1071 = arith.constant 0 : index
      %get3A_1072 = vector.load %arg2[%get3A_1070, %get3A_1071] : memref<3072x1024xf32, #tpu.memory_space<vmem>>, vector<128x1024xf32>
      %get3A_1073 = arith.constant 1 : index
      %get3A_1074 = arith.constant 0 : index
      %get3A_1075 = arith.constant 0 : index
      %get3A_1076 = vector.load %arg6[%get3A_1073, %get3A_1074, %get3A_1075] : memref<2x1024x1024xf32, #tpu.memory_space<vmem>>, vector<1x1024x1024xf32>
      %get3A_1077 = vector.shape_cast %get3A_1076 : vector<1x1024x1024xf32> to vector<1024x1024xf32>
      %dot_general3A = arith.constant dense<0.000000e+00> : vector<128x1024xf32>
      %dot_general3A_1078 = tpu.matmul %get3A_1072, %get3A_1077, %dot_general3A {dimension_numbers = #tpu.dot_dimension_numbers<[1], [0], [0], [1], [0, 0, 1, 1], [], []>, transpose_lhs_hint = false} : vector<128x1024xf32>, vector<1024x1024xf32>, vector<128x1024xf32> -> vector<128x1024xf32>
      %max3A = arith.constant 0.000000e+00 : f32
      %max3A_1079 = vector.broadcast %max3A : f32 to vector<128x1024xf32>
      %max3A_1080 = arith.maximumf %dot_general3A_1078, %max3A_1079 : vector<128x1024xf32>
      %get3A_1081 = arith.constant 1 : index
      %get3A_1082 = arith.constant 0 : index
      %get3A_1083 = arith.constant 0 : index
      %get3A_1084 = vector.load %arg7[%get3A_1081, %get3A_1082, %get3A_1083] : memref<2x1024x1024xf32, #tpu.memory_space<vmem>>, vector<1x1024x1024xf32>
      %get3A_1085 = vector.shape_cast %get3A_1084 : vector<1x1024x1024xf32> to vector<1024x1024xf32>
      %dot_general3A_1086 = arith.constant dense<0.000000e+00> : vector<128x1024xf32>
      %dot_general3A_1087 = tpu.matmul %max3A_1080, %get3A_1085, %dot_general3A_1086 {dimension_numbers = #tpu.dot_dimension_numbers<[1], [0], [0], [1], [0, 0, 1, 1], [], []>, transpose_lhs_hint = false} : vector<128x1024xf32>, vector<1024x1024xf32>, vector<128x1024xf32> -> vector<128x1024xf32>
      %get3A_1088 = arith.index_cast %multiple_of3A : i32 to index
      %get3A_1089 = arith.constant 0 : index
      %get3A_1090 = vector.load %arg5[%get3A_1088, %get3A_1089] : memref<3072x1024xf32, #tpu.memory_space<vmem>>, vector<128x1024xf32>
      %add3A = arith.addf %get3A_1090, %dot_general3A_1087 : vector<128x1024xf32>
      %swap3A = arith.index_cast %multiple_of3A : i32 to index
      %swap3A_1091 = arith.constant 0 : index
      %swap3A_1092 = vector.load %arg5[%swap3A, %swap3A_1091] : memref<3072x1024xf32, #tpu.memory_space<vmem>>, vector<128x1024xf32>
      tpu.vector_store %arg5[%swap3A, %swap3A_1091], %add3A {strides = array<i32>} : memref<3072x1024xf32, #tpu.memory_space<vmem>>, vector<128x1024xf32>,
    }
    %while3A_423 = arith.constant 1 : i32
    scf.for %while3A_1068 = %while3A_421 to %while3A_417 step %while3A_423  : i32 {
      %mul3A = arith.constant 128 : i32
      %mul3A_1069 = arith.muli %while3A_1068, %mul3A : i32
      %multiple_of3A = tpu.assume_multiple %mul3A_1069, 128 : i32
      %get3A_1070 = arith.index_cast %multiple_of3A : i32 to index
      %get3A_1071 = arith.constant 0 : index
      %get3A_1072 = vector.load %arg2[%get3A_1070, %get3A_1071] : memref<3072x1024xf32, #tpu.memory_space<vmem>>, vector<128x1024xf32>
      %get3A_1073 = arith.constant 1 : index
      %get3A_1074 = arith.constant 0 : index
      %get3A_1075 = arith.constant 0 : index
      %get3A_1076 = vector.load %arg6[%get3A_1073, %get3A_1074, %get3A_1075] : memref<2x1024x1024xf32, #tpu.memory_space<vmem>>, vector<1x1024x1024xf32>
      %get3A_1077 = vector.shape_cast %get3A_1076 : vector<1x1024x1024xf32> to vector<1024x1024xf32>
      %dot_general3A = arith.constant dense<0.000000e+00> : vector<128x1024xf32>
      %dot_general3A_1078 = tpu.matmul %get3A_1072, %get3A_1077, %dot_general3A {dimension_numbers = #tpu.dot_dimension_numbers<[1], [0], [0], [1], [0, 0, 1, 1], [], []>, transpose_lhs_hint = false} : vector<128x1024xf32>, vector<1024x1024xf32>, vector<128x1024xf32> -> vector<128x1024xf32>
      %max3A = arith.constant 0.000000e+00 : f32
      %max3A_1079 = vector.broadcast %max3A : f32 to vector<128x1024xf32>
      %max3A_1080 = arith.maximumf %dot_general3A_1078, %max3A_1079 : vector<128x1024xf32>
      %get3A_1081 = arith.constant 1 : index
      %get3A_1082 = arith.constant 0 : index
      %get3A_1083 = arith.constant 0 : index
      %get3A_1084 = vector.load %arg7[%get3A_1081, %get3A_1082, %get3A_1083] : memref<2x1024x1024xf32, #tpu.memory_space<vmem>>, vector<1x1024x1024xf32>
      %get3A_1085 = vector.shape_cast %get3A_1084 : vector<1x1024x1024xf32> to vector<1024x1024xf32>
      %dot_general3A_1086 = arith.constant dense<0.000000e+00> : vector<128x1024xf32>
      %dot_general3A_1087 = tpu.matmul %max3A_1080, %get3A_1085, %dot_general3A_1086 {dimension_numbers = #tpu.dot_dimension_numbers<[1], [0], [0], [1], [0, 0, 1, 1], [], []>, transpose_lhs_hint = false} : vector<128x1024xf32>, vector<1024x1024xf32>, vector<128x1024xf32> -> vector<128x1024xf32>
      %get3A_1088 = arith.index_cast %multiple_of3A : i32 to index
      %get3A_1089 = arith.constant 0 : index
      %get3A_1090 = vector.load %arg5[%get3A_1088, %get3A_1089] : memref<3072x1024xf32, #tpu.memory_space<vmem>>, vector<128x1024xf32>
      %add3A = arith.addf %get3A_1090, %dot_general3A_1087 : vector<128x1024xf32>
      %swap3A = arith.index_cast %multiple_of3A : i32 to index
      %swap3A_1091 = arith.constant 0 : index
      %swap3A_1092 = vector.load %arg5[%swap3A, %swap3A_1091] : memref<3072x1024xf32, #tpu.memory_space<vmem>>, vector<128x1024xf32>
      tpu.vector_store %arg5[%swap3A, %swap3A_1091], %add3A {strides = array<i32>} : memref<3072x1024xf32, #tpu.memory_space<vmem>>, vector<128x1024xf32>,
    }
    %dma_start3A_424 = arith.constant 3 : i32
    %dma_start3A_425 = arith.constant 1 : i32
    %dma_start3A_426 = arith.constant 2 : i32
    %dma_start3A_427 = tpu.memref_slice %arg8[%dma_start3A_426] : memref<4x!tpu.dma_semaphore, #tpu.memory_space<semaphore_mem>> -> memref<1x!tpu.dma_semaphore, #tpu.memory_space<semaphore_mem>>
    %dma_start3A_428 = tpu.memref_squeeze %dma_start3A_427 : memref<1x!tpu.dma_semaphore, #tpu.memory_space<semaphore_mem>> -> memref<!tpu.dma_semaphore, #tpu.memory_space<semaphore_mem>>
    %dma_start3A_429 = arith.constant 0 : i32
    %dma_start3A_430 = arith.constant 0 : i32
    %dma_start3A_431 = tpu.memref_slice %arg6[%dma_start3A_425, %dma_start3A_429, %dma_start3A_430] : memref<2x1024x1024xf32, #tpu.memory_space<vmem>> -> memref<1x1024x1024xf32, #tpu.memory_space<vmem>>
    %dma_start3A_432 = tpu.memref_squeeze %dma_start3A_431 : memref<1x1024x1024xf32, #tpu.memory_space<vmem>> -> memref<1024x1024xf32, #tpu.memory_space<vmem>>
    %dma_start3A_433 = arith.constant 0 : i32
    %dma_start3A_434 = arith.constant 1024 : i32
    %dma_start3A_435 = tpu.memref_slice %arg3[%dma_start3A_424, %dma_start3A_433, %dma_start3A_434] : memref<8x1024x2048xf32, #tpu.memory_space<hbm>> -> memref<1x1024x1024xf32, #tpu.memory_space<hbm>>
    %dma_start3A_436 = tpu.memref_squeeze %dma_start3A_435 : memref<1x1024x1024xf32, #tpu.memory_space<hbm>> -> memref<1024x1024xf32, #tpu.memory_space<hbm>>
    tpu.enqueue_dma source(%dma_start3A_436 : memref<1024x1024xf32, #tpu.memory_space<hbm>>) target(%dma_start3A_432 : memref<1024x1024xf32, #tpu.memory_space<vmem>>) target_semaphore(%dma_start3A_428 : memref<!tpu.dma_semaphore, #tpu.memory_space<semaphore_mem>>)
    %dma_start3A_437 = arith.constant 3 : i32
    %dma_start3A_438 = arith.constant 1 : i32
    %dma_start3A_439 = arith.constant 3 : i32
    %dma_start3A_440 = tpu.memref_slice %arg8[%dma_start3A_439] : memref<4x!tpu.dma_semaphore, #tpu.memory_space<semaphore_mem>> -> memref<1x!tpu.dma_semaphore, #tpu.memory_space<semaphore_mem>>
    %dma_start3A_441 = tpu.memref_squeeze %dma_start3A_440 : memref<1x!tpu.dma_semaphore, #tpu.memory_space<semaphore_mem>> -> memref<!tpu.dma_semaphore, #tpu.memory_space<semaphore_mem>>
    %dma_start3A_442 = arith.constant 0 : i32
    %dma_start3A_443 = arith.constant 0 : i32
    %dma_start3A_444 = tpu.memref_slice %arg7[%dma_start3A_438, %dma_start3A_442, %dma_start3A_443] : memref<2x1024x1024xf32, #tpu.memory_space<vmem>> -> memref<1x1024x1024xf32, #tpu.memory_space<vmem>>
    %dma_start3A_445 = tpu.memref_squeeze %dma_start3A_444 : memref<1x1024x1024xf32, #tpu.memory_space<vmem>> -> memref<1024x1024xf32, #tpu.memory_space<vmem>>
    %dma_start3A_446 = arith.constant 1024 : i32
    %dma_start3A_447 = arith.constant 0 : i32
    %dma_start3A_448 = tpu.memref_slice %arg4[%dma_start3A_437, %dma_start3A_446, %dma_start3A_447] : memref<8x2048x1024xf32, #tpu.memory_space<hbm>> -> memref<1x1024x1024xf32, #tpu.memory_space<hbm>>
    %dma_start3A_449 = tpu.memref_squeeze %dma_start3A_448 : memref<1x1024x1024xf32, #tpu.memory_space<hbm>> -> memref<1024x1024xf32, #tpu.memory_space<hbm>>
    tpu.enqueue_dma source(%dma_start3A_449 : memref<1024x1024xf32, #tpu.memory_space<hbm>>) target(%dma_start3A_445 : memref<1024x1024xf32, #tpu.memory_space<vmem>>) target_semaphore(%dma_start3A_441 : memref<!tpu.dma_semaphore, #tpu.memory_space<semaphore_mem>>)
    %dma_wait3A_450 = arith.constant 3 : i32
    %dma_wait3A_451 = arith.constant 0 : i32
    %dma_wait3A_452 = arith.constant 0 : i32
    %dma_wait3A_453 = tpu.memref_slice %arg8[%dma_wait3A_452] : memref<4x!tpu.dma_semaphore, #tpu.memory_space<semaphore_mem>> -> memref<1x!tpu.dma_semaphore, #tpu.memory_space<semaphore_mem>>
    %dma_wait3A_454 = tpu.memref_squeeze %dma_wait3A_453 : memref<1x!tpu.dma_semaphore, #tpu.memory_space<semaphore_mem>> -> memref<!tpu.dma_semaphore, #tpu.memory_space<semaphore_mem>>
    %dma_wait3A_455 = arith.constant 0 : i32
    %dma_wait3A_456 = arith.constant 0 : i32
    %dma_wait3A_457 = tpu.memref_slice %arg6[%dma_wait3A_451, %dma_wait3A_455, %dma_wait3A_456] : memref<2x1024x1024xf32, #tpu.memory_space<vmem>> -> memref<1x1024x1024xf32, #tpu.memory_space<vmem>>
    %dma_wait3A_458 = tpu.memref_squeeze %dma_wait3A_457 : memref<1x1024x1024xf32, #tpu.memory_space<vmem>> -> memref<1024x1024xf32, #tpu.memory_space<vmem>>
    %dma_wait3A_459 = arith.constant 0 : i32
    %dma_wait3A_460 = arith.constant 0 : i32
    %dma_wait3A_461 = tpu.memref_slice %arg3[%dma_wait3A_450, %dma_wait3A_459, %dma_wait3A_460] : memref<8x1024x2048xf32, #tpu.memory_space<hbm>> -> memref<1x1024x1024xf32, #tpu.memory_space<hbm>>
    %dma_wait3A_462 = tpu.memref_squeeze %dma_wait3A_461 : memref<1x1024x1024xf32, #tpu.memory_space<hbm>> -> memref<1024x1024xf32, #tpu.memory_space<hbm>>
    tpu.wait_dma2 semaphore(%dma_wait3A_454 : memref<!tpu.dma_semaphore, #tpu.memory_space<semaphore_mem>>) src(%dma_wait3A_462 : memref<1024x1024xf32, #tpu.memory_space<hbm>>) dst(%dma_wait3A_458 : memref<1024x1024xf32, #tpu.memory_space<vmem>>)
    %dma_wait3A_463 = arith.constant 3 : i32
    %dma_wait3A_464 = arith.constant 0 : i32
    %dma_wait3A_465 = arith.constant 1 : i32
    %dma_wait3A_466 = tpu.memref_slice %arg8[%dma_wait3A_465] : memref<4x!tpu.dma_semaphore, #tpu.memory_space<semaphore_mem>> -> memref<1x!tpu.dma_semaphore, #tpu.memory_space<semaphore_mem>>
    %dma_wait3A_467 = tpu.memref_squeeze %dma_wait3A_466 : memref<1x!tpu.dma_semaphore, #tpu.memory_space<semaphore_mem>> -> memref<!tpu.dma_semaphore, #tpu.memory_space<semaphore_mem>>
    %dma_wait3A_468 = arith.constant 0 : i32
    %dma_wait3A_469 = arith.constant 0 : i32
    %dma_wait3A_470 = tpu.memref_slice %arg7[%dma_wait3A_464, %dma_wait3A_468, %dma_wait3A_469] : memref<2x1024x1024xf32, #tpu.memory_space<vmem>> -> memref<1x1024x1024xf32, #tpu.memory_space<vmem>>
    %dma_wait3A_471 = tpu.memref_squeeze %dma_wait3A_470 : memref<1x1024x1024xf32, #tpu.memory_space<vmem>> -> memref<1024x1024xf32, #tpu.memory_space<vmem>>
    %dma_wait3A_472 = arith.constant 0 : i32
    %dma_wait3A_473 = arith.constant 0 : i32
    %dma_wait3A_474 = tpu.memref_slice %arg4[%dma_wait3A_463, %dma_wait3A_472, %dma_wait3A_473] : memref<8x2048x1024xf32, #tpu.memory_space<hbm>> -> memref<1x1024x1024xf32, #tpu.memory_space<hbm>>
    %dma_wait3A_475 = tpu.memref_squeeze %dma_wait3A_474 : memref<1x1024x1024xf32, #tpu.memory_space<hbm>> -> memref<1024x1024xf32, #tpu.memory_space<hbm>>
    tpu.wait_dma2 semaphore(%dma_wait3A_467 : memref<!tpu.dma_semaphore, #tpu.memory_space<semaphore_mem>>) src(%dma_wait3A_475 : memref<1024x1024xf32, #tpu.memory_space<hbm>>) dst(%dma_wait3A_471 : memref<1024x1024xf32, #tpu.memory_space<vmem>>)
    %get3A_476 = arith.constant 0 : index
    %get3A_477 = arith.constant 3 : index
    %get3A_478 = memref.load %arg1[%get3A_476, %get3A_477] : memref<2x8xi32, #tpu.memory_space<smem>>
    %get3A_479 = arith.constant 1 : index
    %get3A_480 = arith.constant 3 : index
    %get3A_481 = memref.load %arg1[%get3A_479, %get3A_480] : memref<2x8xi32, #tpu.memory_space<smem>>
    %while3A_482 = arith.constant 0 : i32
    %while3A_483 = arith.subi %get3A_481, %get3A_478 : i32
    %while3A_484 = arith.addi %get3A_478, %while3A_483 : i32
    %while3A_485 = arith.constant 1 : i32
    %while3A_486 = arith.divsi %while3A_483, %while3A_485 : i32
    %while3A_487 = arith.muli %while3A_486, %while3A_485 : i32
    %while3A_488 = arith.addi %get3A_478, %while3A_487 : i32
    %while3A_489 = arith.constant 1 : i32
    scf.for %while3A_1068 = %get3A_478 to %while3A_488 step %while3A_489  : i32 {
      %mul3A = arith.constant 128 : i32
      %mul3A_1069 = arith.muli %while3A_1068, %mul3A : i32
      %multiple_of3A = tpu.assume_multiple %mul3A_1069, 128 : i32
      %get3A_1070 = arith.index_cast %multiple_of3A : i32 to index
      %get3A_1071 = arith.constant 0 : index
      %get3A_1072 = vector.load %arg2[%get3A_1070, %get3A_1071] : memref<3072x1024xf32, #tpu.memory_space<vmem>>, vector<128x1024xf32>
      %get3A_1073 = arith.constant 0 : index
      %get3A_1074 = arith.constant 0 : index
      %get3A_1075 = arith.constant 0 : index
      %get3A_1076 = vector.load %arg6[%get3A_1073, %get3A_1074, %get3A_1075] : memref<2x1024x1024xf32, #tpu.memory_space<vmem>>, vector<1x1024x1024xf32>
      %get3A_1077 = vector.shape_cast %get3A_1076 : vector<1x1024x1024xf32> to vector<1024x1024xf32>
      %dot_general3A = arith.constant dense<0.000000e+00> : vector<128x1024xf32>
      %dot_general3A_1078 = tpu.matmul %get3A_1072, %get3A_1077, %dot_general3A {dimension_numbers = #tpu.dot_dimension_numbers<[1], [0], [0], [1], [0, 0, 1, 1], [], []>, transpose_lhs_hint = false} : vector<128x1024xf32>, vector<1024x1024xf32>, vector<128x1024xf32> -> vector<128x1024xf32>
      %max3A = arith.constant 0.000000e+00 : f32
      %max3A_1079 = vector.broadcast %max3A : f32 to vector<128x1024xf32>
      %max3A_1080 = arith.maximumf %dot_general3A_1078, %max3A_1079 : vector<128x1024xf32>
      %get3A_1081 = arith.constant 0 : index
      %get3A_1082 = arith.constant 0 : index
      %get3A_1083 = arith.constant 0 : index
      %get3A_1084 = vector.load %arg7[%get3A_1081, %get3A_1082, %get3A_1083] : memref<2x1024x1024xf32, #tpu.memory_space<vmem>>, vector<1x1024x1024xf32>
      %get3A_1085 = vector.shape_cast %get3A_1084 : vector<1x1024x1024xf32> to vector<1024x1024xf32>
      %dot_general3A_1086 = arith.constant dense<0.000000e+00> : vector<128x1024xf32>
      %dot_general3A_1087 = tpu.matmul %max3A_1080, %get3A_1085, %dot_general3A_1086 {dimension_numbers = #tpu.dot_dimension_numbers<[1], [0], [0], [1], [0, 0, 1, 1], [], []>, transpose_lhs_hint = false} : vector<128x1024xf32>, vector<1024x1024xf32>, vector<128x1024xf32> -> vector<128x1024xf32>
      %swap3A = arith.index_cast %multiple_of3A : i32 to index
      %swap3A_1088 = arith.constant 0 : index
      %swap3A_1089 = vector.load %arg5[%swap3A, %swap3A_1088] : memref<3072x1024xf32, #tpu.memory_space<vmem>>, vector<128x1024xf32>
      tpu.vector_store %arg5[%swap3A, %swap3A_1088], %dot_general3A_1087 {strides = array<i32>} : memref<3072x1024xf32, #tpu.memory_space<vmem>>, vector<128x1024xf32>,
    }
    %while3A_490 = arith.constant 1 : i32
    scf.for %while3A_1068 = %while3A_488 to %while3A_484 step %while3A_490  : i32 {
      %mul3A = arith.constant 128 : i32
      %mul3A_1069 = arith.muli %while3A_1068, %mul3A : i32
      %multiple_of3A = tpu.assume_multiple %mul3A_1069, 128 : i32
      %get3A_1070 = arith.index_cast %multiple_of3A : i32 to index
      %get3A_1071 = arith.constant 0 : index
      %get3A_1072 = vector.load %arg2[%get3A_1070, %get3A_1071] : memref<3072x1024xf32, #tpu.memory_space<vmem>>, vector<128x1024xf32>
      %get3A_1073 = arith.constant 0 : index
      %get3A_1074 = arith.constant 0 : index
      %get3A_1075 = arith.constant 0 : index
      %get3A_1076 = vector.load %arg6[%get3A_1073, %get3A_1074, %get3A_1075] : memref<2x1024x1024xf32, #tpu.memory_space<vmem>>, vector<1x1024x1024xf32>
      %get3A_1077 = vector.shape_cast %get3A_1076 : vector<1x1024x1024xf32> to vector<1024x1024xf32>
      %dot_general3A = arith.constant dense<0.000000e+00> : vector<128x1024xf32>
      %dot_general3A_1078 = tpu.matmul %get3A_1072, %get3A_1077, %dot_general3A {dimension_numbers = #tpu.dot_dimension_numbers<[1], [0], [0], [1], [0, 0, 1, 1], [], []>, transpose_lhs_hint = false} : vector<128x1024xf32>, vector<1024x1024xf32>, vector<128x1024xf32> -> vector<128x1024xf32>
      %max3A = arith.constant 0.000000e+00 : f32
      %max3A_1079 = vector.broadcast %max3A : f32 to vector<128x1024xf32>
      %max3A_1080 = arith.maximumf %dot_general3A_1078, %max3A_1079 : vector<128x1024xf32>
      %get3A_1081 = arith.constant 0 : index
      %get3A_1082 = arith.constant 0 : index
      %get3A_1083 = arith.constant 0 : index
      %get3A_1084 = vector.load %arg7[%get3A_1081, %get3A_1082, %get3A_1083] : memref<2x1024x1024xf32, #tpu.memory_space<vmem>>, vector<1x1024x1024xf32>
      %get3A_1085 = vector.shape_cast %get3A_1084 : vector<1x1024x1024xf32> to vector<1024x1024xf32>
      %dot_general3A_1086 = arith.constant dense<0.000000e+00> : vector<128x1024xf32>
      %dot_general3A_1087 = tpu.matmul %max3A_1080, %get3A_1085, %dot_general3A_1086 {dimension_numbers = #tpu.dot_dimension_numbers<[1], [0], [0], [1], [0, 0, 1, 1], [], []>, transpose_lhs_hint = false} : vector<128x1024xf32>, vector<1024x1024xf32>, vector<128x1024xf32> -> vector<128x1024xf32>
      %swap3A = arith.index_cast %multiple_of3A : i32 to index
      %swap3A_1088 = arith.constant 0 : index
      %swap3A_1089 = vector.load %arg5[%swap3A, %swap3A_1088] : memref<3072x1024xf32, #tpu.memory_space<vmem>>, vector<128x1024xf32>
      tpu.vector_store %arg5[%swap3A, %swap3A_1088], %dot_general3A_1087 {strides = array<i32>} : memref<3072x1024xf32, #tpu.memory_space<vmem>>, vector<128x1024xf32>,
    }
    %dma_start3A_491 = arith.constant 4 : i32
    %dma_start3A_492 = arith.constant 0 : i32
    %dma_start3A_493 = arith.constant 0 : i32
    %dma_start3A_494 = tpu.memref_slice %arg8[%dma_start3A_493] : memref<4x!tpu.dma_semaphore, #tpu.memory_space<semaphore_mem>> -> memref<1x!tpu.dma_semaphore, #tpu.memory_space<semaphore_mem>>
    %dma_start3A_495 = tpu.memref_squeeze %dma_start3A_494 : memref<1x!tpu.dma_semaphore, #tpu.memory_space<semaphore_mem>> -> memref<!tpu.dma_semaphore, #tpu.memory_space<semaphore_mem>>
    %dma_start3A_496 = arith.constant 0 : i32
    %dma_start3A_497 = arith.constant 0 : i32
    %dma_start3A_498 = tpu.memref_slice %arg6[%dma_start3A_492, %dma_start3A_496, %dma_start3A_497] : memref<2x1024x1024xf32, #tpu.memory_space<vmem>> -> memref<1x1024x1024xf32, #tpu.memory_space<vmem>>
    %dma_start3A_499 = tpu.memref_squeeze %dma_start3A_498 : memref<1x1024x1024xf32, #tpu.memory_space<vmem>> -> memref<1024x1024xf32, #tpu.memory_space<vmem>>
    %dma_start3A_500 = arith.constant 0 : i32
    %dma_start3A_501 = arith.constant 0 : i32
    %dma_start3A_502 = tpu.memref_slice %arg3[%dma_start3A_491, %dma_start3A_500, %dma_start3A_501] : memref<8x1024x2048xf32, #tpu.memory_space<hbm>> -> memref<1x1024x1024xf32, #tpu.memory_space<hbm>>
    %dma_start3A_503 = tpu.memref_squeeze %dma_start3A_502 : memref<1x1024x1024xf32, #tpu.memory_space<hbm>> -> memref<1024x1024xf32, #tpu.memory_space<hbm>>
    tpu.enqueue_dma source(%dma_start3A_503 : memref<1024x1024xf32, #tpu.memory_space<hbm>>) target(%dma_start3A_499 : memref<1024x1024xf32, #tpu.memory_space<vmem>>) target_semaphore(%dma_start3A_495 : memref<!tpu.dma_semaphore, #tpu.memory_space<semaphore_mem>>)
    %dma_start3A_504 = arith.constant 4 : i32
    %dma_start3A_505 = arith.constant 0 : i32
    %dma_start3A_506 = arith.constant 1 : i32
    %dma_start3A_507 = tpu.memref_slice %arg8[%dma_start3A_506] : memref<4x!tpu.dma_semaphore, #tpu.memory_space<semaphore_mem>> -> memref<1x!tpu.dma_semaphore, #tpu.memory_space<semaphore_mem>>
    %dma_start3A_508 = tpu.memref_squeeze %dma_start3A_507 : memref<1x!tpu.dma_semaphore, #tpu.memory_space<semaphore_mem>> -> memref<!tpu.dma_semaphore, #tpu.memory_space<semaphore_mem>>
    %dma_start3A_509 = arith.constant 0 : i32
    %dma_start3A_510 = arith.constant 0 : i32
    %dma_start3A_511 = tpu.memref_slice %arg7[%dma_start3A_505, %dma_start3A_509, %dma_start3A_510] : memref<2x1024x1024xf32, #tpu.memory_space<vmem>> -> memref<1x1024x1024xf32, #tpu.memory_space<vmem>>
    %dma_start3A_512 = tpu.memref_squeeze %dma_start3A_511 : memref<1x1024x1024xf32, #tpu.memory_space<vmem>> -> memref<1024x1024xf32, #tpu.memory_space<vmem>>
    %dma_start3A_513 = arith.constant 0 : i32
    %dma_start3A_514 = arith.constant 0 : i32
    %dma_start3A_515 = tpu.memref_slice %arg4[%dma_start3A_504, %dma_start3A_513, %dma_start3A_514] : memref<8x2048x1024xf32, #tpu.memory_space<hbm>> -> memref<1x1024x1024xf32, #tpu.memory_space<hbm>>
    %dma_start3A_516 = tpu.memref_squeeze %dma_start3A_515 : memref<1x1024x1024xf32, #tpu.memory_space<hbm>> -> memref<1024x1024xf32, #tpu.memory_space<hbm>>
    tpu.enqueue_dma source(%dma_start3A_516 : memref<1024x1024xf32, #tpu.memory_space<hbm>>) target(%dma_start3A_512 : memref<1024x1024xf32, #tpu.memory_space<vmem>>) target_semaphore(%dma_start3A_508 : memref<!tpu.dma_semaphore, #tpu.memory_space<semaphore_mem>>)
    %dma_wait3A_517 = arith.constant 3 : i32
    %dma_wait3A_518 = arith.constant 1 : i32
    %dma_wait3A_519 = arith.constant 2 : i32
    %dma_wait3A_520 = tpu.memref_slice %arg8[%dma_wait3A_519] : memref<4x!tpu.dma_semaphore, #tpu.memory_space<semaphore_mem>> -> memref<1x!tpu.dma_semaphore, #tpu.memory_space<semaphore_mem>>
    %dma_wait3A_521 = tpu.memref_squeeze %dma_wait3A_520 : memref<1x!tpu.dma_semaphore, #tpu.memory_space<semaphore_mem>> -> memref<!tpu.dma_semaphore, #tpu.memory_space<semaphore_mem>>
    %dma_wait3A_522 = arith.constant 0 : i32
    %dma_wait3A_523 = arith.constant 0 : i32
    %dma_wait3A_524 = tpu.memref_slice %arg6[%dma_wait3A_518, %dma_wait3A_522, %dma_wait3A_523] : memref<2x1024x1024xf32, #tpu.memory_space<vmem>> -> memref<1x1024x1024xf32, #tpu.memory_space<vmem>>
    %dma_wait3A_525 = tpu.memref_squeeze %dma_wait3A_524 : memref<1x1024x1024xf32, #tpu.memory_space<vmem>> -> memref<1024x1024xf32, #tpu.memory_space<vmem>>
    %dma_wait3A_526 = arith.constant 0 : i32
    %dma_wait3A_527 = arith.constant 1024 : i32
    %dma_wait3A_528 = tpu.memref_slice %arg3[%dma_wait3A_517, %dma_wait3A_526, %dma_wait3A_527] : memref<8x1024x2048xf32, #tpu.memory_space<hbm>> -> memref<1x1024x1024xf32, #tpu.memory_space<hbm>>
    %dma_wait3A_529 = tpu.memref_squeeze %dma_wait3A_528 : memref<1x1024x1024xf32, #tpu.memory_space<hbm>> -> memref<1024x1024xf32, #tpu.memory_space<hbm>>
    tpu.wait_dma2 semaphore(%dma_wait3A_521 : memref<!tpu.dma_semaphore, #tpu.memory_space<semaphore_mem>>) src(%dma_wait3A_529 : memref<1024x1024xf32, #tpu.memory_space<hbm>>) dst(%dma_wait3A_525 : memref<1024x1024xf32, #tpu.memory_space<vmem>>)
    %dma_wait3A_530 = arith.constant 3 : i32
    %dma_wait3A_531 = arith.constant 1 : i32
    %dma_wait3A_532 = arith.constant 3 : i32
    %dma_wait3A_533 = tpu.memref_slice %arg8[%dma_wait3A_532] : memref<4x!tpu.dma_semaphore, #tpu.memory_space<semaphore_mem>> -> memref<1x!tpu.dma_semaphore, #tpu.memory_space<semaphore_mem>>
    %dma_wait3A_534 = tpu.memref_squeeze %dma_wait3A_533 : memref<1x!tpu.dma_semaphore, #tpu.memory_space<semaphore_mem>> -> memref<!tpu.dma_semaphore, #tpu.memory_space<semaphore_mem>>
    %dma_wait3A_535 = arith.constant 0 : i32
    %dma_wait3A_536 = arith.constant 0 : i32
    %dma_wait3A_537 = tpu.memref_slice %arg7[%dma_wait3A_531, %dma_wait3A_535, %dma_wait3A_536] : memref<2x1024x1024xf32, #tpu.memory_space<vmem>> -> memref<1x1024x1024xf32, #tpu.memory_space<vmem>>
    %dma_wait3A_538 = tpu.memref_squeeze %dma_wait3A_537 : memref<1x1024x1024xf32, #tpu.memory_space<vmem>> -> memref<1024x1024xf32, #tpu.memory_space<vmem>>
    %dma_wait3A_539 = arith.constant 1024 : i32
    %dma_wait3A_540 = arith.constant 0 : i32
    %dma_wait3A_541 = tpu.memref_slice %arg4[%dma_wait3A_530, %dma_wait3A_539, %dma_wait3A_540] : memref<8x2048x1024xf32, #tpu.memory_space<hbm>> -> memref<1x1024x1024xf32, #tpu.memory_space<hbm>>
    %dma_wait3A_542 = tpu.memref_squeeze %dma_wait3A_541 : memref<1x1024x1024xf32, #tpu.memory_space<hbm>> -> memref<1024x1024xf32, #tpu.memory_space<hbm>>
    tpu.wait_dma2 semaphore(%dma_wait3A_534 : memref<!tpu.dma_semaphore, #tpu.memory_space<semaphore_mem>>) src(%dma_wait3A_542 : memref<1024x1024xf32, #tpu.memory_space<hbm>>) dst(%dma_wait3A_538 : memref<1024x1024xf32, #tpu.memory_space<vmem>>)
    %get3A_543 = arith.constant 0 : index
    %get3A_544 = arith.constant 3 : index
    %get3A_545 = memref.load %arg1[%get3A_543, %get3A_544] : memref<2x8xi32, #tpu.memory_space<smem>>
    %get3A_546 = arith.constant 1 : index
    %get3A_547 = arith.constant 3 : index
    %get3A_548 = memref.load %arg1[%get3A_546, %get3A_547] : memref<2x8xi32, #tpu.memory_space<smem>>
    %while3A_549 = arith.constant 0 : i32
    %while3A_550 = arith.subi %get3A_548, %get3A_545 : i32
    %while3A_551 = arith.addi %get3A_545, %while3A_550 : i32
    %while3A_552 = arith.constant 1 : i32
    %while3A_553 = arith.divsi %while3A_550, %while3A_552 : i32
    %while3A_554 = arith.muli %while3A_553, %while3A_552 : i32
    %while3A_555 = arith.addi %get3A_545, %while3A_554 : i32
    %while3A_556 = arith.constant 1 : i32
    scf.for %while3A_1068 = %get3A_545 to %while3A_555 step %while3A_556  : i32 {
      %mul3A = arith.constant 128 : i32
      %mul3A_1069 = arith.muli %while3A_1068, %mul3A : i32
      %multiple_of3A = tpu.assume_multiple %mul3A_1069, 128 : i32
      %get3A_1070 = arith.index_cast %multiple_of3A : i32 to index
      %get3A_1071 = arith.constant 0 : index
      %get3A_1072 = vector.load %arg2[%get3A_1070, %get3A_1071] : memref<3072x1024xf32, #tpu.memory_space<vmem>>, vector<128x1024xf32>
      %get3A_1073 = arith.constant 1 : index
      %get3A_1074 = arith.constant 0 : index
      %get3A_1075 = arith.constant 0 : index
      %get3A_1076 = vector.load %arg6[%get3A_1073, %get3A_1074, %get3A_1075] : memref<2x1024x1024xf32, #tpu.memory_space<vmem>>, vector<1x1024x1024xf32>
      %get3A_1077 = vector.shape_cast %get3A_1076 : vector<1x1024x1024xf32> to vector<1024x1024xf32>
      %dot_general3A = arith.constant dense<0.000000e+00> : vector<128x1024xf32>
      %dot_general3A_1078 = tpu.matmul %get3A_1072, %get3A_1077, %dot_general3A {dimension_numbers = #tpu.dot_dimension_numbers<[1], [0], [0], [1], [0, 0, 1, 1], [], []>, transpose_lhs_hint = false} : vector<128x1024xf32>, vector<1024x1024xf32>, vector<128x1024xf32> -> vector<128x1024xf32>
      %max3A = arith.constant 0.000000e+00 : f32
      %max3A_1079 = vector.broadcast %max3A : f32 to vector<128x1024xf32>
      %max3A_1080 = arith.maximumf %dot_general3A_1078, %max3A_1079 : vector<128x1024xf32>
      %get3A_1081 = arith.constant 1 : index
      %get3A_1082 = arith.constant 0 : index
      %get3A_1083 = arith.constant 0 : index
      %get3A_1084 = vector.load %arg7[%get3A_1081, %get3A_1082, %get3A_1083] : memref<2x1024x1024xf32, #tpu.memory_space<vmem>>, vector<1x1024x1024xf32>
      %get3A_1085 = vector.shape_cast %get3A_1084 : vector<1x1024x1024xf32> to vector<1024x1024xf32>
      %dot_general3A_1086 = arith.constant dense<0.000000e+00> : vector<128x1024xf32>
      %dot_general3A_1087 = tpu.matmul %max3A_1080, %get3A_1085, %dot_general3A_1086 {dimension_numbers = #tpu.dot_dimension_numbers<[1], [0], [0], [1], [0, 0, 1, 1], [], []>, transpose_lhs_hint = false} : vector<128x1024xf32>, vector<1024x1024xf32>, vector<128x1024xf32> -> vector<128x1024xf32>
      %get3A_1088 = arith.index_cast %multiple_of3A : i32 to index
      %get3A_1089 = arith.constant 0 : index
      %get3A_1090 = vector.load %arg5[%get3A_1088, %get3A_1089] : memref<3072x1024xf32, #tpu.memory_space<vmem>>, vector<128x1024xf32>
      %add3A = arith.addf %get3A_1090, %dot_general3A_1087 : vector<128x1024xf32>
      %swap3A = arith.index_cast %multiple_of3A : i32 to index
      %swap3A_1091 = arith.constant 0 : index
      %swap3A_1092 = vector.load %arg5[%swap3A, %swap3A_1091] : memref<3072x1024xf32, #tpu.memory_space<vmem>>, vector<128x1024xf32>
      tpu.vector_store %arg5[%swap3A, %swap3A_1091], %add3A {strides = array<i32>} : memref<3072x1024xf32, #tpu.memory_space<vmem>>, vector<128x1024xf32>,
    }
    %while3A_557 = arith.constant 1 : i32
    scf.for %while3A_1068 = %while3A_555 to %while3A_551 step %while3A_557  : i32 {
      %mul3A = arith.constant 128 : i32
      %mul3A_1069 = arith.muli %while3A_1068, %mul3A : i32
      %multiple_of3A = tpu.assume_multiple %mul3A_1069, 128 : i32
      %get3A_1070 = arith.index_cast %multiple_of3A : i32 to index
      %get3A_1071 = arith.constant 0 : index
      %get3A_1072 = vector.load %arg2[%get3A_1070, %get3A_1071] : memref<3072x1024xf32, #tpu.memory_space<vmem>>, vector<128x1024xf32>
      %get3A_1073 = arith.constant 1 : index
      %get3A_1074 = arith.constant 0 : index
      %get3A_1075 = arith.constant 0 : index
      %get3A_1076 = vector.load %arg6[%get3A_1073, %get3A_1074, %get3A_1075] : memref<2x1024x1024xf32, #tpu.memory_space<vmem>>, vector<1x1024x1024xf32>
      %get3A_1077 = vector.shape_cast %get3A_1076 : vector<1x1024x1024xf32> to vector<1024x1024xf32>
      %dot_general3A = arith.constant dense<0.000000e+00> : vector<128x1024xf32>
      %dot_general3A_1078 = tpu.matmul %get3A_1072, %get3A_1077, %dot_general3A {dimension_numbers = #tpu.dot_dimension_numbers<[1], [0], [0], [1], [0, 0, 1, 1], [], []>, transpose_lhs_hint = false} : vector<128x1024xf32>, vector<1024x1024xf32>, vector<128x1024xf32> -> vector<128x1024xf32>
      %max3A = arith.constant 0.000000e+00 : f32
      %max3A_1079 = vector.broadcast %max3A : f32 to vector<128x1024xf32>
      %max3A_1080 = arith.maximumf %dot_general3A_1078, %max3A_1079 : vector<128x1024xf32>
      %get3A_1081 = arith.constant 1 : index
      %get3A_1082 = arith.constant 0 : index
      %get3A_1083 = arith.constant 0 : index
      %get3A_1084 = vector.load %arg7[%get3A_1081, %get3A_1082, %get3A_1083] : memref<2x1024x1024xf32, #tpu.memory_space<vmem>>, vector<1x1024x1024xf32>
      %get3A_1085 = vector.shape_cast %get3A_1084 : vector<1x1024x1024xf32> to vector<1024x1024xf32>
      %dot_general3A_1086 = arith.constant dense<0.000000e+00> : vector<128x1024xf32>
      %dot_general3A_1087 = tpu.matmul %max3A_1080, %get3A_1085, %dot_general3A_1086 {dimension_numbers = #tpu.dot_dimension_numbers<[1], [0], [0], [1], [0, 0, 1, 1], [], []>, transpose_lhs_hint = false} : vector<128x1024xf32>, vector<1024x1024xf32>, vector<128x1024xf32> -> vector<128x1024xf32>
      %get3A_1088 = arith.index_cast %multiple_of3A : i32 to index
      %get3A_1089 = arith.constant 0 : index
      %get3A_1090 = vector.load %arg5[%get3A_1088, %get3A_1089] : memref<3072x1024xf32, #tpu.memory_space<vmem>>, vector<128x1024xf32>
      %add3A = arith.addf %get3A_1090, %dot_general3A_1087 : vector<128x1024xf32>
      %swap3A = arith.index_cast %multiple_of3A : i32 to index
      %swap3A_1091 = arith.constant 0 : index
      %swap3A_1092 = vector.load %arg5[%swap3A, %swap3A_1091] : memref<3072x1024xf32, #tpu.memory_space<vmem>>, vector<128x1024xf32>
      tpu.vector_store %arg5[%swap3A, %swap3A_1091], %add3A {strides = array<i32>} : memref<3072x1024xf32, #tpu.memory_space<vmem>>, vector<128x1024xf32>,
    }
    %dma_start3A_558 = arith.constant 4 : i32
    %dma_start3A_559 = arith.constant 1 : i32
    %dma_start3A_560 = arith.constant 2 : i32
    %dma_start3A_561 = tpu.memref_slice %arg8[%dma_start3A_560] : memref<4x!tpu.dma_semaphore, #tpu.memory_space<semaphore_mem>> -> memref<1x!tpu.dma_semaphore, #tpu.memory_space<semaphore_mem>>
    %dma_start3A_562 = tpu.memref_squeeze %dma_start3A_561 : memref<1x!tpu.dma_semaphore, #tpu.memory_space<semaphore_mem>> -> memref<!tpu.dma_semaphore, #tpu.memory_space<semaphore_mem>>
    %dma_start3A_563 = arith.constant 0 : i32
    %dma_start3A_564 = arith.constant 0 : i32
    %dma_start3A_565 = tpu.memref_slice %arg6[%dma_start3A_559, %dma_start3A_563, %dma_start3A_564] : memref<2x1024x1024xf32, #tpu.memory_space<vmem>> -> memref<1x1024x1024xf32, #tpu.memory_space<vmem>>
    %dma_start3A_566 = tpu.memref_squeeze %dma_start3A_565 : memref<1x1024x1024xf32, #tpu.memory_space<vmem>> -> memref<1024x1024xf32, #tpu.memory_space<vmem>>
    %dma_start3A_567 = arith.constant 0 : i32
    %dma_start3A_568 = arith.constant 1024 : i32
    %dma_start3A_569 = tpu.memref_slice %arg3[%dma_start3A_558, %dma_start3A_567, %dma_start3A_568] : memref<8x1024x2048xf32, #tpu.memory_space<hbm>> -> memref<1x1024x1024xf32, #tpu.memory_space<hbm>>
    %dma_start3A_570 = tpu.memref_squeeze %dma_start3A_569 : memref<1x1024x1024xf32, #tpu.memory_space<hbm>> -> memref<1024x1024xf32, #tpu.memory_space<hbm>>
    tpu.enqueue_dma source(%dma_start3A_570 : memref<1024x1024xf32, #tpu.memory_space<hbm>>) target(%dma_start3A_566 : memref<1024x1024xf32, #tpu.memory_space<vmem>>) target_semaphore(%dma_start3A_562 : memref<!tpu.dma_semaphore, #tpu.memory_space<semaphore_mem>>)
    %dma_start3A_571 = arith.constant 4 : i32
    %dma_start3A_572 = arith.constant 1 : i32
    %dma_start3A_573 = arith.constant 3 : i32
    %dma_start3A_574 = tpu.memref_slice %arg8[%dma_start3A_573] : memref<4x!tpu.dma_semaphore, #tpu.memory_space<semaphore_mem>> -> memref<1x!tpu.dma_semaphore, #tpu.memory_space<semaphore_mem>>
    %dma_start3A_575 = tpu.memref_squeeze %dma_start3A_574 : memref<1x!tpu.dma_semaphore, #tpu.memory_space<semaphore_mem>> -> memref<!tpu.dma_semaphore, #tpu.memory_space<semaphore_mem>>
    %dma_start3A_576 = arith.constant 0 : i32
    %dma_start3A_577 = arith.constant 0 : i32
    %dma_start3A_578 = tpu.memref_slice %arg7[%dma_start3A_572, %dma_start3A_576, %dma_start3A_577] : memref<2x1024x1024xf32, #tpu.memory_space<vmem>> -> memref<1x1024x1024xf32, #tpu.memory_space<vmem>>
    %dma_start3A_579 = tpu.memref_squeeze %dma_start3A_578 : memref<1x1024x1024xf32, #tpu.memory_space<vmem>> -> memref<1024x1024xf32, #tpu.memory_space<vmem>>
    %dma_start3A_580 = arith.constant 1024 : i32
    %dma_start3A_581 = arith.constant 0 : i32
    %dma_start3A_582 = tpu.memref_slice %arg4[%dma_start3A_571, %dma_start3A_580, %dma_start3A_581] : memref<8x2048x1024xf32, #tpu.memory_space<hbm>> -> memref<1x1024x1024xf32, #tpu.memory_space<hbm>>
    %dma_start3A_583 = tpu.memref_squeeze %dma_start3A_582 : memref<1x1024x1024xf32, #tpu.memory_space<hbm>> -> memref<1024x1024xf32, #tpu.memory_space<hbm>>
    tpu.enqueue_dma source(%dma_start3A_583 : memref<1024x1024xf32, #tpu.memory_space<hbm>>) target(%dma_start3A_579 : memref<1024x1024xf32, #tpu.memory_space<vmem>>) target_semaphore(%dma_start3A_575 : memref<!tpu.dma_semaphore, #tpu.memory_space<semaphore_mem>>)
    %dma_wait3A_584 = arith.constant 4 : i32
    %dma_wait3A_585 = arith.constant 0 : i32
    %dma_wait3A_586 = arith.constant 0 : i32
    %dma_wait3A_587 = tpu.memref_slice %arg8[%dma_wait3A_586] : memref<4x!tpu.dma_semaphore, #tpu.memory_space<semaphore_mem>> -> memref<1x!tpu.dma_semaphore, #tpu.memory_space<semaphore_mem>>
    %dma_wait3A_588 = tpu.memref_squeeze %dma_wait3A_587 : memref<1x!tpu.dma_semaphore, #tpu.memory_space<semaphore_mem>> -> memref<!tpu.dma_semaphore, #tpu.memory_space<semaphore_mem>>
    %dma_wait3A_589 = arith.constant 0 : i32
    %dma_wait3A_590 = arith.constant 0 : i32
    %dma_wait3A_591 = tpu.memref_slice %arg6[%dma_wait3A_585, %dma_wait3A_589, %dma_wait3A_590] : memref<2x1024x1024xf32, #tpu.memory_space<vmem>> -> memref<1x1024x1024xf32, #tpu.memory_space<vmem>>
    %dma_wait3A_592 = tpu.memref_squeeze %dma_wait3A_591 : memref<1x1024x1024xf32, #tpu.memory_space<vmem>> -> memref<1024x1024xf32, #tpu.memory_space<vmem>>
    %dma_wait3A_593 = arith.constant 0 : i32
    %dma_wait3A_594 = arith.constant 0 : i32
    %dma_wait3A_595 = tpu.memref_slice %arg3[%dma_wait3A_584, %dma_wait3A_593, %dma_wait3A_594] : memref<8x1024x2048xf32, #tpu.memory_space<hbm>> -> memref<1x1024x1024xf32, #tpu.memory_space<hbm>>
    %dma_wait3A_596 = tpu.memref_squeeze %dma_wait3A_595 : memref<1x1024x1024xf32, #tpu.memory_space<hbm>> -> memref<1024x1024xf32, #tpu.memory_space<hbm>>
    tpu.wait_dma2 semaphore(%dma_wait3A_588 : memref<!tpu.dma_semaphore, #tpu.memory_space<semaphore_mem>>) src(%dma_wait3A_596 : memref<1024x1024xf32, #tpu.memory_space<hbm>>) dst(%dma_wait3A_592 : memref<1024x1024xf32, #tpu.memory_space<vmem>>)
    %dma_wait3A_597 = arith.constant 4 : i32
    %dma_wait3A_598 = arith.constant 0 : i32
    %dma_wait3A_599 = arith.constant 1 : i32
    %dma_wait3A_600 = tpu.memref_slice %arg8[%dma_wait3A_599] : memref<4x!tpu.dma_semaphore, #tpu.memory_space<semaphore_mem>> -> memref<1x!tpu.dma_semaphore, #tpu.memory_space<semaphore_mem>>
    %dma_wait3A_601 = tpu.memref_squeeze %dma_wait3A_600 : memref<1x!tpu.dma_semaphore, #tpu.memory_space<semaphore_mem>> -> memref<!tpu.dma_semaphore, #tpu.memory_space<semaphore_mem>>
    %dma_wait3A_602 = arith.constant 0 : i32
    %dma_wait3A_603 = arith.constant 0 : i32
    %dma_wait3A_604 = tpu.memref_slice %arg7[%dma_wait3A_598, %dma_wait3A_602, %dma_wait3A_603] : memref<2x1024x1024xf32, #tpu.memory_space<vmem>> -> memref<1x1024x1024xf32, #tpu.memory_space<vmem>>
    %dma_wait3A_605 = tpu.memref_squeeze %dma_wait3A_604 : memref<1x1024x1024xf32, #tpu.memory_space<vmem>> -> memref<1024x1024xf32, #tpu.memory_space<vmem>>
    %dma_wait3A_606 = arith.constant 0 : i32
    %dma_wait3A_607 = arith.constant 0 : i32
    %dma_wait3A_608 = tpu.memref_slice %arg4[%dma_wait3A_597, %dma_wait3A_606, %dma_wait3A_607] : memref<8x2048x1024xf32, #tpu.memory_space<hbm>> -> memref<1x1024x1024xf32, #tpu.memory_space<hbm>>
    %dma_wait3A_609 = tpu.memref_squeeze %dma_wait3A_608 : memref<1x1024x1024xf32, #tpu.memory_space<hbm>> -> memref<1024x1024xf32, #tpu.memory_space<hbm>>
    tpu.wait_dma2 semaphore(%dma_wait3A_601 : memref<!tpu.dma_semaphore, #tpu.memory_space<semaphore_mem>>) src(%dma_wait3A_609 : memref<1024x1024xf32, #tpu.memory_space<hbm>>) dst(%dma_wait3A_605 : memref<1024x1024xf32, #tpu.memory_space<vmem>>)
    %get3A_610 = arith.constant 0 : index
    %get3A_611 = arith.constant 4 : index
    %get3A_612 = memref.load %arg1[%get3A_610, %get3A_611] : memref<2x8xi32, #tpu.memory_space<smem>>
    %get3A_613 = arith.constant 1 : index
    %get3A_614 = arith.constant 4 : index
    %get3A_615 = memref.load %arg1[%get3A_613, %get3A_614] : memref<2x8xi32, #tpu.memory_space<smem>>
    %while3A_616 = arith.constant 0 : i32
    %while3A_617 = arith.subi %get3A_615, %get3A_612 : i32
    %while3A_618 = arith.addi %get3A_612, %while3A_617 : i32
    %while3A_619 = arith.constant 1 : i32
    %while3A_620 = arith.divsi %while3A_617, %while3A_619 : i32
    %while3A_621 = arith.muli %while3A_620, %while3A_619 : i32
    %while3A_622 = arith.addi %get3A_612, %while3A_621 : i32
    %while3A_623 = arith.constant 1 : i32
    scf.for %while3A_1068 = %get3A_612 to %while3A_622 step %while3A_623  : i32 {
      %mul3A = arith.constant 128 : i32
      %mul3A_1069 = arith.muli %while3A_1068, %mul3A : i32
      %multiple_of3A = tpu.assume_multiple %mul3A_1069, 128 : i32
      %get3A_1070 = arith.index_cast %multiple_of3A : i32 to index
      %get3A_1071 = arith.constant 0 : index
      %get3A_1072 = vector.load %arg2[%get3A_1070, %get3A_1071] : memref<3072x1024xf32, #tpu.memory_space<vmem>>, vector<128x1024xf32>
      %get3A_1073 = arith.constant 0 : index
      %get3A_1074 = arith.constant 0 : index
      %get3A_1075 = arith.constant 0 : index
      %get3A_1076 = vector.load %arg6[%get3A_1073, %get3A_1074, %get3A_1075] : memref<2x1024x1024xf32, #tpu.memory_space<vmem>>, vector<1x1024x1024xf32>
      %get3A_1077 = vector.shape_cast %get3A_1076 : vector<1x1024x1024xf32> to vector<1024x1024xf32>
      %dot_general3A = arith.constant dense<0.000000e+00> : vector<128x1024xf32>
      %dot_general3A_1078 = tpu.matmul %get3A_1072, %get3A_1077, %dot_general3A {dimension_numbers = #tpu.dot_dimension_numbers<[1], [0], [0], [1], [0, 0, 1, 1], [], []>, transpose_lhs_hint = false} : vector<128x1024xf32>, vector<1024x1024xf32>, vector<128x1024xf32> -> vector<128x1024xf32>
      %max3A = arith.constant 0.000000e+00 : f32
      %max3A_1079 = vector.broadcast %max3A : f32 to vector<128x1024xf32>
      %max3A_1080 = arith.maximumf %dot_general3A_1078, %max3A_1079 : vector<128x1024xf32>
      %get3A_1081 = arith.constant 0 : index
      %get3A_1082 = arith.constant 0 : index
      %get3A_1083 = arith.constant 0 : index
      %get3A_1084 = vector.load %arg7[%get3A_1081, %get3A_1082, %get3A_1083] : memref<2x1024x1024xf32, #tpu.memory_space<vmem>>, vector<1x1024x1024xf32>
      %get3A_1085 = vector.shape_cast %get3A_1084 : vector<1x1024x1024xf32> to vector<1024x1024xf32>
      %dot_general3A_1086 = arith.constant dense<0.000000e+00> : vector<128x1024xf32>
      %dot_general3A_1087 = tpu.matmul %max3A_1080, %get3A_1085, %dot_general3A_1086 {dimension_numbers = #tpu.dot_dimension_numbers<[1], [0], [0], [1], [0, 0, 1, 1], [], []>, transpose_lhs_hint = false} : vector<128x1024xf32>, vector<1024x1024xf32>, vector<128x1024xf32> -> vector<128x1024xf32>
      %swap3A = arith.index_cast %multiple_of3A : i32 to index
      %swap3A_1088 = arith.constant 0 : index
      %swap3A_1089 = vector.load %arg5[%swap3A, %swap3A_1088] : memref<3072x1024xf32, #tpu.memory_space<vmem>>, vector<128x1024xf32>
      tpu.vector_store %arg5[%swap3A, %swap3A_1088], %dot_general3A_1087 {strides = array<i32>} : memref<3072x1024xf32, #tpu.memory_space<vmem>>, vector<128x1024xf32>,
    }
    %while3A_624 = arith.constant 1 : i32
    scf.for %while3A_1068 = %while3A_622 to %while3A_618 step %while3A_624  : i32 {
      %mul3A = arith.constant 128 : i32
      %mul3A_1069 = arith.muli %while3A_1068, %mul3A : i32
      %multiple_of3A = tpu.assume_multiple %mul3A_1069, 128 : i32
      %get3A_1070 = arith.index_cast %multiple_of3A : i32 to index
      %get3A_1071 = arith.constant 0 : index
      %get3A_1072 = vector.load %arg2[%get3A_1070, %get3A_1071] : memref<3072x1024xf32, #tpu.memory_space<vmem>>, vector<128x1024xf32>
      %get3A_1073 = arith.constant 0 : index
      %get3A_1074 = arith.constant 0 : index
      %get3A_1075 = arith.constant 0 : index
      %get3A_1076 = vector.load %arg6[%get3A_1073, %get3A_1074, %get3A_1075] : memref<2x1024x1024xf32, #tpu.memory_space<vmem>>, vector<1x1024x1024xf32>
      %get3A_1077 = vector.shape_cast %get3A_1076 : vector<1x1024x1024xf32> to vector<1024x1024xf32>
      %dot_general3A = arith.constant dense<0.000000e+00> : vector<128x1024xf32>
      %dot_general3A_1078 = tpu.matmul %get3A_1072, %get3A_1077, %dot_general3A {dimension_numbers = #tpu.dot_dimension_numbers<[1], [0], [0], [1], [0, 0, 1, 1], [], []>, transpose_lhs_hint = false} : vector<128x1024xf32>, vector<1024x1024xf32>, vector<128x1024xf32> -> vector<128x1024xf32>
      %max3A = arith.constant 0.000000e+00 : f32
      %max3A_1079 = vector.broadcast %max3A : f32 to vector<128x1024xf32>
      %max3A_1080 = arith.maximumf %dot_general3A_1078, %max3A_1079 : vector<128x1024xf32>
      %get3A_1081 = arith.constant 0 : index
      %get3A_1082 = arith.constant 0 : index
      %get3A_1083 = arith.constant 0 : index
      %get3A_1084 = vector.load %arg7[%get3A_1081, %get3A_1082, %get3A_1083] : memref<2x1024x1024xf32, #tpu.memory_space<vmem>>, vector<1x1024x1024xf32>
      %get3A_1085 = vector.shape_cast %get3A_1084 : vector<1x1024x1024xf32> to vector<1024x1024xf32>
      %dot_general3A_1086 = arith.constant dense<0.000000e+00> : vector<128x1024xf32>
      %dot_general3A_1087 = tpu.matmul %max3A_1080, %get3A_1085, %dot_general3A_1086 {dimension_numbers = #tpu.dot_dimension_numbers<[1], [0], [0], [1], [0, 0, 1, 1], [], []>, transpose_lhs_hint = false} : vector<128x1024xf32>, vector<1024x1024xf32>, vector<128x1024xf32> -> vector<128x1024xf32>
      %swap3A = arith.index_cast %multiple_of3A : i32 to index
      %swap3A_1088 = arith.constant 0 : index
      %swap3A_1089 = vector.load %arg5[%swap3A, %swap3A_1088] : memref<3072x1024xf32, #tpu.memory_space<vmem>>, vector<128x1024xf32>
      tpu.vector_store %arg5[%swap3A, %swap3A_1088], %dot_general3A_1087 {strides = array<i32>} : memref<3072x1024xf32, #tpu.memory_space<vmem>>, vector<128x1024xf32>,
    }
    %dma_start3A_625 = arith.constant 5 : i32
    %dma_start3A_626 = arith.constant 0 : i32
    %dma_start3A_627 = arith.constant 0 : i32
    %dma_start3A_628 = tpu.memref_slice %arg8[%dma_start3A_627] : memref<4x!tpu.dma_semaphore, #tpu.memory_space<semaphore_mem>> -> memref<1x!tpu.dma_semaphore, #tpu.memory_space<semaphore_mem>>
    %dma_start3A_629 = tpu.memref_squeeze %dma_start3A_628 : memref<1x!tpu.dma_semaphore, #tpu.memory_space<semaphore_mem>> -> memref<!tpu.dma_semaphore, #tpu.memory_space<semaphore_mem>>
    %dma_start3A_630 = arith.constant 0 : i32
    %dma_start3A_631 = arith.constant 0 : i32
    %dma_start3A_632 = tpu.memref_slice %arg6[%dma_start3A_626, %dma_start3A_630, %dma_start3A_631] : memref<2x1024x1024xf32, #tpu.memory_space<vmem>> -> memref<1x1024x1024xf32, #tpu.memory_space<vmem>>
    %dma_start3A_633 = tpu.memref_squeeze %dma_start3A_632 : memref<1x1024x1024xf32, #tpu.memory_space<vmem>> -> memref<1024x1024xf32, #tpu.memory_space<vmem>>
    %dma_start3A_634 = arith.constant 0 : i32
    %dma_start3A_635 = arith.constant 0 : i32
    %dma_start3A_636 = tpu.memref_slice %arg3[%dma_start3A_625, %dma_start3A_634, %dma_start3A_635] : memref<8x1024x2048xf32, #tpu.memory_space<hbm>> -> memref<1x1024x1024xf32, #tpu.memory_space<hbm>>
    %dma_start3A_637 = tpu.memref_squeeze %dma_start3A_636 : memref<1x1024x1024xf32, #tpu.memory_space<hbm>> -> memref<1024x1024xf32, #tpu.memory_space<hbm>>
    tpu.enqueue_dma source(%dma_start3A_637 : memref<1024x1024xf32, #tpu.memory_space<hbm>>) target(%dma_start3A_633 : memref<1024x1024xf32, #tpu.memory_space<vmem>>) target_semaphore(%dma_start3A_629 : memref<!tpu.dma_semaphore, #tpu.memory_space<semaphore_mem>>)
    %dma_start3A_638 = arith.constant 5 : i32
    %dma_start3A_639 = arith.constant 0 : i32
    %dma_start3A_640 = arith.constant 1 : i32
    %dma_start3A_641 = tpu.memref_slice %arg8[%dma_start3A_640] : memref<4x!tpu.dma_semaphore, #tpu.memory_space<semaphore_mem>> -> memref<1x!tpu.dma_semaphore, #tpu.memory_space<semaphore_mem>>
    %dma_start3A_642 = tpu.memref_squeeze %dma_start3A_641 : memref<1x!tpu.dma_semaphore, #tpu.memory_space<semaphore_mem>> -> memref<!tpu.dma_semaphore, #tpu.memory_space<semaphore_mem>>
    %dma_start3A_643 = arith.constant 0 : i32
    %dma_start3A_644 = arith.constant 0 : i32
    %dma_start3A_645 = tpu.memref_slice %arg7[%dma_start3A_639, %dma_start3A_643, %dma_start3A_644] : memref<2x1024x1024xf32, #tpu.memory_space<vmem>> -> memref<1x1024x1024xf32, #tpu.memory_space<vmem>>
    %dma_start3A_646 = tpu.memref_squeeze %dma_start3A_645 : memref<1x1024x1024xf32, #tpu.memory_space<vmem>> -> memref<1024x1024xf32, #tpu.memory_space<vmem>>
    %dma_start3A_647 = arith.constant 0 : i32
    %dma_start3A_648 = arith.constant 0 : i32
    %dma_start3A_649 = tpu.memref_slice %arg4[%dma_start3A_638, %dma_start3A_647, %dma_start3A_648] : memref<8x2048x1024xf32, #tpu.memory_space<hbm>> -> memref<1x1024x1024xf32, #tpu.memory_space<hbm>>
    %dma_start3A_650 = tpu.memref_squeeze %dma_start3A_649 : memref<1x1024x1024xf32, #tpu.memory_space<hbm>> -> memref<1024x1024xf32, #tpu.memory_space<hbm>>
    tpu.enqueue_dma source(%dma_start3A_650 : memref<1024x1024xf32, #tpu.memory_space<hbm>>) target(%dma_start3A_646 : memref<1024x1024xf32, #tpu.memory_space<vmem>>) target_semaphore(%dma_start3A_642 : memref<!tpu.dma_semaphore, #tpu.memory_space<semaphore_mem>>)
    %dma_wait3A_651 = arith.constant 4 : i32
    %dma_wait3A_652 = arith.constant 1 : i32
    %dma_wait3A_653 = arith.constant 2 : i32
    %dma_wait3A_654 = tpu.memref_slice %arg8[%dma_wait3A_653] : memref<4x!tpu.dma_semaphore, #tpu.memory_space<semaphore_mem>> -> memref<1x!tpu.dma_semaphore, #tpu.memory_space<semaphore_mem>>
    %dma_wait3A_655 = tpu.memref_squeeze %dma_wait3A_654 : memref<1x!tpu.dma_semaphore, #tpu.memory_space<semaphore_mem>> -> memref<!tpu.dma_semaphore, #tpu.memory_space<semaphore_mem>>
    %dma_wait3A_656 = arith.constant 0 : i32
    %dma_wait3A_657 = arith.constant 0 : i32
    %dma_wait3A_658 = tpu.memref_slice %arg6[%dma_wait3A_652, %dma_wait3A_656, %dma_wait3A_657] : memref<2x1024x1024xf32, #tpu.memory_space<vmem>> -> memref<1x1024x1024xf32, #tpu.memory_space<vmem>>
    %dma_wait3A_659 = tpu.memref_squeeze %dma_wait3A_658 : memref<1x1024x1024xf32, #tpu.memory_space<vmem>> -> memref<1024x1024xf32, #tpu.memory_space<vmem>>
    %dma_wait3A_660 = arith.constant 0 : i32
    %dma_wait3A_661 = arith.constant 1024 : i32
    %dma_wait3A_662 = tpu.memref_slice %arg3[%dma_wait3A_651, %dma_wait3A_660, %dma_wait3A_661] : memref<8x1024x2048xf32, #tpu.memory_space<hbm>> -> memref<1x1024x1024xf32, #tpu.memory_space<hbm>>
    %dma_wait3A_663 = tpu.memref_squeeze %dma_wait3A_662 : memref<1x1024x1024xf32, #tpu.memory_space<hbm>> -> memref<1024x1024xf32, #tpu.memory_space<hbm>>
    tpu.wait_dma2 semaphore(%dma_wait3A_655 : memref<!tpu.dma_semaphore, #tpu.memory_space<semaphore_mem>>) src(%dma_wait3A_663 : memref<1024x1024xf32, #tpu.memory_space<hbm>>) dst(%dma_wait3A_659 : memref<1024x1024xf32, #tpu.memory_space<vmem>>)
    %dma_wait3A_664 = arith.constant 4 : i32
    %dma_wait3A_665 = arith.constant 1 : i32
    %dma_wait3A_666 = arith.constant 3 : i32
    %dma_wait3A_667 = tpu.memref_slice %arg8[%dma_wait3A_666] : memref<4x!tpu.dma_semaphore, #tpu.memory_space<semaphore_mem>> -> memref<1x!tpu.dma_semaphore, #tpu.memory_space<semaphore_mem>>
    %dma_wait3A_668 = tpu.memref_squeeze %dma_wait3A_667 : memref<1x!tpu.dma_semaphore, #tpu.memory_space<semaphore_mem>> -> memref<!tpu.dma_semaphore, #tpu.memory_space<semaphore_mem>>
    %dma_wait3A_669 = arith.constant 0 : i32
    %dma_wait3A_670 = arith.constant 0 : i32
    %dma_wait3A_671 = tpu.memref_slice %arg7[%dma_wait3A_665, %dma_wait3A_669, %dma_wait3A_670] : memref<2x1024x1024xf32, #tpu.memory_space<vmem>> -> memref<1x1024x1024xf32, #tpu.memory_space<vmem>>
    %dma_wait3A_672 = tpu.memref_squeeze %dma_wait3A_671 : memref<1x1024x1024xf32, #tpu.memory_space<vmem>> -> memref<1024x1024xf32, #tpu.memory_space<vmem>>
    %dma_wait3A_673 = arith.constant 1024 : i32
    %dma_wait3A_674 = arith.constant 0 : i32
    %dma_wait3A_675 = tpu.memref_slice %arg4[%dma_wait3A_664, %dma_wait3A_673, %dma_wait3A_674] : memref<8x2048x1024xf32, #tpu.memory_space<hbm>> -> memref<1x1024x1024xf32, #tpu.memory_space<hbm>>
    %dma_wait3A_676 = tpu.memref_squeeze %dma_wait3A_675 : memref<1x1024x1024xf32, #tpu.memory_space<hbm>> -> memref<1024x1024xf32, #tpu.memory_space<hbm>>
    tpu.wait_dma2 semaphore(%dma_wait3A_668 : memref<!tpu.dma_semaphore, #tpu.memory_space<semaphore_mem>>) src(%dma_wait3A_676 : memref<1024x1024xf32, #tpu.memory_space<hbm>>) dst(%dma_wait3A_672 : memref<1024x1024xf32, #tpu.memory_space<vmem>>)
    %get3A_677 = arith.constant 0 : index
    %get3A_678 = arith.constant 4 : index
    %get3A_679 = memref.load %arg1[%get3A_677, %get3A_678] : memref<2x8xi32, #tpu.memory_space<smem>>
    %get3A_680 = arith.constant 1 : index
    %get3A_681 = arith.constant 4 : index
    %get3A_682 = memref.load %arg1[%get3A_680, %get3A_681] : memref<2x8xi32, #tpu.memory_space<smem>>
    %while3A_683 = arith.constant 0 : i32
    %while3A_684 = arith.subi %get3A_682, %get3A_679 : i32
    %while3A_685 = arith.addi %get3A_679, %while3A_684 : i32
    %while3A_686 = arith.constant 1 : i32
    %while3A_687 = arith.divsi %while3A_684, %while3A_686 : i32
    %while3A_688 = arith.muli %while3A_687, %while3A_686 : i32
    %while3A_689 = arith.addi %get3A_679, %while3A_688 : i32
    %while3A_690 = arith.constant 1 : i32
    scf.for %while3A_1068 = %get3A_679 to %while3A_689 step %while3A_690  : i32 {
      %mul3A = arith.constant 128 : i32
      %mul3A_1069 = arith.muli %while3A_1068, %mul3A : i32
      %multiple_of3A = tpu.assume_multiple %mul3A_1069, 128 : i32
      %get3A_1070 = arith.index_cast %multiple_of3A : i32 to index
      %get3A_1071 = arith.constant 0 : index
      %get3A_1072 = vector.load %arg2[%get3A_1070, %get3A_1071] : memref<3072x1024xf32, #tpu.memory_space<vmem>>, vector<128x1024xf32>
      %get3A_1073 = arith.constant 1 : index
      %get3A_1074 = arith.constant 0 : index
      %get3A_1075 = arith.constant 0 : index
      %get3A_1076 = vector.load %arg6[%get3A_1073, %get3A_1074, %get3A_1075] : memref<2x1024x1024xf32, #tpu.memory_space<vmem>>, vector<1x1024x1024xf32>
      %get3A_1077 = vector.shape_cast %get3A_1076 : vector<1x1024x1024xf32> to vector<1024x1024xf32>
      %dot_general3A = arith.constant dense<0.000000e+00> : vector<128x1024xf32>
      %dot_general3A_1078 = tpu.matmul %get3A_1072, %get3A_1077, %dot_general3A {dimension_numbers = #tpu.dot_dimension_numbers<[1], [0], [0], [1], [0, 0, 1, 1], [], []>, transpose_lhs_hint = false} : vector<128x1024xf32>, vector<1024x1024xf32>, vector<128x1024xf32> -> vector<128x1024xf32>
      %max3A = arith.constant 0.000000e+00 : f32
      %max3A_1079 = vector.broadcast %max3A : f32 to vector<128x1024xf32>
      %max3A_1080 = arith.maximumf %dot_general3A_1078, %max3A_1079 : vector<128x1024xf32>
      %get3A_1081 = arith.constant 1 : index
      %get3A_1082 = arith.constant 0 : index
      %get3A_1083 = arith.constant 0 : index
      %get3A_1084 = vector.load %arg7[%get3A_1081, %get3A_1082, %get3A_1083] : memref<2x1024x1024xf32, #tpu.memory_space<vmem>>, vector<1x1024x1024xf32>
      %get3A_1085 = vector.shape_cast %get3A_1084 : vector<1x1024x1024xf32> to vector<1024x1024xf32>
      %dot_general3A_1086 = arith.constant dense<0.000000e+00> : vector<128x1024xf32>
      %dot_general3A_1087 = tpu.matmul %max3A_1080, %get3A_1085, %dot_general3A_1086 {dimension_numbers = #tpu.dot_dimension_numbers<[1], [0], [0], [1], [0, 0, 1, 1], [], []>, transpose_lhs_hint = false} : vector<128x1024xf32>, vector<1024x1024xf32>, vector<128x1024xf32> -> vector<128x1024xf32>
      %get3A_1088 = arith.index_cast %multiple_of3A : i32 to index
      %get3A_1089 = arith.constant 0 : index
      %get3A_1090 = vector.load %arg5[%get3A_1088, %get3A_1089] : memref<3072x1024xf32, #tpu.memory_space<vmem>>, vector<128x1024xf32>
      %add3A = arith.addf %get3A_1090, %dot_general3A_1087 : vector<128x1024xf32>
      %swap3A = arith.index_cast %multiple_of3A : i32 to index
      %swap3A_1091 = arith.constant 0 : index
      %swap3A_1092 = vector.load %arg5[%swap3A, %swap3A_1091] : memref<3072x1024xf32, #tpu.memory_space<vmem>>, vector<128x1024xf32>
      tpu.vector_store %arg5[%swap3A, %swap3A_1091], %add3A {strides = array<i32>} : memref<3072x1024xf32, #tpu.memory_space<vmem>>, vector<128x1024xf32>,
    }
    %while3A_691 = arith.constant 1 : i32
    scf.for %while3A_1068 = %while3A_689 to %while3A_685 step %while3A_691  : i32 {
      %mul3A = arith.constant 128 : i32
      %mul3A_1069 = arith.muli %while3A_1068, %mul3A : i32
      %multiple_of3A = tpu.assume_multiple %mul3A_1069, 128 : i32
      %get3A_1070 = arith.index_cast %multiple_of3A : i32 to index
      %get3A_1071 = arith.constant 0 : index
      %get3A_1072 = vector.load %arg2[%get3A_1070, %get3A_1071] : memref<3072x1024xf32, #tpu.memory_space<vmem>>, vector<128x1024xf32>
      %get3A_1073 = arith.constant 1 : index
      %get3A_1074 = arith.constant 0 : index
      %get3A_1075 = arith.constant 0 : index
      %get3A_1076 = vector.load %arg6[%get3A_1073, %get3A_1074, %get3A_1075] : memref<2x1024x1024xf32, #tpu.memory_space<vmem>>, vector<1x1024x1024xf32>
      %get3A_1077 = vector.shape_cast %get3A_1076 : vector<1x1024x1024xf32> to vector<1024x1024xf32>
      %dot_general3A = arith.constant dense<0.000000e+00> : vector<128x1024xf32>
      %dot_general3A_1078 = tpu.matmul %get3A_1072, %get3A_1077, %dot_general3A {dimension_numbers = #tpu.dot_dimension_numbers<[1], [0], [0], [1], [0, 0, 1, 1], [], []>, transpose_lhs_hint = false} : vector<128x1024xf32>, vector<1024x1024xf32>, vector<128x1024xf32> -> vector<128x1024xf32>
      %max3A = arith.constant 0.000000e+00 : f32
      %max3A_1079 = vector.broadcast %max3A : f32 to vector<128x1024xf32>
      %max3A_1080 = arith.maximumf %dot_general3A_1078, %max3A_1079 : vector<128x1024xf32>
      %get3A_1081 = arith.constant 1 : index
      %get3A_1082 = arith.constant 0 : index
      %get3A_1083 = arith.constant 0 : index
      %get3A_1084 = vector.load %arg7[%get3A_1081, %get3A_1082, %get3A_1083] : memref<2x1024x1024xf32, #tpu.memory_space<vmem>>, vector<1x1024x1024xf32>
      %get3A_1085 = vector.shape_cast %get3A_1084 : vector<1x1024x1024xf32> to vector<1024x1024xf32>
      %dot_general3A_1086 = arith.constant dense<0.000000e+00> : vector<128x1024xf32>
      %dot_general3A_1087 = tpu.matmul %max3A_1080, %get3A_1085, %dot_general3A_1086 {dimension_numbers = #tpu.dot_dimension_numbers<[1], [0], [0], [1], [0, 0, 1, 1], [], []>, transpose_lhs_hint = false} : vector<128x1024xf32>, vector<1024x1024xf32>, vector<128x1024xf32> -> vector<128x1024xf32>
      %get3A_1088 = arith.index_cast %multiple_of3A : i32 to index
      %get3A_1089 = arith.constant 0 : index
      %get3A_1090 = vector.load %arg5[%get3A_1088, %get3A_1089] : memref<3072x1024xf32, #tpu.memory_space<vmem>>, vector<128x1024xf32>
      %add3A = arith.addf %get3A_1090, %dot_general3A_1087 : vector<128x1024xf32>
      %swap3A = arith.index_cast %multiple_of3A : i32 to index
      %swap3A_1091 = arith.constant 0 : index
      %swap3A_1092 = vector.load %arg5[%swap3A, %swap3A_1091] : memref<3072x1024xf32, #tpu.memory_space<vmem>>, vector<128x1024xf32>
      tpu.vector_store %arg5[%swap3A, %swap3A_1091], %add3A {strides = array<i32>} : memref<3072x1024xf32, #tpu.memory_space<vmem>>, vector<128x1024xf32>,
    }
    %dma_start3A_692 = arith.constant 5 : i32
    %dma_start3A_693 = arith.constant 1 : i32
    %dma_start3A_694 = arith.constant 2 : i32
    %dma_start3A_695 = tpu.memref_slice %arg8[%dma_start3A_694] : memref<4x!tpu.dma_semaphore, #tpu.memory_space<semaphore_mem>> -> memref<1x!tpu.dma_semaphore, #tpu.memory_space<semaphore_mem>>
    %dma_start3A_696 = tpu.memref_squeeze %dma_start3A_695 : memref<1x!tpu.dma_semaphore, #tpu.memory_space<semaphore_mem>> -> memref<!tpu.dma_semaphore, #tpu.memory_space<semaphore_mem>>
    %dma_start3A_697 = arith.constant 0 : i32
    %dma_start3A_698 = arith.constant 0 : i32
    %dma_start3A_699 = tpu.memref_slice %arg6[%dma_start3A_693, %dma_start3A_697, %dma_start3A_698] : memref<2x1024x1024xf32, #tpu.memory_space<vmem>> -> memref<1x1024x1024xf32, #tpu.memory_space<vmem>>
    %dma_start3A_700 = tpu.memref_squeeze %dma_start3A_699 : memref<1x1024x1024xf32, #tpu.memory_space<vmem>> -> memref<1024x1024xf32, #tpu.memory_space<vmem>>
    %dma_start3A_701 = arith.constant 0 : i32
    %dma_start3A_702 = arith.constant 1024 : i32
    %dma_start3A_703 = tpu.memref_slice %arg3[%dma_start3A_692, %dma_start3A_701, %dma_start3A_702] : memref<8x1024x2048xf32, #tpu.memory_space<hbm>> -> memref<1x1024x1024xf32, #tpu.memory_space<hbm>>
    %dma_start3A_704 = tpu.memref_squeeze %dma_start3A_703 : memref<1x1024x1024xf32, #tpu.memory_space<hbm>> -> memref<1024x1024xf32, #tpu.memory_space<hbm>>
    tpu.enqueue_dma source(%dma_start3A_704 : memref<1024x1024xf32, #tpu.memory_space<hbm>>) target(%dma_start3A_700 : memref<1024x1024xf32, #tpu.memory_space<vmem>>) target_semaphore(%dma_start3A_696 : memref<!tpu.dma_semaphore, #tpu.memory_space<semaphore_mem>>)
    %dma_start3A_705 = arith.constant 5 : i32
    %dma_start3A_706 = arith.constant 1 : i32
    %dma_start3A_707 = arith.constant 3 : i32
    %dma_start3A_708 = tpu.memref_slice %arg8[%dma_start3A_707] : memref<4x!tpu.dma_semaphore, #tpu.memory_space<semaphore_mem>> -> memref<1x!tpu.dma_semaphore, #tpu.memory_space<semaphore_mem>>
    %dma_start3A_709 = tpu.memref_squeeze %dma_start3A_708 : memref<1x!tpu.dma_semaphore, #tpu.memory_space<semaphore_mem>> -> memref<!tpu.dma_semaphore, #tpu.memory_space<semaphore_mem>>
    %dma_start3A_710 = arith.constant 0 : i32
    %dma_start3A_711 = arith.constant 0 : i32
    %dma_start3A_712 = tpu.memref_slice %arg7[%dma_start3A_706, %dma_start3A_710, %dma_start3A_711] : memref<2x1024x1024xf32, #tpu.memory_space<vmem>> -> memref<1x1024x1024xf32, #tpu.memory_space<vmem>>
    %dma_start3A_713 = tpu.memref_squeeze %dma_start3A_712 : memref<1x1024x1024xf32, #tpu.memory_space<vmem>> -> memref<1024x1024xf32, #tpu.memory_space<vmem>>
    %dma_start3A_714 = arith.constant 1024 : i32
    %dma_start3A_715 = arith.constant 0 : i32
    %dma_start3A_716 = tpu.memref_slice %arg4[%dma_start3A_705, %dma_start3A_714, %dma_start3A_715] : memref<8x2048x1024xf32, #tpu.memory_space<hbm>> -> memref<1x1024x1024xf32, #tpu.memory_space<hbm>>
    %dma_start3A_717 = tpu.memref_squeeze %dma_start3A_716 : memref<1x1024x1024xf32, #tpu.memory_space<hbm>> -> memref<1024x1024xf32, #tpu.memory_space<hbm>>
    tpu.enqueue_dma source(%dma_start3A_717 : memref<1024x1024xf32, #tpu.memory_space<hbm>>) target(%dma_start3A_713 : memref<1024x1024xf32, #tpu.memory_space<vmem>>) target_semaphore(%dma_start3A_709 : memref<!tpu.dma_semaphore, #tpu.memory_space<semaphore_mem>>)
    %dma_wait3A_718 = arith.constant 5 : i32
    %dma_wait3A_719 = arith.constant 0 : i32
    %dma_wait3A_720 = arith.constant 0 : i32
    %dma_wait3A_721 = tpu.memref_slice %arg8[%dma_wait3A_720] : memref<4x!tpu.dma_semaphore, #tpu.memory_space<semaphore_mem>> -> memref<1x!tpu.dma_semaphore, #tpu.memory_space<semaphore_mem>>
    %dma_wait3A_722 = tpu.memref_squeeze %dma_wait3A_721 : memref<1x!tpu.dma_semaphore, #tpu.memory_space<semaphore_mem>> -> memref<!tpu.dma_semaphore, #tpu.memory_space<semaphore_mem>>
    %dma_wait3A_723 = arith.constant 0 : i32
    %dma_wait3A_724 = arith.constant 0 : i32
    %dma_wait3A_725 = tpu.memref_slice %arg6[%dma_wait3A_719, %dma_wait3A_723, %dma_wait3A_724] : memref<2x1024x1024xf32, #tpu.memory_space<vmem>> -> memref<1x1024x1024xf32, #tpu.memory_space<vmem>>
    %dma_wait3A_726 = tpu.memref_squeeze %dma_wait3A_725 : memref<1x1024x1024xf32, #tpu.memory_space<vmem>> -> memref<1024x1024xf32, #tpu.memory_space<vmem>>
    %dma_wait3A_727 = arith.constant 0 : i32
    %dma_wait3A_728 = arith.constant 0 : i32
    %dma_wait3A_729 = tpu.memref_slice %arg3[%dma_wait3A_718, %dma_wait3A_727, %dma_wait3A_728] : memref<8x1024x2048xf32, #tpu.memory_space<hbm>> -> memref<1x1024x1024xf32, #tpu.memory_space<hbm>>
    %dma_wait3A_730 = tpu.memref_squeeze %dma_wait3A_729 : memref<1x1024x1024xf32, #tpu.memory_space<hbm>> -> memref<1024x1024xf32, #tpu.memory_space<hbm>>
    tpu.wait_dma2 semaphore(%dma_wait3A_722 : memref<!tpu.dma_semaphore, #tpu.memory_space<semaphore_mem>>) src(%dma_wait3A_730 : memref<1024x1024xf32, #tpu.memory_space<hbm>>) dst(%dma_wait3A_726 : memref<1024x1024xf32, #tpu.memory_space<vmem>>)
    %dma_wait3A_731 = arith.constant 5 : i32
    %dma_wait3A_732 = arith.constant 0 : i32
    %dma_wait3A_733 = arith.constant 1 : i32
    %dma_wait3A_734 = tpu.memref_slice %arg8[%dma_wait3A_733] : memref<4x!tpu.dma_semaphore, #tpu.memory_space<semaphore_mem>> -> memref<1x!tpu.dma_semaphore, #tpu.memory_space<semaphore_mem>>
    %dma_wait3A_735 = tpu.memref_squeeze %dma_wait3A_734 : memref<1x!tpu.dma_semaphore, #tpu.memory_space<semaphore_mem>> -> memref<!tpu.dma_semaphore, #tpu.memory_space<semaphore_mem>>
    %dma_wait3A_736 = arith.constant 0 : i32
    %dma_wait3A_737 = arith.constant 0 : i32
    %dma_wait3A_738 = tpu.memref_slice %arg7[%dma_wait3A_732, %dma_wait3A_736, %dma_wait3A_737] : memref<2x1024x1024xf32, #tpu.memory_space<vmem>> -> memref<1x1024x1024xf32, #tpu.memory_space<vmem>>
    %dma_wait3A_739 = tpu.memref_squeeze %dma_wait3A_738 : memref<1x1024x1024xf32, #tpu.memory_space<vmem>> -> memref<1024x1024xf32, #tpu.memory_space<vmem>>
    %dma_wait3A_740 = arith.constant 0 : i32
    %dma_wait3A_741 = arith.constant 0 : i32
    %dma_wait3A_742 = tpu.memref_slice %arg4[%dma_wait3A_731, %dma_wait3A_740, %dma_wait3A_741] : memref<8x2048x1024xf32, #tpu.memory_space<hbm>> -> memref<1x1024x1024xf32, #tpu.memory_space<hbm>>
    %dma_wait3A_743 = tpu.memref_squeeze %dma_wait3A_742 : memref<1x1024x1024xf32, #tpu.memory_space<hbm>> -> memref<1024x1024xf32, #tpu.memory_space<hbm>>
    tpu.wait_dma2 semaphore(%dma_wait3A_735 : memref<!tpu.dma_semaphore, #tpu.memory_space<semaphore_mem>>) src(%dma_wait3A_743 : memref<1024x1024xf32, #tpu.memory_space<hbm>>) dst(%dma_wait3A_739 : memref<1024x1024xf32, #tpu.memory_space<vmem>>)
    %get3A_744 = arith.constant 0 : index
    %get3A_745 = arith.constant 5 : index
    %get3A_746 = memref.load %arg1[%get3A_744, %get3A_745] : memref<2x8xi32, #tpu.memory_space<smem>>
    %get3A_747 = arith.constant 1 : index
    %get3A_748 = arith.constant 5 : index
    %get3A_749 = memref.load %arg1[%get3A_747, %get3A_748] : memref<2x8xi32, #tpu.memory_space<smem>>
    %while3A_750 = arith.constant 0 : i32
    %while3A_751 = arith.subi %get3A_749, %get3A_746 : i32
    %while3A_752 = arith.addi %get3A_746, %while3A_751 : i32
    %while3A_753 = arith.constant 1 : i32
    %while3A_754 = arith.divsi %while3A_751, %while3A_753 : i32
    %while3A_755 = arith.muli %while3A_754, %while3A_753 : i32
    %while3A_756 = arith.addi %get3A_746, %while3A_755 : i32
    %while3A_757 = arith.constant 1 : i32
    scf.for %while3A_1068 = %get3A_746 to %while3A_756 step %while3A_757  : i32 {
      %mul3A = arith.constant 128 : i32
      %mul3A_1069 = arith.muli %while3A_1068, %mul3A : i32
      %multiple_of3A = tpu.assume_multiple %mul3A_1069, 128 : i32
      %get3A_1070 = arith.index_cast %multiple_of3A : i32 to index
      %get3A_1071 = arith.constant 0 : index
      %get3A_1072 = vector.load %arg2[%get3A_1070, %get3A_1071] : memref<3072x1024xf32, #tpu.memory_space<vmem>>, vector<128x1024xf32>
      %get3A_1073 = arith.constant 0 : index
      %get3A_1074 = arith.constant 0 : index
      %get3A_1075 = arith.constant 0 : index
      %get3A_1076 = vector.load %arg6[%get3A_1073, %get3A_1074, %get3A_1075] : memref<2x1024x1024xf32, #tpu.memory_space<vmem>>, vector<1x1024x1024xf32>
      %get3A_1077 = vector.shape_cast %get3A_1076 : vector<1x1024x1024xf32> to vector<1024x1024xf32>
      %dot_general3A = arith.constant dense<0.000000e+00> : vector<128x1024xf32>
      %dot_general3A_1078 = tpu.matmul %get3A_1072, %get3A_1077, %dot_general3A {dimension_numbers = #tpu.dot_dimension_numbers<[1], [0], [0], [1], [0, 0, 1, 1], [], []>, transpose_lhs_hint = false} : vector<128x1024xf32>, vector<1024x1024xf32>, vector<128x1024xf32> -> vector<128x1024xf32>
      %max3A = arith.constant 0.000000e+00 : f32
      %max3A_1079 = vector.broadcast %max3A : f32 to vector<128x1024xf32>
      %max3A_1080 = arith.maximumf %dot_general3A_1078, %max3A_1079 : vector<128x1024xf32>
      %get3A_1081 = arith.constant 0 : index
      %get3A_1082 = arith.constant 0 : index
      %get3A_1083 = arith.constant 0 : index
      %get3A_1084 = vector.load %arg7[%get3A_1081, %get3A_1082, %get3A_1083] : memref<2x1024x1024xf32, #tpu.memory_space<vmem>>, vector<1x1024x1024xf32>
      %get3A_1085 = vector.shape_cast %get3A_1084 : vector<1x1024x1024xf32> to vector<1024x1024xf32>
      %dot_general3A_1086 = arith.constant dense<0.000000e+00> : vector<128x1024xf32>
      %dot_general3A_1087 = tpu.matmul %max3A_1080, %get3A_1085, %dot_general3A_1086 {dimension_numbers = #tpu.dot_dimension_numbers<[1], [0], [0], [1], [0, 0, 1, 1], [], []>, transpose_lhs_hint = false} : vector<128x1024xf32>, vector<1024x1024xf32>, vector<128x1024xf32> -> vector<128x1024xf32>
      %swap3A = arith.index_cast %multiple_of3A : i32 to index
      %swap3A_1088 = arith.constant 0 : index
      %swap3A_1089 = vector.load %arg5[%swap3A, %swap3A_1088] : memref<3072x1024xf32, #tpu.memory_space<vmem>>, vector<128x1024xf32>
      tpu.vector_store %arg5[%swap3A, %swap3A_1088], %dot_general3A_1087 {strides = array<i32>} : memref<3072x1024xf32, #tpu.memory_space<vmem>>, vector<128x1024xf32>,
    }
    %while3A_758 = arith.constant 1 : i32
    scf.for %while3A_1068 = %while3A_756 to %while3A_752 step %while3A_758  : i32 {
      %mul3A = arith.constant 128 : i32
      %mul3A_1069 = arith.muli %while3A_1068, %mul3A : i32
      %multiple_of3A = tpu.assume_multiple %mul3A_1069, 128 : i32
      %get3A_1070 = arith.index_cast %multiple_of3A : i32 to index
      %get3A_1071 = arith.constant 0 : index
      %get3A_1072 = vector.load %arg2[%get3A_1070, %get3A_1071] : memref<3072x1024xf32, #tpu.memory_space<vmem>>, vector<128x1024xf32>
      %get3A_1073 = arith.constant 0 : index
      %get3A_1074 = arith.constant 0 : index
      %get3A_1075 = arith.constant 0 : index
      %get3A_1076 = vector.load %arg6[%get3A_1073, %get3A_1074, %get3A_1075] : memref<2x1024x1024xf32, #tpu.memory_space<vmem>>, vector<1x1024x1024xf32>
      %get3A_1077 = vector.shape_cast %get3A_1076 : vector<1x1024x1024xf32> to vector<1024x1024xf32>
      %dot_general3A = arith.constant dense<0.000000e+00> : vector<128x1024xf32>
      %dot_general3A_1078 = tpu.matmul %get3A_1072, %get3A_1077, %dot_general3A {dimension_numbers = #tpu.dot_dimension_numbers<[1], [0], [0], [1], [0, 0, 1, 1], [], []>, transpose_lhs_hint = false} : vector<128x1024xf32>, vector<1024x1024xf32>, vector<128x1024xf32> -> vector<128x1024xf32>
      %max3A = arith.constant 0.000000e+00 : f32
      %max3A_1079 = vector.broadcast %max3A : f32 to vector<128x1024xf32>
      %max3A_1080 = arith.maximumf %dot_general3A_1078, %max3A_1079 : vector<128x1024xf32>
      %get3A_1081 = arith.constant 0 : index
      %get3A_1082 = arith.constant 0 : index
      %get3A_1083 = arith.constant 0 : index
      %get3A_1084 = vector.load %arg7[%get3A_1081, %get3A_1082, %get3A_1083] : memref<2x1024x1024xf32, #tpu.memory_space<vmem>>, vector<1x1024x1024xf32>
      %get3A_1085 = vector.shape_cast %get3A_1084 : vector<1x1024x1024xf32> to vector<1024x1024xf32>
      %dot_general3A_1086 = arith.constant dense<0.000000e+00> : vector<128x1024xf32>
      %dot_general3A_1087 = tpu.matmul %max3A_1080, %get3A_1085, %dot_general3A_1086 {dimension_numbers = #tpu.dot_dimension_numbers<[1], [0], [0], [1], [0, 0, 1, 1], [], []>, transpose_lhs_hint = false} : vector<128x1024xf32>, vector<1024x1024xf32>, vector<128x1024xf32> -> vector<128x1024xf32>
      %swap3A = arith.index_cast %multiple_of3A : i32 to index
      %swap3A_1088 = arith.constant 0 : index
      %swap3A_1089 = vector.load %arg5[%swap3A, %swap3A_1088] : memref<3072x1024xf32, #tpu.memory_space<vmem>>, vector<128x1024xf32>
      tpu.vector_store %arg5[%swap3A, %swap3A_1088], %dot_general3A_1087 {strides = array<i32>} : memref<3072x1024xf32, #tpu.memory_space<vmem>>, vector<128x1024xf32>,
    }
    %dma_start3A_759 = arith.constant 6 : i32
    %dma_start3A_760 = arith.constant 0 : i32
    %dma_start3A_761 = arith.constant 0 : i32
    %dma_start3A_762 = tpu.memref_slice %arg8[%dma_start3A_761] : memref<4x!tpu.dma_semaphore, #tpu.memory_space<semaphore_mem>> -> memref<1x!tpu.dma_semaphore, #tpu.memory_space<semaphore_mem>>
    %dma_start3A_763 = tpu.memref_squeeze %dma_start3A_762 : memref<1x!tpu.dma_semaphore, #tpu.memory_space<semaphore_mem>> -> memref<!tpu.dma_semaphore, #tpu.memory_space<semaphore_mem>>
    %dma_start3A_764 = arith.constant 0 : i32
    %dma_start3A_765 = arith.constant 0 : i32
    %dma_start3A_766 = tpu.memref_slice %arg6[%dma_start3A_760, %dma_start3A_764, %dma_start3A_765] : memref<2x1024x1024xf32, #tpu.memory_space<vmem>> -> memref<1x1024x1024xf32, #tpu.memory_space<vmem>>
    %dma_start3A_767 = tpu.memref_squeeze %dma_start3A_766 : memref<1x1024x1024xf32, #tpu.memory_space<vmem>> -> memref<1024x1024xf32, #tpu.memory_space<vmem>>
    %dma_start3A_768 = arith.constant 0 : i32
    %dma_start3A_769 = arith.constant 0 : i32
    %dma_start3A_770 = tpu.memref_slice %arg3[%dma_start3A_759, %dma_start3A_768, %dma_start3A_769] : memref<8x1024x2048xf32, #tpu.memory_space<hbm>> -> memref<1x1024x1024xf32, #tpu.memory_space<hbm>>
    %dma_start3A_771 = tpu.memref_squeeze %dma_start3A_770 : memref<1x1024x1024xf32, #tpu.memory_space<hbm>> -> memref<1024x1024xf32, #tpu.memory_space<hbm>>
    tpu.enqueue_dma source(%dma_start3A_771 : memref<1024x1024xf32, #tpu.memory_space<hbm>>) target(%dma_start3A_767 : memref<1024x1024xf32, #tpu.memory_space<vmem>>) target_semaphore(%dma_start3A_763 : memref<!tpu.dma_semaphore, #tpu.memory_space<semaphore_mem>>)
    %dma_start3A_772 = arith.constant 6 : i32
    %dma_start3A_773 = arith.constant 0 : i32
    %dma_start3A_774 = arith.constant 1 : i32
    %dma_start3A_775 = tpu.memref_slice %arg8[%dma_start3A_774] : memref<4x!tpu.dma_semaphore, #tpu.memory_space<semaphore_mem>> -> memref<1x!tpu.dma_semaphore, #tpu.memory_space<semaphore_mem>>
    %dma_start3A_776 = tpu.memref_squeeze %dma_start3A_775 : memref<1x!tpu.dma_semaphore, #tpu.memory_space<semaphore_mem>> -> memref<!tpu.dma_semaphore, #tpu.memory_space<semaphore_mem>>
    %dma_start3A_777 = arith.constant 0 : i32
    %dma_start3A_778 = arith.constant 0 : i32
    %dma_start3A_779 = tpu.memref_slice %arg7[%dma_start3A_773, %dma_start3A_777, %dma_start3A_778] : memref<2x1024x1024xf32, #tpu.memory_space<vmem>> -> memref<1x1024x1024xf32, #tpu.memory_space<vmem>>
    %dma_start3A_780 = tpu.memref_squeeze %dma_start3A_779 : memref<1x1024x1024xf32, #tpu.memory_space<vmem>> -> memref<1024x1024xf32, #tpu.memory_space<vmem>>
    %dma_start3A_781 = arith.constant 0 : i32
    %dma_start3A_782 = arith.constant 0 : i32
    %dma_start3A_783 = tpu.memref_slice %arg4[%dma_start3A_772, %dma_start3A_781, %dma_start3A_782] : memref<8x2048x1024xf32, #tpu.memory_space<hbm>> -> memref<1x1024x1024xf32, #tpu.memory_space<hbm>>
    %dma_start3A_784 = tpu.memref_squeeze %dma_start3A_783 : memref<1x1024x1024xf32, #tpu.memory_space<hbm>> -> memref<1024x1024xf32, #tpu.memory_space<hbm>>
    tpu.enqueue_dma source(%dma_start3A_784 : memref<1024x1024xf32, #tpu.memory_space<hbm>>) target(%dma_start3A_780 : memref<1024x1024xf32, #tpu.memory_space<vmem>>) target_semaphore(%dma_start3A_776 : memref<!tpu.dma_semaphore, #tpu.memory_space<semaphore_mem>>)
    %dma_wait3A_785 = arith.constant 5 : i32
    %dma_wait3A_786 = arith.constant 1 : i32
    %dma_wait3A_787 = arith.constant 2 : i32
    %dma_wait3A_788 = tpu.memref_slice %arg8[%dma_wait3A_787] : memref<4x!tpu.dma_semaphore, #tpu.memory_space<semaphore_mem>> -> memref<1x!tpu.dma_semaphore, #tpu.memory_space<semaphore_mem>>
    %dma_wait3A_789 = tpu.memref_squeeze %dma_wait3A_788 : memref<1x!tpu.dma_semaphore, #tpu.memory_space<semaphore_mem>> -> memref<!tpu.dma_semaphore, #tpu.memory_space<semaphore_mem>>
    %dma_wait3A_790 = arith.constant 0 : i32
    %dma_wait3A_791 = arith.constant 0 : i32
    %dma_wait3A_792 = tpu.memref_slice %arg6[%dma_wait3A_786, %dma_wait3A_790, %dma_wait3A_791] : memref<2x1024x1024xf32, #tpu.memory_space<vmem>> -> memref<1x1024x1024xf32, #tpu.memory_space<vmem>>
    %dma_wait3A_793 = tpu.memref_squeeze %dma_wait3A_792 : memref<1x1024x1024xf32, #tpu.memory_space<vmem>> -> memref<1024x1024xf32, #tpu.memory_space<vmem>>
    %dma_wait3A_794 = arith.constant 0 : i32
    %dma_wait3A_795 = arith.constant 1024 : i32
    %dma_wait3A_796 = tpu.memref_slice %arg3[%dma_wait3A_785, %dma_wait3A_794, %dma_wait3A_795] : memref<8x1024x2048xf32, #tpu.memory_space<hbm>> -> memref<1x1024x1024xf32, #tpu.memory_space<hbm>>
    %dma_wait3A_797 = tpu.memref_squeeze %dma_wait3A_796 : memref<1x1024x1024xf32, #tpu.memory_space<hbm>> -> memref<1024x1024xf32, #tpu.memory_space<hbm>>
    tpu.wait_dma2 semaphore(%dma_wait3A_789 : memref<!tpu.dma_semaphore, #tpu.memory_space<semaphore_mem>>) src(%dma_wait3A_797 : memref<1024x1024xf32, #tpu.memory_space<hbm>>) dst(%dma_wait3A_793 : memref<1024x1024xf32, #tpu.memory_space<vmem>>)
    %dma_wait3A_798 = arith.constant 5 : i32
    %dma_wait3A_799 = arith.constant 1 : i32
    %dma_wait3A_800 = arith.constant 3 : i32
    %dma_wait3A_801 = tpu.memref_slice %arg8[%dma_wait3A_800] : memref<4x!tpu.dma_semaphore, #tpu.memory_space<semaphore_mem>> -> memref<1x!tpu.dma_semaphore, #tpu.memory_space<semaphore_mem>>
    %dma_wait3A_802 = tpu.memref_squeeze %dma_wait3A_801 : memref<1x!tpu.dma_semaphore, #tpu.memory_space<semaphore_mem>> -> memref<!tpu.dma_semaphore, #tpu.memory_space<semaphore_mem>>
    %dma_wait3A_803 = arith.constant 0 : i32
    %dma_wait3A_804 = arith.constant 0 : i32
    %dma_wait3A_805 = tpu.memref_slice %arg7[%dma_wait3A_799, %dma_wait3A_803, %dma_wait3A_804] : memref<2x1024x1024xf32, #tpu.memory_space<vmem>> -> memref<1x1024x1024xf32, #tpu.memory_space<vmem>>
    %dma_wait3A_806 = tpu.memref_squeeze %dma_wait3A_805 : memref<1x1024x1024xf32, #tpu.memory_space<vmem>> -> memref<1024x1024xf32, #tpu.memory_space<vmem>>
    %dma_wait3A_807 = arith.constant 1024 : i32
    %dma_wait3A_808 = arith.constant 0 : i32
    %dma_wait3A_809 = tpu.memref_slice %arg4[%dma_wait3A_798, %dma_wait3A_807, %dma_wait3A_808] : memref<8x2048x1024xf32, #tpu.memory_space<hbm>> -> memref<1x1024x1024xf32, #tpu.memory_space<hbm>>
    %dma_wait3A_810 = tpu.memref_squeeze %dma_wait3A_809 : memref<1x1024x1024xf32, #tpu.memory_space<hbm>> -> memref<1024x1024xf32, #tpu.memory_space<hbm>>
    tpu.wait_dma2 semaphore(%dma_wait3A_802 : memref<!tpu.dma_semaphore, #tpu.memory_space<semaphore_mem>>) src(%dma_wait3A_810 : memref<1024x1024xf32, #tpu.memory_space<hbm>>) dst(%dma_wait3A_806 : memref<1024x1024xf32, #tpu.memory_space<vmem>>)
    %get3A_811 = arith.constant 0 : index
    %get3A_812 = arith.constant 5 : index
    %get3A_813 = memref.load %arg1[%get3A_811, %get3A_812] : memref<2x8xi32, #tpu.memory_space<smem>>
    %get3A_814 = arith.constant 1 : index
    %get3A_815 = arith.constant 5 : index
    %get3A_816 = memref.load %arg1[%get3A_814, %get3A_815] : memref<2x8xi32, #tpu.memory_space<smem>>
    %while3A_817 = arith.constant 0 : i32
    %while3A_818 = arith.subi %get3A_816, %get3A_813 : i32
    %while3A_819 = arith.addi %get3A_813, %while3A_818 : i32
    %while3A_820 = arith.constant 1 : i32
    %while3A_821 = arith.divsi %while3A_818, %while3A_820 : i32
    %while3A_822 = arith.muli %while3A_821, %while3A_820 : i32
    %while3A_823 = arith.addi %get3A_813, %while3A_822 : i32
    %while3A_824 = arith.constant 1 : i32
    scf.for %while3A_1068 = %get3A_813 to %while3A_823 step %while3A_824  : i32 {
      %mul3A = arith.constant 128 : i32
      %mul3A_1069 = arith.muli %while3A_1068, %mul3A : i32
      %multiple_of3A = tpu.assume_multiple %mul3A_1069, 128 : i32
      %get3A_1070 = arith.index_cast %multiple_of3A : i32 to index
      %get3A_1071 = arith.constant 0 : index
      %get3A_1072 = vector.load %arg2[%get3A_1070, %get3A_1071] : memref<3072x1024xf32, #tpu.memory_space<vmem>>, vector<128x1024xf32>
      %get3A_1073 = arith.constant 1 : index
      %get3A_1074 = arith.constant 0 : index
      %get3A_1075 = arith.constant 0 : index
      %get3A_1076 = vector.load %arg6[%get3A_1073, %get3A_1074, %get3A_1075] : memref<2x1024x1024xf32, #tpu.memory_space<vmem>>, vector<1x1024x1024xf32>
      %get3A_1077 = vector.shape_cast %get3A_1076 : vector<1x1024x1024xf32> to vector<1024x1024xf32>
      %dot_general3A = arith.constant dense<0.000000e+00> : vector<128x1024xf32>
      %dot_general3A_1078 = tpu.matmul %get3A_1072, %get3A_1077, %dot_general3A {dimension_numbers = #tpu.dot_dimension_numbers<[1], [0], [0], [1], [0, 0, 1, 1], [], []>, transpose_lhs_hint = false} : vector<128x1024xf32>, vector<1024x1024xf32>, vector<128x1024xf32> -> vector<128x1024xf32>
      %max3A = arith.constant 0.000000e+00 : f32
      %max3A_1079 = vector.broadcast %max3A : f32 to vector<128x1024xf32>
      %max3A_1080 = arith.maximumf %dot_general3A_1078, %max3A_1079 : vector<128x1024xf32>
      %get3A_1081 = arith.constant 1 : index
      %get3A_1082 = arith.constant 0 : index
      %get3A_1083 = arith.constant 0 : index
      %get3A_1084 = vector.load %arg7[%get3A_1081, %get3A_1082, %get3A_1083] : memref<2x1024x1024xf32, #tpu.memory_space<vmem>>, vector<1x1024x1024xf32>
      %get3A_1085 = vector.shape_cast %get3A_1084 : vector<1x1024x1024xf32> to vector<1024x1024xf32>
      %dot_general3A_1086 = arith.constant dense<0.000000e+00> : vector<128x1024xf32>
      %dot_general3A_1087 = tpu.matmul %max3A_1080, %get3A_1085, %dot_general3A_1086 {dimension_numbers = #tpu.dot_dimension_numbers<[1], [0], [0], [1], [0, 0, 1, 1], [], []>, transpose_lhs_hint = false} : vector<128x1024xf32>, vector<1024x1024xf32>, vector<128x1024xf32> -> vector<128x1024xf32>
      %get3A_1088 = arith.index_cast %multiple_of3A : i32 to index
      %get3A_1089 = arith.constant 0 : index
      %get3A_1090 = vector.load %arg5[%get3A_1088, %get3A_1089] : memref<3072x1024xf32, #tpu.memory_space<vmem>>, vector<128x1024xf32>
      %add3A = arith.addf %get3A_1090, %dot_general3A_1087 : vector<128x1024xf32>
      %swap3A = arith.index_cast %multiple_of3A : i32 to index
      %swap3A_1091 = arith.constant 0 : index
      %swap3A_1092 = vector.load %arg5[%swap3A, %swap3A_1091] : memref<3072x1024xf32, #tpu.memory_space<vmem>>, vector<128x1024xf32>
      tpu.vector_store %arg5[%swap3A, %swap3A_1091], %add3A {strides = array<i32>} : memref<3072x1024xf32, #tpu.memory_space<vmem>>, vector<128x1024xf32>,
    }
    %while3A_825 = arith.constant 1 : i32
    scf.for %while3A_1068 = %while3A_823 to %while3A_819 step %while3A_825  : i32 {
      %mul3A = arith.constant 128 : i32
      %mul3A_1069 = arith.muli %while3A_1068, %mul3A : i32
      %multiple_of3A = tpu.assume_multiple %mul3A_1069, 128 : i32
      %get3A_1070 = arith.index_cast %multiple_of3A : i32 to index
      %get3A_1071 = arith.constant 0 : index
      %get3A_1072 = vector.load %arg2[%get3A_1070, %get3A_1071] : memref<3072x1024xf32, #tpu.memory_space<vmem>>, vector<128x1024xf32>
      %get3A_1073 = arith.constant 1 : index
      %get3A_1074 = arith.constant 0 : index
      %get3A_1075 = arith.constant 0 : index
      %get3A_1076 = vector.load %arg6[%get3A_1073, %get3A_1074, %get3A_1075] : memref<2x1024x1024xf32, #tpu.memory_space<vmem>>, vector<1x1024x1024xf32>
      %get3A_1077 = vector.shape_cast %get3A_1076 : vector<1x1024x1024xf32> to vector<1024x1024xf32>
      %dot_general3A = arith.constant dense<0.000000e+00> : vector<128x1024xf32>
      %dot_general3A_1078 = tpu.matmul %get3A_1072, %get3A_1077, %dot_general3A {dimension_numbers = #tpu.dot_dimension_numbers<[1], [0], [0], [1], [0, 0, 1, 1], [], []>, transpose_lhs_hint = false} : vector<128x1024xf32>, vector<1024x1024xf32>, vector<128x1024xf32> -> vector<128x1024xf32>
      %max3A = arith.constant 0.000000e+00 : f32
      %max3A_1079 = vector.broadcast %max3A : f32 to vector<128x1024xf32>
      %max3A_1080 = arith.maximumf %dot_general3A_1078, %max3A_1079 : vector<128x1024xf32>
      %get3A_1081 = arith.constant 1 : index
      %get3A_1082 = arith.constant 0 : index
      %get3A_1083 = arith.constant 0 : index
      %get3A_1084 = vector.load %arg7[%get3A_1081, %get3A_1082, %get3A_1083] : memref<2x1024x1024xf32, #tpu.memory_space<vmem>>, vector<1x1024x1024xf32>
      %get3A_1085 = vector.shape_cast %get3A_1084 : vector<1x1024x1024xf32> to vector<1024x1024xf32>
      %dot_general3A_1086 = arith.constant dense<0.000000e+00> : vector<128x1024xf32>
      %dot_general3A_1087 = tpu.matmul %max3A_1080, %get3A_1085, %dot_general3A_1086 {dimension_numbers = #tpu.dot_dimension_numbers<[1], [0], [0], [1], [0, 0, 1, 1], [], []>, transpose_lhs_hint = false} : vector<128x1024xf32>, vector<1024x1024xf32>, vector<128x1024xf32> -> vector<128x1024xf32>
      %get3A_1088 = arith.index_cast %multiple_of3A : i32 to index
      %get3A_1089 = arith.constant 0 : index
      %get3A_1090 = vector.load %arg5[%get3A_1088, %get3A_1089] : memref<3072x1024xf32, #tpu.memory_space<vmem>>, vector<128x1024xf32>
      %add3A = arith.addf %get3A_1090, %dot_general3A_1087 : vector<128x1024xf32>
      %swap3A = arith.index_cast %multiple_of3A : i32 to index
      %swap3A_1091 = arith.constant 0 : index
      %swap3A_1092 = vector.load %arg5[%swap3A, %swap3A_1091] : memref<3072x1024xf32, #tpu.memory_space<vmem>>, vector<128x1024xf32>
      tpu.vector_store %arg5[%swap3A, %swap3A_1091], %add3A {strides = array<i32>} : memref<3072x1024xf32, #tpu.memory_space<vmem>>, vector<128x1024xf32>,
    }
    %dma_start3A_826 = arith.constant 6 : i32
    %dma_start3A_827 = arith.constant 1 : i32
    %dma_start3A_828 = arith.constant 2 : i32
    %dma_start3A_829 = tpu.memref_slice %arg8[%dma_start3A_828] : memref<4x!tpu.dma_semaphore, #tpu.memory_space<semaphore_mem>> -> memref<1x!tpu.dma_semaphore, #tpu.memory_space<semaphore_mem>>
    %dma_start3A_830 = tpu.memref_squeeze %dma_start3A_829 : memref<1x!tpu.dma_semaphore, #tpu.memory_space<semaphore_mem>> -> memref<!tpu.dma_semaphore, #tpu.memory_space<semaphore_mem>>
    %dma_start3A_831 = arith.constant 0 : i32
    %dma_start3A_832 = arith.constant 0 : i32
    %dma_start3A_833 = tpu.memref_slice %arg6[%dma_start3A_827, %dma_start3A_831, %dma_start3A_832] : memref<2x1024x1024xf32, #tpu.memory_space<vmem>> -> memref<1x1024x1024xf32, #tpu.memory_space<vmem>>
    %dma_start3A_834 = tpu.memref_squeeze %dma_start3A_833 : memref<1x1024x1024xf32, #tpu.memory_space<vmem>> -> memref<1024x1024xf32, #tpu.memory_space<vmem>>
    %dma_start3A_835 = arith.constant 0 : i32
    %dma_start3A_836 = arith.constant 1024 : i32
    %dma_start3A_837 = tpu.memref_slice %arg3[%dma_start3A_826, %dma_start3A_835, %dma_start3A_836] : memref<8x1024x2048xf32, #tpu.memory_space<hbm>> -> memref<1x1024x1024xf32, #tpu.memory_space<hbm>>
    %dma_start3A_838 = tpu.memref_squeeze %dma_start3A_837 : memref<1x1024x1024xf32, #tpu.memory_space<hbm>> -> memref<1024x1024xf32, #tpu.memory_space<hbm>>
    tpu.enqueue_dma source(%dma_start3A_838 : memref<1024x1024xf32, #tpu.memory_space<hbm>>) target(%dma_start3A_834 : memref<1024x1024xf32, #tpu.memory_space<vmem>>) target_semaphore(%dma_start3A_830 : memref<!tpu.dma_semaphore, #tpu.memory_space<semaphore_mem>>)
    %dma_start3A_839 = arith.constant 6 : i32
    %dma_start3A_840 = arith.constant 1 : i32
    %dma_start3A_841 = arith.constant 3 : i32
    %dma_start3A_842 = tpu.memref_slice %arg8[%dma_start3A_841] : memref<4x!tpu.dma_semaphore, #tpu.memory_space<semaphore_mem>> -> memref<1x!tpu.dma_semaphore, #tpu.memory_space<semaphore_mem>>
    %dma_start3A_843 = tpu.memref_squeeze %dma_start3A_842 : memref<1x!tpu.dma_semaphore, #tpu.memory_space<semaphore_mem>> -> memref<!tpu.dma_semaphore, #tpu.memory_space<semaphore_mem>>
    %dma_start3A_844 = arith.constant 0 : i32
    %dma_start3A_845 = arith.constant 0 : i32
    %dma_start3A_846 = tpu.memref_slice %arg7[%dma_start3A_840, %dma_start3A_844, %dma_start3A_845] : memref<2x1024x1024xf32, #tpu.memory_space<vmem>> -> memref<1x1024x1024xf32, #tpu.memory_space<vmem>>
    %dma_start3A_847 = tpu.memref_squeeze %dma_start3A_846 : memref<1x1024x1024xf32, #tpu.memory_space<vmem>> -> memref<1024x1024xf32, #tpu.memory_space<vmem>>
    %dma_start3A_848 = arith.constant 1024 : i32
    %dma_start3A_849 = arith.constant 0 : i32
    %dma_start3A_850 = tpu.memref_slice %arg4[%dma_start3A_839, %dma_start3A_848, %dma_start3A_849] : memref<8x2048x1024xf32, #tpu.memory_space<hbm>> -> memref<1x1024x1024xf32, #tpu.memory_space<hbm>>
    %dma_start3A_851 = tpu.memref_squeeze %dma_start3A_850 : memref<1x1024x1024xf32, #tpu.memory_space<hbm>> -> memref<1024x1024xf32, #tpu.memory_space<hbm>>
    tpu.enqueue_dma source(%dma_start3A_851 : memref<1024x1024xf32, #tpu.memory_space<hbm>>) target(%dma_start3A_847 : memref<1024x1024xf32, #tpu.memory_space<vmem>>) target_semaphore(%dma_start3A_843 : memref<!tpu.dma_semaphore, #tpu.memory_space<semaphore_mem>>)
    %dma_wait3A_852 = arith.constant 6 : i32
    %dma_wait3A_853 = arith.constant 0 : i32
    %dma_wait3A_854 = arith.constant 0 : i32
    %dma_wait3A_855 = tpu.memref_slice %arg8[%dma_wait3A_854] : memref<4x!tpu.dma_semaphore, #tpu.memory_space<semaphore_mem>> -> memref<1x!tpu.dma_semaphore, #tpu.memory_space<semaphore_mem>>
    %dma_wait3A_856 = tpu.memref_squeeze %dma_wait3A_855 : memref<1x!tpu.dma_semaphore, #tpu.memory_space<semaphore_mem>> -> memref<!tpu.dma_semaphore, #tpu.memory_space<semaphore_mem>>
    %dma_wait3A_857 = arith.constant 0 : i32
    %dma_wait3A_858 = arith.constant 0 : i32
    %dma_wait3A_859 = tpu.memref_slice %arg6[%dma_wait3A_853, %dma_wait3A_857, %dma_wait3A_858] : memref<2x1024x1024xf32, #tpu.memory_space<vmem>> -> memref<1x1024x1024xf32, #tpu.memory_space<vmem>>
    %dma_wait3A_860 = tpu.memref_squeeze %dma_wait3A_859 : memref<1x1024x1024xf32, #tpu.memory_space<vmem>> -> memref<1024x1024xf32, #tpu.memory_space<vmem>>
    %dma_wait3A_861 = arith.constant 0 : i32
    %dma_wait3A_862 = arith.constant 0 : i32
    %dma_wait3A_863 = tpu.memref_slice %arg3[%dma_wait3A_852, %dma_wait3A_861, %dma_wait3A_862] : memref<8x1024x2048xf32, #tpu.memory_space<hbm>> -> memref<1x1024x1024xf32, #tpu.memory_space<hbm>>
    %dma_wait3A_864 = tpu.memref_squeeze %dma_wait3A_863 : memref<1x1024x1024xf32, #tpu.memory_space<hbm>> -> memref<1024x1024xf32, #tpu.memory_space<hbm>>
    tpu.wait_dma2 semaphore(%dma_wait3A_856 : memref<!tpu.dma_semaphore, #tpu.memory_space<semaphore_mem>>) src(%dma_wait3A_864 : memref<1024x1024xf32, #tpu.memory_space<hbm>>) dst(%dma_wait3A_860 : memref<1024x1024xf32, #tpu.memory_space<vmem>>)
    %dma_wait3A_865 = arith.constant 6 : i32
    %dma_wait3A_866 = arith.constant 0 : i32
    %dma_wait3A_867 = arith.constant 1 : i32
    %dma_wait3A_868 = tpu.memref_slice %arg8[%dma_wait3A_867] : memref<4x!tpu.dma_semaphore, #tpu.memory_space<semaphore_mem>> -> memref<1x!tpu.dma_semaphore, #tpu.memory_space<semaphore_mem>>
    %dma_wait3A_869 = tpu.memref_squeeze %dma_wait3A_868 : memref<1x!tpu.dma_semaphore, #tpu.memory_space<semaphore_mem>> -> memref<!tpu.dma_semaphore, #tpu.memory_space<semaphore_mem>>
    %dma_wait3A_870 = arith.constant 0 : i32
    %dma_wait3A_871 = arith.constant 0 : i32
    %dma_wait3A_872 = tpu.memref_slice %arg7[%dma_wait3A_866, %dma_wait3A_870, %dma_wait3A_871] : memref<2x1024x1024xf32, #tpu.memory_space<vmem>> -> memref<1x1024x1024xf32, #tpu.memory_space<vmem>>
    %dma_wait3A_873 = tpu.memref_squeeze %dma_wait3A_872 : memref<1x1024x1024xf32, #tpu.memory_space<vmem>> -> memref<1024x1024xf32, #tpu.memory_space<vmem>>
    %dma_wait3A_874 = arith.constant 0 : i32
    %dma_wait3A_875 = arith.constant 0 : i32
    %dma_wait3A_876 = tpu.memref_slice %arg4[%dma_wait3A_865, %dma_wait3A_874, %dma_wait3A_875] : memref<8x2048x1024xf32, #tpu.memory_space<hbm>> -> memref<1x1024x1024xf32, #tpu.memory_space<hbm>>
    %dma_wait3A_877 = tpu.memref_squeeze %dma_wait3A_876 : memref<1x1024x1024xf32, #tpu.memory_space<hbm>> -> memref<1024x1024xf32, #tpu.memory_space<hbm>>
    tpu.wait_dma2 semaphore(%dma_wait3A_869 : memref<!tpu.dma_semaphore, #tpu.memory_space<semaphore_mem>>) src(%dma_wait3A_877 : memref<1024x1024xf32, #tpu.memory_space<hbm>>) dst(%dma_wait3A_873 : memref<1024x1024xf32, #tpu.memory_space<vmem>>)
    %get3A_878 = arith.constant 0 : index
    %get3A_879 = arith.constant 6 : index
    %get3A_880 = memref.load %arg1[%get3A_878, %get3A_879] : memref<2x8xi32, #tpu.memory_space<smem>>
    %get3A_881 = arith.constant 1 : index
    %get3A_882 = arith.constant 6 : index
    %get3A_883 = memref.load %arg1[%get3A_881, %get3A_882] : memref<2x8xi32, #tpu.memory_space<smem>>
    %while3A_884 = arith.constant 0 : i32
    %while3A_885 = arith.subi %get3A_883, %get3A_880 : i32
    %while3A_886 = arith.addi %get3A_880, %while3A_885 : i32
    %while3A_887 = arith.constant 1 : i32
    %while3A_888 = arith.divsi %while3A_885, %while3A_887 : i32
    %while3A_889 = arith.muli %while3A_888, %while3A_887 : i32
    %while3A_890 = arith.addi %get3A_880, %while3A_889 : i32
    %while3A_891 = arith.constant 1 : i32
    scf.for %while3A_1068 = %get3A_880 to %while3A_890 step %while3A_891  : i32 {
      %mul3A = arith.constant 128 : i32
      %mul3A_1069 = arith.muli %while3A_1068, %mul3A : i32
      %multiple_of3A = tpu.assume_multiple %mul3A_1069, 128 : i32
      %get3A_1070 = arith.index_cast %multiple_of3A : i32 to index
      %get3A_1071 = arith.constant 0 : index
      %get3A_1072 = vector.load %arg2[%get3A_1070, %get3A_1071] : memref<3072x1024xf32, #tpu.memory_space<vmem>>, vector<128x1024xf32>
      %get3A_1073 = arith.constant 0 : index
      %get3A_1074 = arith.constant 0 : index
      %get3A_1075 = arith.constant 0 : index
      %get3A_1076 = vector.load %arg6[%get3A_1073, %get3A_1074, %get3A_1075] : memref<2x1024x1024xf32, #tpu.memory_space<vmem>>, vector<1x1024x1024xf32>
      %get3A_1077 = vector.shape_cast %get3A_1076 : vector<1x1024x1024xf32> to vector<1024x1024xf32>
      %dot_general3A = arith.constant dense<0.000000e+00> : vector<128x1024xf32>
      %dot_general3A_1078 = tpu.matmul %get3A_1072, %get3A_1077, %dot_general3A {dimension_numbers = #tpu.dot_dimension_numbers<[1], [0], [0], [1], [0, 0, 1, 1], [], []>, transpose_lhs_hint = false} : vector<128x1024xf32>, vector<1024x1024xf32>, vector<128x1024xf32> -> vector<128x1024xf32>
      %max3A = arith.constant 0.000000e+00 : f32
      %max3A_1079 = vector.broadcast %max3A : f32 to vector<128x1024xf32>
      %max3A_1080 = arith.maximumf %dot_general3A_1078, %max3A_1079 : vector<128x1024xf32>
      %get3A_1081 = arith.constant 0 : index
      %get3A_1082 = arith.constant 0 : index
      %get3A_1083 = arith.constant 0 : index
      %get3A_1084 = vector.load %arg7[%get3A_1081, %get3A_1082, %get3A_1083] : memref<2x1024x1024xf32, #tpu.memory_space<vmem>>, vector<1x1024x1024xf32>
      %get3A_1085 = vector.shape_cast %get3A_1084 : vector<1x1024x1024xf32> to vector<1024x1024xf32>
      %dot_general3A_1086 = arith.constant dense<0.000000e+00> : vector<128x1024xf32>
      %dot_general3A_1087 = tpu.matmul %max3A_1080, %get3A_1085, %dot_general3A_1086 {dimension_numbers = #tpu.dot_dimension_numbers<[1], [0], [0], [1], [0, 0, 1, 1], [], []>, transpose_lhs_hint = false} : vector<128x1024xf32>, vector<1024x1024xf32>, vector<128x1024xf32> -> vector<128x1024xf32>
      %swap3A = arith.index_cast %multiple_of3A : i32 to index
      %swap3A_1088 = arith.constant 0 : index
      %swap3A_1089 = vector.load %arg5[%swap3A, %swap3A_1088] : memref<3072x1024xf32, #tpu.memory_space<vmem>>, vector<128x1024xf32>
      tpu.vector_store %arg5[%swap3A, %swap3A_1088], %dot_general3A_1087 {strides = array<i32>} : memref<3072x1024xf32, #tpu.memory_space<vmem>>, vector<128x1024xf32>,
    }
    %while3A_892 = arith.constant 1 : i32
    scf.for %while3A_1068 = %while3A_890 to %while3A_886 step %while3A_892  : i32 {
      %mul3A = arith.constant 128 : i32
      %mul3A_1069 = arith.muli %while3A_1068, %mul3A : i32
      %multiple_of3A = tpu.assume_multiple %mul3A_1069, 128 : i32
      %get3A_1070 = arith.index_cast %multiple_of3A : i32 to index
      %get3A_1071 = arith.constant 0 : index
      %get3A_1072 = vector.load %arg2[%get3A_1070, %get3A_1071] : memref<3072x1024xf32, #tpu.memory_space<vmem>>, vector<128x1024xf32>
      %get3A_1073 = arith.constant 0 : index
      %get3A_1074 = arith.constant 0 : index
      %get3A_1075 = arith.constant 0 : index
      %get3A_1076 = vector.load %arg6[%get3A_1073, %get3A_1074, %get3A_1075] : memref<2x1024x1024xf32, #tpu.memory_space<vmem>>, vector<1x1024x1024xf32>
      %get3A_1077 = vector.shape_cast %get3A_1076 : vector<1x1024x1024xf32> to vector<1024x1024xf32>
      %dot_general3A = arith.constant dense<0.000000e+00> : vector<128x1024xf32>
      %dot_general3A_1078 = tpu.matmul %get3A_1072, %get3A_1077, %dot_general3A {dimension_numbers = #tpu.dot_dimension_numbers<[1], [0], [0], [1], [0, 0, 1, 1], [], []>, transpose_lhs_hint = false} : vector<128x1024xf32>, vector<1024x1024xf32>, vector<128x1024xf32> -> vector<128x1024xf32>
      %max3A = arith.constant 0.000000e+00 : f32
      %max3A_1079 = vector.broadcast %max3A : f32 to vector<128x1024xf32>
      %max3A_1080 = arith.maximumf %dot_general3A_1078, %max3A_1079 : vector<128x1024xf32>
      %get3A_1081 = arith.constant 0 : index
      %get3A_1082 = arith.constant 0 : index
      %get3A_1083 = arith.constant 0 : index
      %get3A_1084 = vector.load %arg7[%get3A_1081, %get3A_1082, %get3A_1083] : memref<2x1024x1024xf32, #tpu.memory_space<vmem>>, vector<1x1024x1024xf32>
      %get3A_1085 = vector.shape_cast %get3A_1084 : vector<1x1024x1024xf32> to vector<1024x1024xf32>
      %dot_general3A_1086 = arith.constant dense<0.000000e+00> : vector<128x1024xf32>
      %dot_general3A_1087 = tpu.matmul %max3A_1080, %get3A_1085, %dot_general3A_1086 {dimension_numbers = #tpu.dot_dimension_numbers<[1], [0], [0], [1], [0, 0, 1, 1], [], []>, transpose_lhs_hint = false} : vector<128x1024xf32>, vector<1024x1024xf32>, vector<128x1024xf32> -> vector<128x1024xf32>
      %swap3A = arith.index_cast %multiple_of3A : i32 to index
      %swap3A_1088 = arith.constant 0 : index
      %swap3A_1089 = vector.load %arg5[%swap3A, %swap3A_1088] : memref<3072x1024xf32, #tpu.memory_space<vmem>>, vector<128x1024xf32>
      tpu.vector_store %arg5[%swap3A, %swap3A_1088], %dot_general3A_1087 {strides = array<i32>} : memref<3072x1024xf32, #tpu.memory_space<vmem>>, vector<128x1024xf32>,
    }
    %dma_start3A_893 = arith.constant 7 : i32
    %dma_start3A_894 = arith.constant 0 : i32
    %dma_start3A_895 = arith.constant 0 : i32
    %dma_start3A_896 = tpu.memref_slice %arg8[%dma_start3A_895] : memref<4x!tpu.dma_semaphore, #tpu.memory_space<semaphore_mem>> -> memref<1x!tpu.dma_semaphore, #tpu.memory_space<semaphore_mem>>
    %dma_start3A_897 = tpu.memref_squeeze %dma_start3A_896 : memref<1x!tpu.dma_semaphore, #tpu.memory_space<semaphore_mem>> -> memref<!tpu.dma_semaphore, #tpu.memory_space<semaphore_mem>>
    %dma_start3A_898 = arith.constant 0 : i32
    %dma_start3A_899 = arith.constant 0 : i32
    %dma_start3A_900 = tpu.memref_slice %arg6[%dma_start3A_894, %dma_start3A_898, %dma_start3A_899] : memref<2x1024x1024xf32, #tpu.memory_space<vmem>> -> memref<1x1024x1024xf32, #tpu.memory_space<vmem>>
    %dma_start3A_901 = tpu.memref_squeeze %dma_start3A_900 : memref<1x1024x1024xf32, #tpu.memory_space<vmem>> -> memref<1024x1024xf32, #tpu.memory_space<vmem>>
    %dma_start3A_902 = arith.constant 0 : i32
    %dma_start3A_903 = arith.constant 0 : i32
    %dma_start3A_904 = tpu.memref_slice %arg3[%dma_start3A_893, %dma_start3A_902, %dma_start3A_903] : memref<8x1024x2048xf32, #tpu.memory_space<hbm>> -> memref<1x1024x1024xf32, #tpu.memory_space<hbm>>
    %dma_start3A_905 = tpu.memref_squeeze %dma_start3A_904 : memref<1x1024x1024xf32, #tpu.memory_space<hbm>> -> memref<1024x1024xf32, #tpu.memory_space<hbm>>
    tpu.enqueue_dma source(%dma_start3A_905 : memref<1024x1024xf32, #tpu.memory_space<hbm>>) target(%dma_start3A_901 : memref<1024x1024xf32, #tpu.memory_space<vmem>>) target_semaphore(%dma_start3A_897 : memref<!tpu.dma_semaphore, #tpu.memory_space<semaphore_mem>>)
    %dma_start3A_906 = arith.constant 7 : i32
    %dma_start3A_907 = arith.constant 0 : i32
    %dma_start3A_908 = arith.constant 1 : i32
    %dma_start3A_909 = tpu.memref_slice %arg8[%dma_start3A_908] : memref<4x!tpu.dma_semaphore, #tpu.memory_space<semaphore_mem>> -> memref<1x!tpu.dma_semaphore, #tpu.memory_space<semaphore_mem>>
    %dma_start3A_910 = tpu.memref_squeeze %dma_start3A_909 : memref<1x!tpu.dma_semaphore, #tpu.memory_space<semaphore_mem>> -> memref<!tpu.dma_semaphore, #tpu.memory_space<semaphore_mem>>
    %dma_start3A_911 = arith.constant 0 : i32
    %dma_start3A_912 = arith.constant 0 : i32
    %dma_start3A_913 = tpu.memref_slice %arg7[%dma_start3A_907, %dma_start3A_911, %dma_start3A_912] : memref<2x1024x1024xf32, #tpu.memory_space<vmem>> -> memref<1x1024x1024xf32, #tpu.memory_space<vmem>>
    %dma_start3A_914 = tpu.memref_squeeze %dma_start3A_913 : memref<1x1024x1024xf32, #tpu.memory_space<vmem>> -> memref<1024x1024xf32, #tpu.memory_space<vmem>>
    %dma_start3A_915 = arith.constant 0 : i32
    %dma_start3A_916 = arith.constant 0 : i32
    %dma_start3A_917 = tpu.memref_slice %arg4[%dma_start3A_906, %dma_start3A_915, %dma_start3A_916] : memref<8x2048x1024xf32, #tpu.memory_space<hbm>> -> memref<1x1024x1024xf32, #tpu.memory_space<hbm>>
    %dma_start3A_918 = tpu.memref_squeeze %dma_start3A_917 : memref<1x1024x1024xf32, #tpu.memory_space<hbm>> -> memref<1024x1024xf32, #tpu.memory_space<hbm>>
    tpu.enqueue_dma source(%dma_start3A_918 : memref<1024x1024xf32, #tpu.memory_space<hbm>>) target(%dma_start3A_914 : memref<1024x1024xf32, #tpu.memory_space<vmem>>) target_semaphore(%dma_start3A_910 : memref<!tpu.dma_semaphore, #tpu.memory_space<semaphore_mem>>)
    %dma_wait3A_919 = arith.constant 6 : i32
    %dma_wait3A_920 = arith.constant 1 : i32
    %dma_wait3A_921 = arith.constant 2 : i32
    %dma_wait3A_922 = tpu.memref_slice %arg8[%dma_wait3A_921] : memref<4x!tpu.dma_semaphore, #tpu.memory_space<semaphore_mem>> -> memref<1x!tpu.dma_semaphore, #tpu.memory_space<semaphore_mem>>
    %dma_wait3A_923 = tpu.memref_squeeze %dma_wait3A_922 : memref<1x!tpu.dma_semaphore, #tpu.memory_space<semaphore_mem>> -> memref<!tpu.dma_semaphore, #tpu.memory_space<semaphore_mem>>
    %dma_wait3A_924 = arith.constant 0 : i32
    %dma_wait3A_925 = arith.constant 0 : i32
    %dma_wait3A_926 = tpu.memref_slice %arg6[%dma_wait3A_920, %dma_wait3A_924, %dma_wait3A_925] : memref<2x1024x1024xf32, #tpu.memory_space<vmem>> -> memref<1x1024x1024xf32, #tpu.memory_space<vmem>>
    %dma_wait3A_927 = tpu.memref_squeeze %dma_wait3A_926 : memref<1x1024x1024xf32, #tpu.memory_space<vmem>> -> memref<1024x1024xf32, #tpu.memory_space<vmem>>
    %dma_wait3A_928 = arith.constant 0 : i32
    %dma_wait3A_929 = arith.constant 1024 : i32
    %dma_wait3A_930 = tpu.memref_slice %arg3[%dma_wait3A_919, %dma_wait3A_928, %dma_wait3A_929] : memref<8x1024x2048xf32, #tpu.memory_space<hbm>> -> memref<1x1024x1024xf32, #tpu.memory_space<hbm>>
    %dma_wait3A_931 = tpu.memref_squeeze %dma_wait3A_930 : memref<1x1024x1024xf32, #tpu.memory_space<hbm>> -> memref<1024x1024xf32, #tpu.memory_space<hbm>>
    tpu.wait_dma2 semaphore(%dma_wait3A_923 : memref<!tpu.dma_semaphore, #tpu.memory_space<semaphore_mem>>) src(%dma_wait3A_931 : memref<1024x1024xf32, #tpu.memory_space<hbm>>) dst(%dma_wait3A_927 : memref<1024x1024xf32, #tpu.memory_space<vmem>>)
    %dma_wait3A_932 = arith.constant 6 : i32
    %dma_wait3A_933 = arith.constant 1 : i32
    %dma_wait3A_934 = arith.constant 3 : i32
    %dma_wait3A_935 = tpu.memref_slice %arg8[%dma_wait3A_934] : memref<4x!tpu.dma_semaphore, #tpu.memory_space<semaphore_mem>> -> memref<1x!tpu.dma_semaphore, #tpu.memory_space<semaphore_mem>>
    %dma_wait3A_936 = tpu.memref_squeeze %dma_wait3A_935 : memref<1x!tpu.dma_semaphore, #tpu.memory_space<semaphore_mem>> -> memref<!tpu.dma_semaphore, #tpu.memory_space<semaphore_mem>>
    %dma_wait3A_937 = arith.constant 0 : i32
    %dma_wait3A_938 = arith.constant 0 : i32
    %dma_wait3A_939 = tpu.memref_slice %arg7[%dma_wait3A_933, %dma_wait3A_937, %dma_wait3A_938] : memref<2x1024x1024xf32, #tpu.memory_space<vmem>> -> memref<1x1024x1024xf32, #tpu.memory_space<vmem>>
    %dma_wait3A_940 = tpu.memref_squeeze %dma_wait3A_939 : memref<1x1024x1024xf32, #tpu.memory_space<vmem>> -> memref<1024x1024xf32, #tpu.memory_space<vmem>>
    %dma_wait3A_941 = arith.constant 1024 : i32
    %dma_wait3A_942 = arith.constant 0 : i32
    %dma_wait3A_943 = tpu.memref_slice %arg4[%dma_wait3A_932, %dma_wait3A_941, %dma_wait3A_942] : memref<8x2048x1024xf32, #tpu.memory_space<hbm>> -> memref<1x1024x1024xf32, #tpu.memory_space<hbm>>
    %dma_wait3A_944 = tpu.memref_squeeze %dma_wait3A_943 : memref<1x1024x1024xf32, #tpu.memory_space<hbm>> -> memref<1024x1024xf32, #tpu.memory_space<hbm>>
    tpu.wait_dma2 semaphore(%dma_wait3A_936 : memref<!tpu.dma_semaphore, #tpu.memory_space<semaphore_mem>>) src(%dma_wait3A_944 : memref<1024x1024xf32, #tpu.memory_space<hbm>>) dst(%dma_wait3A_940 : memref<1024x1024xf32, #tpu.memory_space<vmem>>)
    %get3A_945 = arith.constant 0 : index
    %get3A_946 = arith.constant 6 : index
    %get3A_947 = memref.load %arg1[%get3A_945, %get3A_946] : memref<2x8xi32, #tpu.memory_space<smem>>
    %get3A_948 = arith.constant 1 : index
    %get3A_949 = arith.constant 6 : index
    %get3A_950 = memref.load %arg1[%get3A_948, %get3A_949] : memref<2x8xi32, #tpu.memory_space<smem>>
    %while3A_951 = arith.constant 0 : i32
    %while3A_952 = arith.subi %get3A_950, %get3A_947 : i32
    %while3A_953 = arith.addi %get3A_947, %while3A_952 : i32
    %while3A_954 = arith.constant 1 : i32
    %while3A_955 = arith.divsi %while3A_952, %while3A_954 : i32
    %while3A_956 = arith.muli %while3A_955, %while3A_954 : i32
    %while3A_957 = arith.addi %get3A_947, %while3A_956 : i32
    %while3A_958 = arith.constant 1 : i32
    scf.for %while3A_1068 = %get3A_947 to %while3A_957 step %while3A_958  : i32 {
      %mul3A = arith.constant 128 : i32
      %mul3A_1069 = arith.muli %while3A_1068, %mul3A : i32
      %multiple_of3A = tpu.assume_multiple %mul3A_1069, 128 : i32
      %get3A_1070 = arith.index_cast %multiple_of3A : i32 to index
      %get3A_1071 = arith.constant 0 : index
      %get3A_1072 = vector.load %arg2[%get3A_1070, %get3A_1071] : memref<3072x1024xf32, #tpu.memory_space<vmem>>, vector<128x1024xf32>
      %get3A_1073 = arith.constant 1 : index
      %get3A_1074 = arith.constant 0 : index
      %get3A_1075 = arith.constant 0 : index
      %get3A_1076 = vector.load %arg6[%get3A_1073, %get3A_1074, %get3A_1075] : memref<2x1024x1024xf32, #tpu.memory_space<vmem>>, vector<1x1024x1024xf32>
      %get3A_1077 = vector.shape_cast %get3A_1076 : vector<1x1024x1024xf32> to vector<1024x1024xf32>
      %dot_general3A = arith.constant dense<0.000000e+00> : vector<128x1024xf32>
      %dot_general3A_1078 = tpu.matmul %get3A_1072, %get3A_1077, %dot_general3A {dimension_numbers = #tpu.dot_dimension_numbers<[1], [0], [0], [1], [0, 0, 1, 1], [], []>, transpose_lhs_hint = false} : vector<128x1024xf32>, vector<1024x1024xf32>, vector<128x1024xf32> -> vector<128x1024xf32>
      %max3A = arith.constant 0.000000e+00 : f32
      %max3A_1079 = vector.broadcast %max3A : f32 to vector<128x1024xf32>
      %max3A_1080 = arith.maximumf %dot_general3A_1078, %max3A_1079 : vector<128x1024xf32>
      %get3A_1081 = arith.constant 1 : index
      %get3A_1082 = arith.constant 0 : index
      %get3A_1083 = arith.constant 0 : index
      %get3A_1084 = vector.load %arg7[%get3A_1081, %get3A_1082, %get3A_1083] : memref<2x1024x1024xf32, #tpu.memory_space<vmem>>, vector<1x1024x1024xf32>
      %get3A_1085 = vector.shape_cast %get3A_1084 : vector<1x1024x1024xf32> to vector<1024x1024xf32>
      %dot_general3A_1086 = arith.constant dense<0.000000e+00> : vector<128x1024xf32>
      %dot_general3A_1087 = tpu.matmul %max3A_1080, %get3A_1085, %dot_general3A_1086 {dimension_numbers = #tpu.dot_dimension_numbers<[1], [0], [0], [1], [0, 0, 1, 1], [], []>, transpose_lhs_hint = false} : vector<128x1024xf32>, vector<1024x1024xf32>, vector<128x1024xf32> -> vector<128x1024xf32>
      %get3A_1088 = arith.index_cast %multiple_of3A : i32 to index
      %get3A_1089 = arith.constant 0 : index
      %get3A_1090 = vector.load %arg5[%get3A_1088, %get3A_1089] : memref<3072x1024xf32, #tpu.memory_space<vmem>>, vector<128x1024xf32>
      %add3A = arith.addf %get3A_1090, %dot_general3A_1087 : vector<128x1024xf32>
      %swap3A = arith.index_cast %multiple_of3A : i32 to index
      %swap3A_1091 = arith.constant 0 : index
      %swap3A_1092 = vector.load %arg5[%swap3A, %swap3A_1091] : memref<3072x1024xf32, #tpu.memory_space<vmem>>, vector<128x1024xf32>
      tpu.vector_store %arg5[%swap3A, %swap3A_1091], %add3A {strides = array<i32>} : memref<3072x1024xf32, #tpu.memory_space<vmem>>, vector<128x1024xf32>,
    }
    %while3A_959 = arith.constant 1 : i32
    scf.for %while3A_1068 = %while3A_957 to %while3A_953 step %while3A_959  : i32 {
      %mul3A = arith.constant 128 : i32
      %mul3A_1069 = arith.muli %while3A_1068, %mul3A : i32
      %multiple_of3A = tpu.assume_multiple %mul3A_1069, 128 : i32
      %get3A_1070 = arith.index_cast %multiple_of3A : i32 to index
      %get3A_1071 = arith.constant 0 : index
      %get3A_1072 = vector.load %arg2[%get3A_1070, %get3A_1071] : memref<3072x1024xf32, #tpu.memory_space<vmem>>, vector<128x1024xf32>
      %get3A_1073 = arith.constant 1 : index
      %get3A_1074 = arith.constant 0 : index
      %get3A_1075 = arith.constant 0 : index
      %get3A_1076 = vector.load %arg6[%get3A_1073, %get3A_1074, %get3A_1075] : memref<2x1024x1024xf32, #tpu.memory_space<vmem>>, vector<1x1024x1024xf32>
      %get3A_1077 = vector.shape_cast %get3A_1076 : vector<1x1024x1024xf32> to vector<1024x1024xf32>
      %dot_general3A = arith.constant dense<0.000000e+00> : vector<128x1024xf32>
      %dot_general3A_1078 = tpu.matmul %get3A_1072, %get3A_1077, %dot_general3A {dimension_numbers = #tpu.dot_dimension_numbers<[1], [0], [0], [1], [0, 0, 1, 1], [], []>, transpose_lhs_hint = false} : vector<128x1024xf32>, vector<1024x1024xf32>, vector<128x1024xf32> -> vector<128x1024xf32>
      %max3A = arith.constant 0.000000e+00 : f32
      %max3A_1079 = vector.broadcast %max3A : f32 to vector<128x1024xf32>
      %max3A_1080 = arith.maximumf %dot_general3A_1078, %max3A_1079 : vector<128x1024xf32>
      %get3A_1081 = arith.constant 1 : index
      %get3A_1082 = arith.constant 0 : index
      %get3A_1083 = arith.constant 0 : index
      %get3A_1084 = vector.load %arg7[%get3A_1081, %get3A_1082, %get3A_1083] : memref<2x1024x1024xf32, #tpu.memory_space<vmem>>, vector<1x1024x1024xf32>
      %get3A_1085 = vector.shape_cast %get3A_1084 : vector<1x1024x1024xf32> to vector<1024x1024xf32>
      %dot_general3A_1086 = arith.constant dense<0.000000e+00> : vector<128x1024xf32>
      %dot_general3A_1087 = tpu.matmul %max3A_1080, %get3A_1085, %dot_general3A_1086 {dimension_numbers = #tpu.dot_dimension_numbers<[1], [0], [0], [1], [0, 0, 1, 1], [], []>, transpose_lhs_hint = false} : vector<128x1024xf32>, vector<1024x1024xf32>, vector<128x1024xf32> -> vector<128x1024xf32>
      %get3A_1088 = arith.index_cast %multiple_of3A : i32 to index
      %get3A_1089 = arith.constant 0 : index
      %get3A_1090 = vector.load %arg5[%get3A_1088, %get3A_1089] : memref<3072x1024xf32, #tpu.memory_space<vmem>>, vector<128x1024xf32>
      %add3A = arith.addf %get3A_1090, %dot_general3A_1087 : vector<128x1024xf32>
      %swap3A = arith.index_cast %multiple_of3A : i32 to index
      %swap3A_1091 = arith.constant 0 : index
      %swap3A_1092 = vector.load %arg5[%swap3A, %swap3A_1091] : memref<3072x1024xf32, #tpu.memory_space<vmem>>, vector<128x1024xf32>
      tpu.vector_store %arg5[%swap3A, %swap3A_1091], %add3A {strides = array<i32>} : memref<3072x1024xf32, #tpu.memory_space<vmem>>, vector<128x1024xf32>,
    }
    %dma_start3A_960 = arith.constant 7 : i32
    %dma_start3A_961 = arith.constant 1 : i32
    %dma_start3A_962 = arith.constant 2 : i32
    %dma_start3A_963 = tpu.memref_slice %arg8[%dma_start3A_962] : memref<4x!tpu.dma_semaphore, #tpu.memory_space<semaphore_mem>> -> memref<1x!tpu.dma_semaphore, #tpu.memory_space<semaphore_mem>>
    %dma_start3A_964 = tpu.memref_squeeze %dma_start3A_963 : memref<1x!tpu.dma_semaphore, #tpu.memory_space<semaphore_mem>> -> memref<!tpu.dma_semaphore, #tpu.memory_space<semaphore_mem>>
    %dma_start3A_965 = arith.constant 0 : i32
    %dma_start3A_966 = arith.constant 0 : i32
    %dma_start3A_967 = tpu.memref_slice %arg6[%dma_start3A_961, %dma_start3A_965, %dma_start3A_966] : memref<2x1024x1024xf32, #tpu.memory_space<vmem>> -> memref<1x1024x1024xf32, #tpu.memory_space<vmem>>
    %dma_start3A_968 = tpu.memref_squeeze %dma_start3A_967 : memref<1x1024x1024xf32, #tpu.memory_space<vmem>> -> memref<1024x1024xf32, #tpu.memory_space<vmem>>
    %dma_start3A_969 = arith.constant 0 : i32
    %dma_start3A_970 = arith.constant 1024 : i32
    %dma_start3A_971 = tpu.memref_slice %arg3[%dma_start3A_960, %dma_start3A_969, %dma_start3A_970] : memref<8x1024x2048xf32, #tpu.memory_space<hbm>> -> memref<1x1024x1024xf32, #tpu.memory_space<hbm>>
    %dma_start3A_972 = tpu.memref_squeeze %dma_start3A_971 : memref<1x1024x1024xf32, #tpu.memory_space<hbm>> -> memref<1024x1024xf32, #tpu.memory_space<hbm>>
    tpu.enqueue_dma source(%dma_start3A_972 : memref<1024x1024xf32, #tpu.memory_space<hbm>>) target(%dma_start3A_968 : memref<1024x1024xf32, #tpu.memory_space<vmem>>) target_semaphore(%dma_start3A_964 : memref<!tpu.dma_semaphore, #tpu.memory_space<semaphore_mem>>)
    %dma_start3A_973 = arith.constant 7 : i32
    %dma_start3A_974 = arith.constant 1 : i32
    %dma_start3A_975 = arith.constant 3 : i32
    %dma_start3A_976 = tpu.memref_slice %arg8[%dma_start3A_975] : memref<4x!tpu.dma_semaphore, #tpu.memory_space<semaphore_mem>> -> memref<1x!tpu.dma_semaphore, #tpu.memory_space<semaphore_mem>>
    %dma_start3A_977 = tpu.memref_squeeze %dma_start3A_976 : memref<1x!tpu.dma_semaphore, #tpu.memory_space<semaphore_mem>> -> memref<!tpu.dma_semaphore, #tpu.memory_space<semaphore_mem>>
    %dma_start3A_978 = arith.constant 0 : i32
    %dma_start3A_979 = arith.constant 0 : i32
    %dma_start3A_980 = tpu.memref_slice %arg7[%dma_start3A_974, %dma_start3A_978, %dma_start3A_979] : memref<2x1024x1024xf32, #tpu.memory_space<vmem>> -> memref<1x1024x1024xf32, #tpu.memory_space<vmem>>
    %dma_start3A_981 = tpu.memref_squeeze %dma_start3A_980 : memref<1x1024x1024xf32, #tpu.memory_space<vmem>> -> memref<1024x1024xf32, #tpu.memory_space<vmem>>
    %dma_start3A_982 = arith.constant 1024 : i32
    %dma_start3A_983 = arith.constant 0 : i32
    %dma_start3A_984 = tpu.memref_slice %arg4[%dma_start3A_973, %dma_start3A_982, %dma_start3A_983] : memref<8x2048x1024xf32, #tpu.memory_space<hbm>> -> memref<1x1024x1024xf32, #tpu.memory_space<hbm>>
    %dma_start3A_985 = tpu.memref_squeeze %dma_start3A_984 : memref<1x1024x1024xf32, #tpu.memory_space<hbm>> -> memref<1024x1024xf32, #tpu.memory_space<hbm>>
    tpu.enqueue_dma source(%dma_start3A_985 : memref<1024x1024xf32, #tpu.memory_space<hbm>>) target(%dma_start3A_981 : memref<1024x1024xf32, #tpu.memory_space<vmem>>) target_semaphore(%dma_start3A_977 : memref<!tpu.dma_semaphore, #tpu.memory_space<semaphore_mem>>)
    %dma_wait3A_986 = arith.constant 7 : i32
    %dma_wait3A_987 = arith.constant 0 : i32
    %dma_wait3A_988 = arith.constant 0 : i32
    %dma_wait3A_989 = tpu.memref_slice %arg8[%dma_wait3A_988] : memref<4x!tpu.dma_semaphore, #tpu.memory_space<semaphore_mem>> -> memref<1x!tpu.dma_semaphore, #tpu.memory_space<semaphore_mem>>
    %dma_wait3A_990 = tpu.memref_squeeze %dma_wait3A_989 : memref<1x!tpu.dma_semaphore, #tpu.memory_space<semaphore_mem>> -> memref<!tpu.dma_semaphore, #tpu.memory_space<semaphore_mem>>
    %dma_wait3A_991 = arith.constant 0 : i32
    %dma_wait3A_992 = arith.constant 0 : i32
    %dma_wait3A_993 = tpu.memref_slice %arg6[%dma_wait3A_987, %dma_wait3A_991, %dma_wait3A_992] : memref<2x1024x1024xf32, #tpu.memory_space<vmem>> -> memref<1x1024x1024xf32, #tpu.memory_space<vmem>>
    %dma_wait3A_994 = tpu.memref_squeeze %dma_wait3A_993 : memref<1x1024x1024xf32, #tpu.memory_space<vmem>> -> memref<1024x1024xf32, #tpu.memory_space<vmem>>
    %dma_wait3A_995 = arith.constant 0 : i32
    %dma_wait3A_996 = arith.constant 0 : i32
    %dma_wait3A_997 = tpu.memref_slice %arg3[%dma_wait3A_986, %dma_wait3A_995, %dma_wait3A_996] : memref<8x1024x2048xf32, #tpu.memory_space<hbm>> -> memref<1x1024x1024xf32, #tpu.memory_space<hbm>>
    %dma_wait3A_998 = tpu.memref_squeeze %dma_wait3A_997 : memref<1x1024x1024xf32, #tpu.memory_space<hbm>> -> memref<1024x1024xf32, #tpu.memory_space<hbm>>
    tpu.wait_dma2 semaphore(%dma_wait3A_990 : memref<!tpu.dma_semaphore, #tpu.memory_space<semaphore_mem>>) src(%dma_wait3A_998 : memref<1024x1024xf32, #tpu.memory_space<hbm>>) dst(%dma_wait3A_994 : memref<1024x1024xf32, #tpu.memory_space<vmem>>)
    %dma_wait3A_999 = arith.constant 7 : i32
    %dma_wait3A_1000 = arith.constant 0 : i32
    %dma_wait3A_1001 = arith.constant 1 : i32
    %dma_wait3A_1002 = tpu.memref_slice %arg8[%dma_wait3A_1001] : memref<4x!tpu.dma_semaphore, #tpu.memory_space<semaphore_mem>> -> memref<1x!tpu.dma_semaphore, #tpu.memory_space<semaphore_mem>>
    %dma_wait3A_1003 = tpu.memref_squeeze %dma_wait3A_1002 : memref<1x!tpu.dma_semaphore, #tpu.memory_space<semaphore_mem>> -> memref<!tpu.dma_semaphore, #tpu.memory_space<semaphore_mem>>
    %dma_wait3A_1004 = arith.constant 0 : i32
    %dma_wait3A_1005 = arith.constant 0 : i32
    %dma_wait3A_1006 = tpu.memref_slice %arg7[%dma_wait3A_1000, %dma_wait3A_1004, %dma_wait3A_1005] : memref<2x1024x1024xf32, #tpu.memory_space<vmem>> -> memref<1x1024x1024xf32, #tpu.memory_space<vmem>>
    %dma_wait3A_1007 = tpu.memref_squeeze %dma_wait3A_1006 : memref<1x1024x1024xf32, #tpu.memory_space<vmem>> -> memref<1024x1024xf32, #tpu.memory_space<vmem>>
    %dma_wait3A_1008 = arith.constant 0 : i32
    %dma_wait3A_1009 = arith.constant 0 : i32
    %dma_wait3A_1010 = tpu.memref_slice %arg4[%dma_wait3A_999, %dma_wait3A_1008, %dma_wait3A_1009] : memref<8x2048x1024xf32, #tpu.memory_space<hbm>> -> memref<1x1024x1024xf32, #tpu.memory_space<hbm>>
    %dma_wait3A_1011 = tpu.memref_squeeze %dma_wait3A_1010 : memref<1x1024x1024xf32, #tpu.memory_space<hbm>> -> memref<1024x1024xf32, #tpu.memory_space<hbm>>
    tpu.wait_dma2 semaphore(%dma_wait3A_1003 : memref<!tpu.dma_semaphore, #tpu.memory_space<semaphore_mem>>) src(%dma_wait3A_1011 : memref<1024x1024xf32, #tpu.memory_space<hbm>>) dst(%dma_wait3A_1007 : memref<1024x1024xf32, #tpu.memory_space<vmem>>)
    %get3A_1012 = arith.constant 0 : index
    %get3A_1013 = arith.constant 7 : index
    %get3A_1014 = memref.load %arg1[%get3A_1012, %get3A_1013] : memref<2x8xi32, #tpu.memory_space<smem>>
    %get3A_1015 = arith.constant 1 : index
    %get3A_1016 = arith.constant 7 : index
    %get3A_1017 = memref.load %arg1[%get3A_1015, %get3A_1016] : memref<2x8xi32, #tpu.memory_space<smem>>
    %while3A_1018 = arith.constant 0 : i32
    %while3A_1019 = arith.subi %get3A_1017, %get3A_1014 : i32
    %while3A_1020 = arith.addi %get3A_1014, %while3A_1019 : i32
    %while3A_1021 = arith.constant 1 : i32
    %while3A_1022 = arith.divsi %while3A_1019, %while3A_1021 : i32
    %while3A_1023 = arith.muli %while3A_1022, %while3A_1021 : i32
    %while3A_1024 = arith.addi %get3A_1014, %while3A_1023 : i32
    %while3A_1025 = arith.constant 1 : i32
    scf.for %while3A_1068 = %get3A_1014 to %while3A_1024 step %while3A_1025  : i32 {
      %mul3A = arith.constant 128 : i32
      %mul3A_1069 = arith.muli %while3A_1068, %mul3A : i32
      %multiple_of3A = tpu.assume_multiple %mul3A_1069, 128 : i32
      %get3A_1070 = arith.index_cast %multiple_of3A : i32 to index
      %get3A_1071 = arith.constant 0 : index
      %get3A_1072 = vector.load %arg2[%get3A_1070, %get3A_1071] : memref<3072x1024xf32, #tpu.memory_space<vmem>>, vector<128x1024xf32>
      %get3A_1073 = arith.constant 0 : index
      %get3A_1074 = arith.constant 0 : index
      %get3A_1075 = arith.constant 0 : index
      %get3A_1076 = vector.load %arg6[%get3A_1073, %get3A_1074, %get3A_1075] : memref<2x1024x1024xf32, #tpu.memory_space<vmem>>, vector<1x1024x1024xf32>
      %get3A_1077 = vector.shape_cast %get3A_1076 : vector<1x1024x1024xf32> to vector<1024x1024xf32>
      %dot_general3A = arith.constant dense<0.000000e+00> : vector<128x1024xf32>
      %dot_general3A_1078 = tpu.matmul %get3A_1072, %get3A_1077, %dot_general3A {dimension_numbers = #tpu.dot_dimension_numbers<[1], [0], [0], [1], [0, 0, 1, 1], [], []>, transpose_lhs_hint = false} : vector<128x1024xf32>, vector<1024x1024xf32>, vector<128x1024xf32> -> vector<128x1024xf32>
      %max3A = arith.constant 0.000000e+00 : f32
      %max3A_1079 = vector.broadcast %max3A : f32 to vector<128x1024xf32>
      %max3A_1080 = arith.maximumf %dot_general3A_1078, %max3A_1079 : vector<128x1024xf32>
      %get3A_1081 = arith.constant 0 : index
      %get3A_1082 = arith.constant 0 : index
      %get3A_1083 = arith.constant 0 : index
      %get3A_1084 = vector.load %arg7[%get3A_1081, %get3A_1082, %get3A_1083] : memref<2x1024x1024xf32, #tpu.memory_space<vmem>>, vector<1x1024x1024xf32>
      %get3A_1085 = vector.shape_cast %get3A_1084 : vector<1x1024x1024xf32> to vector<1024x1024xf32>
      %dot_general3A_1086 = arith.constant dense<0.000000e+00> : vector<128x1024xf32>
      %dot_general3A_1087 = tpu.matmul %max3A_1080, %get3A_1085, %dot_general3A_1086 {dimension_numbers = #tpu.dot_dimension_numbers<[1], [0], [0], [1], [0, 0, 1, 1], [], []>, transpose_lhs_hint = false} : vector<128x1024xf32>, vector<1024x1024xf32>, vector<128x1024xf32> -> vector<128x1024xf32>
      %swap3A = arith.index_cast %multiple_of3A : i32 to index
      %swap3A_1088 = arith.constant 0 : index
      %swap3A_1089 = vector.load %arg5[%swap3A, %swap3A_1088] : memref<3072x1024xf32, #tpu.memory_space<vmem>>, vector<128x1024xf32>
      tpu.vector_store %arg5[%swap3A, %swap3A_1088], %dot_general3A_1087 {strides = array<i32>} : memref<3072x1024xf32, #tpu.memory_space<vmem>>, vector<128x1024xf32>,
    }
    %while3A_1026 = arith.constant 1 : i32
    scf.for %while3A_1068 = %while3A_1024 to %while3A_1020 step %while3A_1026  : i32 {
      %mul3A = arith.constant 128 : i32
      %mul3A_1069 = arith.muli %while3A_1068, %mul3A : i32
      %multiple_of3A = tpu.assume_multiple %mul3A_1069, 128 : i32
      %get3A_1070 = arith.index_cast %multiple_of3A : i32 to index
      %get3A_1071 = arith.constant 0 : index
      %get3A_1072 = vector.load %arg2[%get3A_1070, %get3A_1071] : memref<3072x1024xf32, #tpu.memory_space<vmem>>, vector<128x1024xf32>
      %get3A_1073 = arith.constant 0 : index
      %get3A_1074 = arith.constant 0 : index
      %get3A_1075 = arith.constant 0 : index
      %get3A_1076 = vector.load %arg6[%get3A_1073, %get3A_1074, %get3A_1075] : memref<2x1024x1024xf32, #tpu.memory_space<vmem>>, vector<1x1024x1024xf32>
      %get3A_1077 = vector.shape_cast %get3A_1076 : vector<1x1024x1024xf32> to vector<1024x1024xf32>
      %dot_general3A = arith.constant dense<0.000000e+00> : vector<128x1024xf32>
      %dot_general3A_1078 = tpu.matmul %get3A_1072, %get3A_1077, %dot_general3A {dimension_numbers = #tpu.dot_dimension_numbers<[1], [0], [0], [1], [0, 0, 1, 1], [], []>, transpose_lhs_hint = false} : vector<128x1024xf32>, vector<1024x1024xf32>, vector<128x1024xf32> -> vector<128x1024xf32>
      %max3A = arith.constant 0.000000e+00 : f32
      %max3A_1079 = vector.broadcast %max3A : f32 to vector<128x1024xf32>
      %max3A_1080 = arith.maximumf %dot_general3A_1078, %max3A_1079 : vector<128x1024xf32>
      %get3A_1081 = arith.constant 0 : index
      %get3A_1082 = arith.constant 0 : index
      %get3A_1083 = arith.constant 0 : index
      %get3A_1084 = vector.load %arg7[%get3A_1081, %get3A_1082, %get3A_1083] : memref<2x1024x1024xf32, #tpu.memory_space<vmem>>, vector<1x1024x1024xf32>
      %get3A_1085 = vector.shape_cast %get3A_1084 : vector<1x1024x1024xf32> to vector<1024x1024xf32>
      %dot_general3A_1086 = arith.constant dense<0.000000e+00> : vector<128x1024xf32>
      %dot_general3A_1087 = tpu.matmul %max3A_1080, %get3A_1085, %dot_general3A_1086 {dimension_numbers = #tpu.dot_dimension_numbers<[1], [0], [0], [1], [0, 0, 1, 1], [], []>, transpose_lhs_hint = false} : vector<128x1024xf32>, vector<1024x1024xf32>, vector<128x1024xf32> -> vector<128x1024xf32>
      %swap3A = arith.index_cast %multiple_of3A : i32 to index
      %swap3A_1088 = arith.constant 0 : index
      %swap3A_1089 = vector.load %arg5[%swap3A, %swap3A_1088] : memref<3072x1024xf32, #tpu.memory_space<vmem>>, vector<128x1024xf32>
      tpu.vector_store %arg5[%swap3A, %swap3A_1088], %dot_general3A_1087 {strides = array<i32>} : memref<3072x1024xf32, #tpu.memory_space<vmem>>, vector<128x1024xf32>,
    }
    %dma_wait3A_1027 = arith.constant 7 : i32
    %dma_wait3A_1028 = arith.constant 1 : i32
    %dma_wait3A_1029 = arith.constant 2 : i32
    %dma_wait3A_1030 = tpu.memref_slice %arg8[%dma_wait3A_1029] : memref<4x!tpu.dma_semaphore, #tpu.memory_space<semaphore_mem>> -> memref<1x!tpu.dma_semaphore, #tpu.memory_space<semaphore_mem>>
    %dma_wait3A_1031 = tpu.memref_squeeze %dma_wait3A_1030 : memref<1x!tpu.dma_semaphore, #tpu.memory_space<semaphore_mem>> -> memref<!tpu.dma_semaphore, #tpu.memory_space<semaphore_mem>>
    %dma_wait3A_1032 = arith.constant 0 : i32
    %dma_wait3A_1033 = arith.constant 0 : i32
    %dma_wait3A_1034 = tpu.memref_slice %arg6[%dma_wait3A_1028, %dma_wait3A_1032, %dma_wait3A_1033] : memref<2x1024x1024xf32, #tpu.memory_space<vmem>> -> memref<1x1024x1024xf32, #tpu.memory_space<vmem>>
    %dma_wait3A_1035 = tpu.memref_squeeze %dma_wait3A_1034 : memref<1x1024x1024xf32, #tpu.memory_space<vmem>> -> memref<1024x1024xf32, #tpu.memory_space<vmem>>
    %dma_wait3A_1036 = arith.constant 0 : i32
    %dma_wait3A_1037 = arith.constant 1024 : i32
    %dma_wait3A_1038 = tpu.memref_slice %arg3[%dma_wait3A_1027, %dma_wait3A_1036, %dma_wait3A_1037] : memref<8x1024x2048xf32, #tpu.memory_space<hbm>> -> memref<1x1024x1024xf32, #tpu.memory_space<hbm>>
    %dma_wait3A_1039 = tpu.memref_squeeze %dma_wait3A_1038 : memref<1x1024x1024xf32, #tpu.memory_space<hbm>> -> memref<1024x1024xf32, #tpu.memory_space<hbm>>
    tpu.wait_dma2 semaphore(%dma_wait3A_1031 : memref<!tpu.dma_semaphore, #tpu.memory_space<semaphore_mem>>) src(%dma_wait3A_1039 : memref<1024x1024xf32, #tpu.memory_space<hbm>>) dst(%dma_wait3A_1035 : memref<1024x1024xf32, #tpu.memory_space<vmem>>)
    %dma_wait3A_1040 = arith.constant 7 : i32
    %dma_wait3A_1041 = arith.constant 1 : i32
    %dma_wait3A_1042 = arith.constant 3 : i32
    %dma_wait3A_1043 = tpu.memref_slice %arg8[%dma_wait3A_1042] : memref<4x!tpu.dma_semaphore, #tpu.memory_space<semaphore_mem>> -> memref<1x!tpu.dma_semaphore, #tpu.memory_space<semaphore_mem>>
    %dma_wait3A_1044 = tpu.memref_squeeze %dma_wait3A_1043 : memref<1x!tpu.dma_semaphore, #tpu.memory_space<semaphore_mem>> -> memref<!tpu.dma_semaphore, #tpu.memory_space<semaphore_mem>>
    %dma_wait3A_1045 = arith.constant 0 : i32
    %dma_wait3A_1046 = arith.constant 0 : i32
    %dma_wait3A_1047 = tpu.memref_slice %arg7[%dma_wait3A_1041, %dma_wait3A_1045, %dma_wait3A_1046] : memref<2x1024x1024xf32, #tpu.memory_space<vmem>> -> memref<1x1024x1024xf32, #tpu.memory_space<vmem>>
    %dma_wait3A_1048 = tpu.memref_squeeze %dma_wait3A_1047 : memref<1x1024x1024xf32, #tpu.memory_space<vmem>> -> memref<1024x1024xf32, #tpu.memory_space<vmem>>
    %dma_wait3A_1049 = arith.constant 1024 : i32
    %dma_wait3A_1050 = arith.constant 0 : i32
    %dma_wait3A_1051 = tpu.memref_slice %arg4[%dma_wait3A_1040, %dma_wait3A_1049, %dma_wait3A_1050] : memref<8x2048x1024xf32, #tpu.memory_space<hbm>> -> memref<1x1024x1024xf32, #tpu.memory_space<hbm>>
    %dma_wait3A_1052 = tpu.memref_squeeze %dma_wait3A_1051 : memref<1x1024x1024xf32, #tpu.memory_space<hbm>> -> memref<1024x1024xf32, #tpu.memory_space<hbm>>
    tpu.wait_dma2 semaphore(%dma_wait3A_1044 : memref<!tpu.dma_semaphore, #tpu.memory_space<semaphore_mem>>) src(%dma_wait3A_1052 : memref<1024x1024xf32, #tpu.memory_space<hbm>>) dst(%dma_wait3A_1048 : memref<1024x1024xf32, #tpu.memory_space<vmem>>)
    %get3A_1053 = arith.constant 0 : index
    %get3A_1054 = arith.constant 7 : index
    %get3A_1055 = memref.load %arg1[%get3A_1053, %get3A_1054] : memref<2x8xi32, #tpu.memory_space<smem>>
    %get3A_1056 = arith.constant 1 : index
    %get3A_1057 = arith.constant 7 : index
    %get3A_1058 = memref.load %arg1[%get3A_1056, %get3A_1057] : memref<2x8xi32, #tpu.memory_space<smem>>
    %while3A_1059 = arith.constant 0 : i32
    %while3A_1060 = arith.subi %get3A_1058, %get3A_1055 : i32
    %while3A_1061 = arith.addi %get3A_1055, %while3A_1060 : i32
    %while3A_1062 = arith.constant 1 : i32
    %while3A_1063 = arith.divsi %while3A_1060, %while3A_1062 : i32
    %while3A_1064 = arith.muli %while3A_1063, %while3A_1062 : i32
    %while3A_1065 = arith.addi %get3A_1055, %while3A_1064 : i32
    %while3A_1066 = arith.constant 1 : i32
    scf.for %while3A_1068 = %get3A_1055 to %while3A_1065 step %while3A_1066  : i32 {
      %mul3A = arith.constant 128 : i32
      %mul3A_1069 = arith.muli %while3A_1068, %mul3A : i32
      %multiple_of3A = tpu.assume_multiple %mul3A_1069, 128 : i32
      %get3A_1070 = arith.index_cast %multiple_of3A : i32 to index
      %get3A_1071 = arith.constant 0 : index
      %get3A_1072 = vector.load %arg2[%get3A_1070, %get3A_1071] : memref<3072x1024xf32, #tpu.memory_space<vmem>>, vector<128x1024xf32>
      %get3A_1073 = arith.constant 1 : index
      %get3A_1074 = arith.constant 0 : index
      %get3A_1075 = arith.constant 0 : index
      %get3A_1076 = vector.load %arg6[%get3A_1073, %get3A_1074, %get3A_1075] : memref<2x1024x1024xf32, #tpu.memory_space<vmem>>, vector<1x1024x1024xf32>
      %get3A_1077 = vector.shape_cast %get3A_1076 : vector<1x1024x1024xf32> to vector<1024x1024xf32>
      %dot_general3A = arith.constant dense<0.000000e+00> : vector<128x1024xf32>
      %dot_general3A_1078 = tpu.matmul %get3A_1072, %get3A_1077, %dot_general3A {dimension_numbers = #tpu.dot_dimension_numbers<[1], [0], [0], [1], [0, 0, 1, 1], [], []>, transpose_lhs_hint = false} : vector<128x1024xf32>, vector<1024x1024xf32>, vector<128x1024xf32> -> vector<128x1024xf32>
      %max3A = arith.constant 0.000000e+00 : f32
      %max3A_1079 = vector.broadcast %max3A : f32 to vector<128x1024xf32>
      %max3A_1080 = arith.maximumf %dot_general3A_1078, %max3A_1079 : vector<128x1024xf32>
      %get3A_1081 = arith.constant 1 : index
      %get3A_1082 = arith.constant 0 : index
      %get3A_1083 = arith.constant 0 : index
      %get3A_1084 = vector.load %arg7[%get3A_1081, %get3A_1082, %get3A_1083] : memref<2x1024x1024xf32, #tpu.memory_space<vmem>>, vector<1x1024x1024xf32>
      %get3A_1085 = vector.shape_cast %get3A_1084 : vector<1x1024x1024xf32> to vector<1024x1024xf32>
      %dot_general3A_1086 = arith.constant dense<0.000000e+00> : vector<128x1024xf32>
      %dot_general3A_1087 = tpu.matmul %max3A_1080, %get3A_1085, %dot_general3A_1086 {dimension_numbers = #tpu.dot_dimension_numbers<[1], [0], [0], [1], [0, 0, 1, 1], [], []>, transpose_lhs_hint = false} : vector<128x1024xf32>, vector<1024x1024xf32>, vector<128x1024xf32> -> vector<128x1024xf32>
      %get3A_1088 = arith.index_cast %multiple_of3A : i32 to index
      %get3A_1089 = arith.constant 0 : index
      %get3A_1090 = vector.load %arg5[%get3A_1088, %get3A_1089] : memref<3072x1024xf32, #tpu.memory_space<vmem>>, vector<128x1024xf32>
      %add3A = arith.addf %get3A_1090, %dot_general3A_1087 : vector<128x1024xf32>
      %swap3A = arith.index_cast %multiple_of3A : i32 to index
      %swap3A_1091 = arith.constant 0 : index
      %swap3A_1092 = vector.load %arg5[%swap3A, %swap3A_1091] : memref<3072x1024xf32, #tpu.memory_space<vmem>>, vector<128x1024xf32>
      tpu.vector_store %arg5[%swap3A, %swap3A_1091], %add3A {strides = array<i32>} : memref<3072x1024xf32, #tpu.memory_space<vmem>>, vector<128x1024xf32>,
    }
    %while3A_1067 = arith.constant 1 : i32
    scf.for %while3A_1068 = %while3A_1065 to %while3A_1061 step %while3A_1067  : i32 {
      %mul3A = arith.constant 128 : i32
      %mul3A_1069 = arith.muli %while3A_1068, %mul3A : i32
      %multiple_of3A = tpu.assume_multiple %mul3A_1069, 128 : i32
      %get3A_1070 = arith.index_cast %multiple_of3A : i32 to index
      %get3A_1071 = arith.constant 0 : index
      %get3A_1072 = vector.load %arg2[%get3A_1070, %get3A_1071] : memref<3072x1024xf32, #tpu.memory_space<vmem>>, vector<128x1024xf32>
      %get3A_1073 = arith.constant 1 : index
      %get3A_1074 = arith.constant 0 : index
      %get3A_1075 = arith.constant 0 : index
      %get3A_1076 = vector.load %arg6[%get3A_1073, %get3A_1074, %get3A_1075] : memref<2x1024x1024xf32, #tpu.memory_space<vmem>>, vector<1x1024x1024xf32>
      %get3A_1077 = vector.shape_cast %get3A_1076 : vector<1x1024x1024xf32> to vector<1024x1024xf32>
      %dot_general3A = arith.constant dense<0.000000e+00> : vector<128x1024xf32>
      %dot_general3A_1078 = tpu.matmul %get3A_1072, %get3A_1077, %dot_general3A {dimension_numbers = #tpu.dot_dimension_numbers<[1], [0], [0], [1], [0, 0, 1, 1], [], []>, transpose_lhs_hint = false} : vector<128x1024xf32>, vector<1024x1024xf32>, vector<128x1024xf32> -> vector<128x1024xf32>
      %max3A = arith.constant 0.000000e+00 : f32
      %max3A_1079 = vector.broadcast %max3A : f32 to vector<128x1024xf32>
      %max3A_1080 = arith.maximumf %dot_general3A_1078, %max3A_1079 : vector<128x1024xf32>
      %get3A_1081 = arith.constant 1 : index
      %get3A_1082 = arith.constant 0 : index
      %get3A_1083 = arith.constant 0 : index
      %get3A_1084 = vector.load %arg7[%get3A_1081, %get3A_1082, %get3A_1083] : memref<2x1024x1024xf32, #tpu.memory_space<vmem>>, vector<1x1024x1024xf32>
      %get3A_1085 = vector.shape_cast %get3A_1084 : vector<1x1024x1024xf32> to vector<1024x1024xf32>
      %dot_general3A_1086 = arith.constant dense<0.000000e+00> : vector<128x1024xf32>
      %dot_general3A_1087 = tpu.matmul %max3A_1080, %get3A_1085, %dot_general3A_1086 {dimension_numbers = #tpu.dot_dimension_numbers<[1], [0], [0], [1], [0, 0, 1, 1], [], []>, transpose_lhs_hint = false} : vector<128x1024xf32>, vector<1024x1024xf32>, vector<128x1024xf32> -> vector<128x1024xf32>
      %get3A_1088 = arith.index_cast %multiple_of3A : i32 to index
      %get3A_1089 = arith.constant 0 : index
      %get3A_1090 = vector.load %arg5[%get3A_1088, %get3A_1089] : memref<3072x1024xf32, #tpu.memory_space<vmem>>, vector<128x1024xf32>
      %add3A = arith.addf %get3A_1090, %dot_general3A_1087 : vector<128x1024xf32>
      %swap3A = arith.index_cast %multiple_of3A : i32 to index
      %swap3A_1091 = arith.constant 0 : index
      %swap3A_1092 = vector.load %arg5[%swap3A, %swap3A_1091] : memref<3072x1024xf32, #tpu.memory_space<vmem>>, vector<128x1024xf32>
      tpu.vector_store %arg5[%swap3A, %swap3A_1091], %add3A {strides = array<i32>} : memref<3072x1024xf32, #tpu.memory_space<vmem>>, vector<128x1024xf32>,
    }
    return
  }
  func.func @transform_0(%arg0: i32, %arg1: memref<2x8xi32, #tpu.memory_space<smem>>) -> (i32, i32) {
    %c0_i32 = arith.constant 0 : i32
    %c0_i32_0 = arith.constant 0 : i32
    %c0_i32_1 = arith.constant 0 : i32
    return %c0_i32, %c0_i32_0 : i32, i32
  }
  func.func @transform_3(%arg0: i32, %arg1: memref<2x8xi32, #tpu.memory_space<smem>>) -> (i32, i32) {
    %c0_i32 = arith.constant 0 : i32
    %c0_i32_0 = arith.constant 0 : i32
    %c0_i32_1 = arith.constant 0 : i32
    return %c0_i32, %c0_i32_0 : i32, i32
  }
}

</mosaic_0001>

<sc_bundles>
// kernel: kernel.6.cloned.1.call-start
scs
__scs_entry_jumppad:
0x0: {  	(pc) =	sbr.rel $0x88, $3  }
0x1: {  	(tag) =	ssettag $0x0;
	lr =	simm.s32 $0x1  }
0x2: {  	[smem:$0x3F9D] =	sst lr;
	_ =	strace $0xD0000000  }
0x3: {  	_ = 	snop  }
0x4: {  	_ = 	snop  }
0x5: {  	_ = 	snop  }
0x6: {  	_ = 	snop  }
0x7: {  	_ = 	snop  }
__scs_overlays_trampoline_lowered:
0x8: {  	[smem:$0x3FAC] =	sst s0  }
0x9: {  	[smem:$0x3FAD] =	sst s1  }
0xa: {  	[smem:$0x3FAE] =	sst s2  }
0xb: {  	[smem:$0x3FAF] =	sst s3  }
0xc: {  	[smem:$0x3FB0] =	sst s4  }
0xd: {  	[smem:$0x3FB1] =	sst s5  }
0xe: {  	[smem:$0x3FB2] =	sst s6  }
0xf: {  	[smem:$0x3FB3] =	sst s7  }
0x10: {  	[smem:$0x3FB4] =	sst s8  }
0x11: {  	[smem:$0x3FB5] =	sst s9;
	s0 =	simm.s32 @!p0 $0x0  }
0x12: {  	s1 =	sld [smem:$0x3F9B];
	s0 =	simm.s32 @p0 $0x1  }
0x13: {  	[smem:$0x3FB6] =	sst s0;
	s0 =	simm.s32 @!p1 $0x0  }
0x14: {  	s2 =	sld [smem:$0x3F9A];
	s0 =	simm.s32 @p1 $0x1  }
0x15: {  	[smem:$0x3FB7] =	sst s0;
	s0 =	simm.s32 @!p2 $0x0  }
0x16: {  	s3 =	sld [smem:$0x3FDB];
	s0 =	simm.s32 @p2 $0x1  }
0x17: {  	s4 =	simm.s32 $0x1BF5;
	[smem:$0x3FB9] =	sst s0  }
0x18: {  	s0 =	sld [smem:$0x3F9C];
	_ =	swait.ge [sflag:s4], $0x0  }
0x19: {  	s7 =	sld [smem:$0x3F9D]  }
0x1a: {  	s8 =	sadd.s32 $0xFFFFE003, lr  }
0x1b: {  	s9 =	sadd.s32 $0xFFFFFEF7, lr;
	s5 =	simm.s32 $0xFFFFFFFF;
	p2 =	slt.u32 s8, $0xFFFFF086  }
0x1c: {  	p1 =	slt.u32 s9, $0xF7A;
	s5 =	simm.s32 @!p2 $0x0  }
0x1d: {  	s5 =	simm.s32 @p1 $0x1;
	p0 =	seq.s32 s7, s2  }
0x1e: {  	s7 =	smul.u32 @!p0 $0xF7A, s2;
	p2 =	seq.s32 @!p0 s5, $0x0  }
0x1f: {  	s9 =	smul.u32 $0xF7A, s1;
	s8 =	simm.s32 @!p0 $0x1BF5;
	p2 =	por !p2, p0  }
0x20: {  	[sflag:s8] =	ssyncset.s32 @!p0 $0xFFFFF086;
	s6 =	sadd.s32 @!p0 s3, s7;
	s7 =	simm.s32 @!p0 $0x108  }
0x21: {  	s3 =	sadd.s32 s3, s9;
	s6 =	sadd.s32 @!p0 $0x88, s6;
	s7 =	simm.s32 @p2 $0x1082  }
0x22: {  	[simem:s7], [sflag:s8] =	dma.local @!p0 [hbm:s6], $0xF7A  }
0x23: {  	s9 =	sor.u32 $0xD0000000, s2;
	s6 =	simm.s32 $0x108;
	_ =	swait.ge @!p0 [sflag:s8], $0x0  }
0x24: {  	s3 =	sadd.s32 $0x88, s3;
	s6 =	simm.s32 @!p1 $0x1082;
	[sflag:s4] =	ssyncset.s32 $0xFFFFF086  }
0x25: {  	[simem:s6], [sflag:s4] =	dma.local [hbm:s3], $0xF7A  }
0x26: {  	[smem:$0x3F9D] =	sst s1;
	(tag) =	ssettag s2;
	_ =	strace s9  }
0x27: {  	s1 =	sld [smem:$0x3FAD]  }
0x28: {  	s2 =	sld [smem:$0x3FAE]  }
0x29: {  	s4 =	sld [smem:$0x3FB0]  }
0x2a: {  	p0 =	seq.s32 s5, $0x0;
	s5 =	sld [smem:$0x3FB1]  }
0x2b: {  	s6 =	sld [smem:$0x3FB2]  }
0x2c: {  	s7 =	sld [smem:$0x3FB3]  }
0x2d: {  	s3 =	simm.s32 $0x108;
	s8 =	sld [smem:$0x3FB4]  }
0x2e: {  	s3 =	simm.s32 @!p0 $0x1082;
	s9 =	sld [smem:$0x3FB5]  }
0x2f: {  	lr =	sadd.s32 s0, s3;
	s0 =	sld [smem:$0x3FAC]  }
0x30: {  	s3 =	sld [smem:$0x3FAF]  }
0x31: {  	[smem:$0x3FB8] =	sst s10  }
0x32: {  	s10 =	sld [smem:$0x3FB6];
	_ =	sdelay $0x3  }
0x33: {  	p0 =	seq.s32 s10, $0x1;
	s10 =	sld [smem:$0x3FB8];
	_ =	sdelay $0x3  }
0x34: {  	[smem:$0x3FB8] =	sst s10  }
0x35: {  	s10 =	sld [smem:$0x3FB7];
	_ =	sdelay $0x3  }
0x36: {  	p1 =	seq.s32 s10, $0x1;
	s10 =	sld [smem:$0x3FB8];
	_ =	sdelay $0x3  }
0x37: {  	[smem:$0x3FB8] =	sst s10  }
0x38: {  	s10 =	sld [smem:$0x3FB9]  }
0x39: {  	_ = 	snop;
	(pc) =	sbr.ind lr, $3  }
0x3a: {  	_ = 	snop  }
0x3b: {  	_ = 	snop  }
0x3c: {  	p2 =	seq.s32 s10, $0x1;
	s10 =	sld [smem:$0x3FB8]  }
0x3d: {  	_ =	shalt  }
0x3e: {  	_ =	shalt  }
0x3f: {  	_ =	shalt  }
0x40: {  	_ =	shalt  }
0x41: {  	_ =	shalt  }
0x42: {  	_ =	shalt  }
0x43: {  	_ =	shalt  }
0x44: {  	_ =	shalt  }
0x45: {  	_ =	shalt  }
0x46: {  	_ =	shalt  }
0x47: {  	_ =	shalt  }
0x48: {  	_ =	shalt  }
0x49: {  	_ =	shalt  }
0x4a: {  	_ =	shalt  }
0x4b: {  	_ =	shalt  }
0x4c: {  	_ =	shalt  }
0x4d: {  	_ =	shalt  }
0x4e: {  	_ =	shalt  }
0x4f: {  	_ =	shalt  }
0x50: {  	_ =	shalt  }
0x51: {  	_ =	shalt  }
0x52: {  	_ =	shalt  }
0x53: {  	_ =	shalt  }
0x54: {  	_ =	shalt  }
0x55: {  	_ =	shalt  }
0x56: {  	_ =	shalt  }
0x57: {  	_ =	shalt  }
0x58: {  	_ =	shalt  }
0x59: {  	_ =	shalt  }
0x5a: {  	_ =	shalt  }
0x5b: {  	_ =	shalt  }
0x5c: {  	_ =	shalt  }
0x5d: {  	_ =	shalt  }
0x5e: {  	_ =	shalt  }
0x5f: {  	_ =	shalt  }
0x60: {  	_ =	shalt  }
0x61: {  	_ =	shalt  }
0x62: {  	_ =	shalt  }
0x63: {  	_ =	shalt  }
0x64: {  	_ =	shalt  }
0x65: {  	_ =	shalt  }
0x66: {  	_ =	shalt  }
0x67: {  	_ =	shalt  }
0x68: {  	_ =	shalt  }
0x69: {  	_ =	shalt  }
0x6a: {  	_ =	shalt  }
0x6b: {  	_ =	shalt  }
0x6c: {  	_ =	shalt  }
0x6d: {  	_ =	shalt  }
0x6e: {  	_ =	shalt  }
0x6f: {  	_ =	shalt  }
0x70: {  	_ =	shalt  }
0x71: {  	_ =	shalt  }
0x72: {  	_ =	shalt  }
0x73: {  	_ =	shalt  }
0x74: {  	_ =	shalt  }
0x75: {  	_ =	shalt  }
0x76: {  	_ =	shalt  }
0x77: {  	_ =	shalt  }
0x78: {  	_ =	shalt  }
0x79: {  	_ =	shalt  }
0x7a: {  	_ =	shalt  }
0x7b: {  	_ =	shalt  }
0x7c: {  	_ =	shalt  }
0x7d: {  	_ =	shalt  }
0x7e: {  	_ =	shalt  }
0x7f: {  	_ =	shalt  }
0x80: {  	_ =	shalt  }
0x81: {  	_ =	shalt  }
0x82: {  	_ =	shalt  }
0x83: {  	_ =	shalt  }
0x84: {  	_ =	shalt  }
0x85: {  	_ =	shalt  }
0x86: {  	_ =	shalt  }
0x87: {  	_ =	shalt  }
.Lfunc_end0:
.L_simem_size_0:
called_computation_lowered:
.L_overlay_start_0:
0x88: {  	s2 =	sld [smem:$0x3FD9]  }
0x89: {  	s3 =	sld [smem:$0x3FFE];
	_ =	sdelay $0x1  }
0x8a: {  	s1 =	srdreg.scid  }
0x8b: {  	s0 =	sand.u32 $0x1, s1  }
0x8c: {  	s14 =	sshll.u32 s0, $0xA;
	s2 =	sadd.s32 s3, s2  }
0x8d: {  	s2 =	sadd.s32 s2, s14  }
0x8e: {  	[smem:$0x3FC4] =	sst s2  }
0x8f: {  	_ = 	snop  }
0x90: {  	s2 =	sld [smem:$0x3FD0];
	_ =	sdelay $0x2  }
0x91: {  	s15 =	simm.s32 $0xA;
	s4 =	simm.s32 $0x10  }
0x92: {  	[smem:s4], [sflag:s15] =	dma.local [hbm:s2], $0x1  }
0x93: {  	_ =	swait.eq [sflag:s15], $0x1  }
0x94: {  	[sflag:s15] =	ssyncset.done $0x0  }
0x95: {  	[sflag:s15] =	ssyncadd.s32 $0xFFFFFFFF  }
0x96: {  	s16 =	sld [smem:$0x10];
	(tm) =	ssettm $0x1  }
0x97: {  	s17 =	sld [smem:$0x3FFB];
	_ =	sdelay $0x3  }
0x98: {  	_ =	strace s17  }
0x99: {  	s3 =	sld [smem:$0x3FFC];
	_ =	sdelay $0x3  }
0x9a: {  	_ =	strace s3  }
0x9b: {  	s3 =	sld [smem:$0x3FFD];
	_ =	sdelay $0x3  }
0x9c: {  	_ =	strace s3  }
0x9d: {  	_ =	strace $0x8FFFFFFF  }
0x9e: {  	s18 =	sld [smem:$0x3FDB];
	_ =	sdelay $0x1  }
0x9f: {  	s19 =	simm.s32 $_scs_section_size  }
0xa0: {  	s5 =	simm.s32 $_size__tile_overlayer_lowered;
	s6 =	simm.s32 $_tile_overlayer_lowered  }
0xa1: {  	s22 =	simm.s32 $0x1BFF;
	s21 =	sshll.u32 s6, $0x1;
	s3 =	sadd.s32 s19, s18  }
0xa2: {  	s7 =	simm.s32 $0x0;
	s20 =	sshll.u32 s5, $0x1;
	s5 =	sadd.s32 s21, s3  }
0xa3: {  	[timem:s7], [sflag:s22] =	dma.local [hbm:s5], s20  }
0xa4: {  	_ =	swait.ge [sflag:s22], s20  }
0xa5: {  	s4 =	ssub.s32 $0x0, s20;
	[sflag:s22] =	ssyncset.done $0x0  }
0xa6: {  	[sflag:s22] =	ssyncadd.s32 s4;
	_ =	sdelay $0x1  }
0xa7: {  	s23 =	simm.s32 $0x1B8B  }
0xa8: {  	_ =	swait.ge [sflag:s23], $0x1  }
0xa9: {  	[sflag:s23] =	ssyncset.done $0x0  }
0xaa: {  	s25 =	simm.s32 $0x1B8E;
	s24 =	sld [smem:$0x3FFE];
	[sflag:s23] =	ssyncadd.s32 $0xFFFFFFFF  }
0xab: {  	s26 =	simm.s32 $execute0_lowered;
	[smem:$0x3FD2] =	sst s25  }
0xac: {  	s5 =	sshll.u32 s26, $0x1;
	_ =	strace $0x80000046;
	[dreg:$0x1] =	wrdreg $0xFFFFFFFF  }
0xad: {  	s28 =	simm.s32 $_size_execute0_lowered;
	s3 =	sadd.s32 s3, s5;
	[dreg:$0x0] =	wrdreg $0x0  }
0xae: {  	s5 =	sshll.u32 s28, $0x1;
	[dreg:$0x2] =	wrdreg s3  }
0xaf: {  	[dreg:$0x3] =	wrdreg s5  }
0xb0: {  	[dreg:$0x4] =	wrdreg $0xC0  }
0xb1: {  	_ =	task [dreg:s7], $0x5FFFF  }
0xb2: {  	[dreg:$0x1] =	wrdreg $0xFFFFFFFF  }
0xb3: {  	[dreg:$0x0] =	wrdreg $0x60  }
0xb4: {  	[dreg:$0x2] =	wrdreg s16  }
0xb5: {  	[dreg:$0x3] =	wrdreg s24  }
0xb6: {  	[dreg:$0x4] =	wrdreg $0x9  }
0xb7: {  	_ =	task.clear_ibuf [dreg:s7], $0x5FFFF;
	_ =	strace $0x90000046  }
0xb8: {  	s29 =	simm.s32 $0x9;
	_ =	strace $0x80000048  }
0xb9: {  	_ =	swait.ge [sflag:s29], $0x1  }
0xba: {  	[sflag:s29] =	ssyncadd.s32 $0xFFFFFFFF  }
0xbb: {  	_ =	strace $0x90000048  }
0xbc: {  	_ =	sfence  }
0xbd: {  	s30 =	sld [smem:$0x0];
	_ =	sdelay $0x2  }
0xbe: {  	s31 =	sshll.u32 s1, $0xD;
	s1 =	sshrl.u32 s1, $0x2  }
0xbf: {  	s3 =	sand.u32 $0x4000, s31;
	s1 =	sadd.s32 s1, s30  }
0xc0: {  	s0 =	sor.u32 s3, s0;
	s1 =	sshll.u32 s1, $0x11  }
0xc1: {  	s0 =	sor.u32 s1, s0  }
0xc2: {  	s0 =	sadd.s32 $0x8F2B, s0  }
0xc3: {  	[sflag:s0] =	ssyncadd.remote.s32 $0x1  }
0xc4: {  	_ =	sfence.sel $0xFFFF  }
0xc5: {  	[dreg:$0x0] =	wrdreg $0xFFFFFFFF;
	(pc) =	sbr.abs _section_cstart, $3  }
0xc6: {  	[dreg:$0x1] =	wrdreg $0xFFFFFFFF  }
0xc7: {  	_ =	task.clear_ibuf [dreg:s7], $0x2FFFF;
	_ =	strace $0x9FFFFFFF  }
0xc8: {  	(tm) =	ssettm $0x7FFFFFFF  }
0xc9: {  	_ =	shalt  }
tec
execute0_lowered:
.L_overlay_start_1:
0x0: {  	(tag) =	ssettag $0x1  }
0x1: {  	s1 =	srdreg.scid  }
0x2: {  	s0 =	stileid.u32;
	s3 =	rddreg [dreg:$0x0]  }
0x3: {  	s6 =	rddreg [dreg:$0x1];
	s18 =	simm.s32 $0x880;
	s19 =	simm.s32 $0x1080  }
0x4: {  	s20 =	simm.s32 $0x1880;
	s22 =	simm.s32 $0x2080;
	s23 =	simm.s32 $0x2880  }
0x5: {  	s7 =	simm.s32 $0x3080;
	s24 =	simm.s32 $0x3880;
	s8 =	simm.s32 $0x4080  }
0x6: {  	s25 =	simm.s32 $0x4880;
	s26 =	simm.s32 $0x5080;
	s1 =	sand.u32 $0x1, s1  }
0x7: {  	s9 =	simm.s32 $0x2;
	s2 =	sshll.u32 s0, $0x7;
	s4 =	sshll.u32 s1, $0x6  }
0x8: {  	s10 =	simm.s32 $0x1;
	s4 =	sor.u32 s4, s2;
	s2 =	simm.s32 $0x0  }
0x9: {  	s12 =	simm.s32 $0x6080;
	s13 =	simm.s32 $0x6880;
	[smem:$0x7FF] =	sst s2  }
0xa: {  	s14 =	simm.s32 $0x7080;
	_ =	strace $0x80000047;
	[dreg:$0x5] =	wrdreg s18  }
0xb: {  	s15 =	simm.s32 $0x7880;
	s16 =	simm.s32 $0x8080;
	[dreg:$0x6] =	wrdreg s19  }
0xc: {  	s17 =	simm.s32 $0x8880;
	s28 =	simm.s32 $0xD880;
	[dreg:$0x7] =	wrdreg s20  }
0xd: {  	s29 =	simm.s32 $0xE080;
	s30 =	simm.s32 $0xE880;
	[dreg:$0x8] =	wrdreg s22  }
0xe: {  	s31 =	simm.s32 $0xF080;
	s1 =	ssub.s32 $0x2, s1;
	[dreg:$0x9] =	wrdreg s23  }
0xf: {  	s21 =	sshrl.u32 s1, $0x1;
	s5 =	sshrl.u32 s4, $0x3;
	[dreg:$0xa] =	wrdreg s7  }
0x10: {  	s4 =	sshll.u32 s4, $0x7;
	s1 =	ssub.s32 s1, s21;
	[dreg:$0xb] =	wrdreg s24  }
0x11: {  	s21 =	simm.s32 $0xA880;
	s5 =	sadd.s32 s5, s6;
	[dreg:$0xc] =	wrdreg s8  }
0x12: {  	s3 =	sadd.s32 s3, s4;
	s4 =	sadd.s32 $0x900, s6;
	[dreg:$0xd] =	wrdreg s25  }
0x13: {  	s7 =	smax.u32 s1, $0x1;
	s8 =	simm.s32 $0x80;
	[dreg:$0xe] =	wrdreg s26  }
0x14: {  	s18 =	simm.s32 $0x9080;
	s19 =	simm.s32 $0x9880;
	s20 =	simm.s32 $0xA080  }
0x15: {  	s22 =	simm.s32 $0xB080;
	s23 =	simm.s32 $0xB880;
	s24 =	simm.s32 $0xC080  }
0x16: {  	v2 =	vlaneseq.u32;
	s25 =	simm.s32 $0xC880;
	s26 =	simm.s32 $0xD080;
	s1 =	simm.s32 $0xF880  }
0x17: {  	vm0 =	vmmov $0xffff;
	v1 =	vshrl.u32 v2, $0x3;
	s5 =	sadd.s32 $0x600, s5;
	[dreg:$0x4] =	wrdreg s3;
	s3 =	sadd.s32 $0x800, s6  }
0x18: {  	v0 =	vand.u32 $0x7, v2;
	v2 =	vor.u32 $0x8, v2;
	v1 =	vmul.u32 $0x8, v1;
	[dreg:$0x3] =	wrdreg s5;
	s5 =	sadd.s32 $0xA00, s6;
	s6 =	sadd.s32 $0xB00, s6  }
.LBB2_1:
0x19: {  	s0 =	rddreg [dreg:$0x3]  }
0x1a: {  	[tilespmem:s2], [sflag:$0x2] =	stream.linear.gather [hbm4b:s0+s2], $0x40, $0x38;
	[tilespmem:$0x10080] =	vst v63  }
0x1b: {  	s11 =	rddreg [dreg:$0x4]  }
0x1c: {  	[tilespmem:s8], [sflag:$0x1] =	stream.linear.gather [hbm4b:s11+s2], $0x10000, $0x38;
	[tilespmem:$0x10080] =	vst v63  }
0x1d: {  	_ =	swait.ge [sflag:s9], $0x40  }
0x1e: {  	[sflag:s9] =	ssyncset.done $0x0  }
0x1f: {  	[sflag:s9] =	ssyncadd.s32 $0xFFFFFFC0  }
0x20: {  	_ =	swait.ge [sflag:s10], $0x10000  }
0x21: {  	[sflag:s10] =	ssyncset.done $0x0  }
0x22: {  	[sflag:s10] =	ssyncadd.s32 $0xFFFF0000  }
0x23: {  	v3 =	vld [tilespmem:$0x0];
	_ =	sdelay $0x4  }
0x24: {  	v4 =	vshll.u32 v3, $0x3  }
0x25: {  	v3 =	vand.u32 $0x7, v3;
	v4 =	vand.u32 $0xFFFFFFC0, v4  }
0x26: {  	v3 =	vor.u32 v3, v4  }
0x27: {  	v4 =	vperm.xlane v3, v0;
	_ =	sdelay $0x1  }
0x28: {  	v4 =	vadd.s32 v1, v4;
	_ =	sdelay $0x4  }
0x29: {  	[hbm4b:s3+s2] =	stream.indirect_vreg.scatter [tilespmem:s8], [sflag:$0x1], $0x80, v4, vm0, $0xb8;
	[tilespmem:$0x10080] =	vst v63  }
0x2a: {  	s0 =	rddreg [dreg:$0x5];
	v3 =	vperm.xlane v3, v2  }
0x2b: {  	[hbm4b:s4+s2] =	stream.indirect_vreg.scatter [tilespmem:s0], [sflag:$0x1], $0x80, v4, vm0, $0xb8;
	[tilespmem:$0x10080] =	vst v63  }
0x2c: {  	s11 =	rddreg [dreg:$0x6];
	v3 =	vadd.s32 v1, v3  }
0x2d: {  	[hbm4b:s5+s2] =	stream.indirect_vreg.scatter [tilespmem:s11], [sflag:$0x1], $0x80, v4, vm0, $0xb8;
	[tilespmem:$0x10080] =	vst v63  }
0x2e: {  	s0 =	rddreg [dreg:$0x7]  }
0x2f: {  	[hbm4b:s6+s2] =	stream.indirect_vreg.scatter [tilespmem:s0], [sflag:$0x1], $0x80, v4, vm0, $0xb8;
	[tilespmem:$0x10080] =	vst v63  }
0x30: {  	s11 =	rddreg [dreg:$0x8]  }
0x31: {  	[hbm4b:s3+s2] =	stream.indirect_vreg.scatter [tilespmem:s11], [sflag:$0x1], $0x80, v3, vm0, $0xb8;
	[tilespmem:$0x10080] =	vst v63  }
0x32: {  	s0 =	rddreg [dreg:$0x9]  }
0x33: {  	[hbm4b:s4+s2] =	stream.indirect_vreg.scatter [tilespmem:s0], [sflag:$0x1], $0x80, v3, vm0, $0xb8;
	[tilespmem:$0x10080] =	vst v63  }
0x34: {  	s11 =	rddreg [dreg:$0xa]  }
0x35: {  	[hbm4b:s5+s2] =	stream.indirect_vreg.scatter [tilespmem:s11], [sflag:$0x1], $0x80, v3, vm0, $0xb8;
	[tilespmem:$0x10080] =	vst v63  }
0x36: {  	s0 =	rddreg [dreg:$0xb]  }
0x37: {  	[hbm4b:s6+s2] =	stream.indirect_vreg.scatter [tilespmem:s0], [sflag:$0x1], $0x80, v3, vm0, $0xb8;
	[tilespmem:$0x10080] =	vst v63  }
0x38: {  	v3 =	vld [tilespmem:$0x10];
	_ =	sdelay $0x4  }
0x39: {  	v61 =	vshll.u32 v3, $0x3  }
0x3a: {  	v3 =	vand.u32 $0x7, v3;
	v4 =	vand.u32 $0xFFFFFFC0, v61  }
0x3b: {  	v3 =	vor.u32 v3, v4  }
0x3c: {  	v4 =	vperm.xlane v3, v0;
	_ =	sdelay $0x1  }
0x3d: {  	v4 =	vadd.s32 v1, v4;
	_ =	sdelay $0x3  }
0x3e: {  	s0 =	rddreg [dreg:$0xc]  }
0x3f: {  	[hbm4b:s3+s2] =	stream.indirect_vreg.scatter [tilespmem:s0], [sflag:$0x1], $0x80, v4, vm0, $0xb8;
	[tilespmem:$0x10080] =	vst v63  }
0x40: {  	s11 =	rddreg [dreg:$0xd];
	v3 =	vperm.xlane v3, v2  }
0x41: {  	[hbm4b:s4+s2] =	stream.indirect_vreg.scatter [tilespmem:s11], [sflag:$0x1], $0x80, v4, vm0, $0xb8;
	[tilespmem:$0x10080] =	vst v63  }
0x42: {  	v3 =	vadd.s32 v1, v3;
	s0 =	rddreg [dreg:$0xe]  }
0x43: {  	[hbm4b:s5+s2] =	stream.indirect_vreg.scatter [tilespmem:s0], [sflag:$0x1], $0x80, v4, vm0, $0xb8;
	[tilespmem:$0x10080] =	vst v63  }
0x44: {  	s11 =	simm.s32 $0x5880  }
0x45: {  	[hbm4b:s6+s2] =	stream.indirect_vreg.scatter [tilespmem:s11], [sflag:$0x1], $0x80, v4, vm0, $0xb8;
	[tilespmem:$0x10080] =	vst v63  }
0x46: {  	_ = 	snop  }
0x47: {  	[hbm4b:s3+s2] =	stream.indirect_vreg.scatter [tilespmem:s12], [sflag:$0x1], $0x80, v3, vm0, $0xb8;
	[tilespmem:$0x10080] =	vst v63  }
0x48: {  	_ = 	snop  }
0x49: {  	[hbm4b:s4+s2] =	stream.indirect_vreg.scatter [tilespmem:s13], [sflag:$0x1], $0x80, v3, vm0, $0xb8;
	[tilespmem:$0x10080] =	vst v63  }
0x4a: {  	_ = 	snop  }
0x4b: {  	[hbm4b:s5+s2] =	stream.indirect_vreg.scatter [tilespmem:s14], [sflag:$0x1], $0x80, v3, vm0, $0xb8;
	[tilespmem:$0x10080] =	vst v63  }
0x4c: {  	_ = 	snop  }
0x4d: {  	[hbm4b:s6+s2] =	stream.indirect_vreg.scatter [tilespmem:s15], [sflag:$0x1], $0x80, v3, vm0, $0xb8;
	[tilespmem:$0x10080] =	vst v63  }
0x4e: {  	v3 =	vld [tilespmem:$0x20];
	_ =	sdelay $0x4  }
0x4f: {  	v62 =	vshll.u32 v3, $0x3  }
0x50: {  	v3 =	vand.u32 $0x7, v3;
	v4 =	vand.u32 $0xFFFFFFC0, v62  }
0x51: {  	v3 =	vor.u32 v3, v4  }
0x52: {  	v4 =	vperm.xlane v3, v0;
	_ =	sdelay $0x1  }
0x53: {  	v4 =	vadd.s32 v1, v4;
	_ =	sdelay $0x4  }
0x54: {  	[hbm4b:s3+s2] =	stream.indirect_vreg.scatter [tilespmem:s16], [sflag:$0x1], $0x80, v4, vm0, $0xb8;
	[tilespmem:$0x10080] =	vst v63  }
0x55: {  	v3 =	vperm.xlane v3, v2  }
0x56: {  	[hbm4b:s4+s2] =	stream.indirect_vreg.scatter [tilespmem:s17], [sflag:$0x1], $0x80, v4, vm0, $0xb8;
	[tilespmem:$0x10080] =	vst v63  }
0x57: {  	v3 =	vadd.s32 v1, v3  }
0x58: {  	[hbm4b:s5+s2] =	stream.indirect_vreg.scatter [tilespmem:s18], [sflag:$0x1], $0x80, v4, vm0, $0xb8;
	[tilespmem:$0x10080] =	vst v63  }
0x59: {  	_ = 	snop  }
0x5a: {  	[hbm4b:s6+s2] =	stream.indirect_vreg.scatter [tilespmem:s19], [sflag:$0x1], $0x80, v4, vm0, $0xb8;
	[tilespmem:$0x10080] =	vst v63  }
0x5b: {  	_ = 	snop  }
0x5c: {  	[hbm4b:s3+s2] =	stream.indirect_vreg.scatter [tilespmem:s20], [sflag:$0x1], $0x80, v3, vm0, $0xb8;
	[tilespmem:$0x10080] =	vst v63  }
0x5d: {  	_ = 	snop  }
0x5e: {  	[hbm4b:s4+s2] =	stream.indirect_vreg.scatter [tilespmem:s21], [sflag:$0x1], $0x80, v3, vm0, $0xb8;
	[tilespmem:$0x10080] =	vst v63  }
0x5f: {  	_ = 	snop  }
0x60: {  	[hbm4b:s5+s2] =	stream.indirect_vreg.scatter [tilespmem:s22], [sflag:$0x1], $0x80, v3, vm0, $0xb8;
	[tilespmem:$0x10080] =	vst v63  }
0x61: {  	_ = 	snop  }
0x62: {  	[hbm4b:s6+s2] =	stream.indirect_vreg.scatter [tilespmem:s23], [sflag:$0x1], $0x80, v3, vm0, $0xb8;
	[tilespmem:$0x10080] =	vst v63  }
0x63: {  	v3 =	vld [tilespmem:$0x30];
	_ =	sdelay $0x4  }
0x64: {  	v63 =	vshll.u32 v3, $0x3  }
0x65: {  	v3 =	vand.u32 $0x7, v3;
	v4 =	vand.u32 $0xFFFFFFC0, v63  }
0x66: {  	v3 =	vor.u32 v3, v4  }
0x67: {  	v4 =	vperm.xlane v3, v0;
	_ =	sdelay $0x1  }
0x68: {  	v4 =	vadd.s32 v1, v4;
	_ =	sdelay $0x4  }
0x69: {  	[hbm4b:s3+s2] =	stream.indirect_vreg.scatter [tilespmem:s24], [sflag:$0x1], $0x80, v4, vm0, $0xb8;
	[tilespmem:$0x10080] =	vst v63  }
0x6a: {  	v3 =	vperm.xlane v3, v2  }
0x6b: {  	[hbm4b:s4+s2] =	stream.indirect_vreg.scatter [tilespmem:s25], [sflag:$0x1], $0x80, v4, vm0, $0xb8;
	[tilespmem:$0x10080] =	vst v63  }
0x6c: {  	v3 =	vadd.s32 v1, v3  }
0x6d: {  	[hbm4b:s5+s2] =	stream.indirect_vreg.scatter [tilespmem:s26], [sflag:$0x1], $0x80, v4, vm0, $0xb8;
	[tilespmem:$0x10080] =	vst v63  }
0x6e: {  	_ = 	snop  }
0x6f: {  	[hbm4b:s6+s2] =	stream.indirect_vreg.scatter [tilespmem:s28], [sflag:$0x1], $0x80, v4, vm0, $0xb8;
	[tilespmem:$0x10080] =	vst v63  }
0x70: {  	_ = 	snop  }
0x71: {  	[hbm4b:s3+s2] =	stream.indirect_vreg.scatter [tilespmem:s29], [sflag:$0x1], $0x80, v3, vm0, $0xb8;
	[tilespmem:$0x10080] =	vst v63  }
0x72: {  	_ = 	snop  }
0x73: {  	[hbm4b:s4+s2] =	stream.indirect_vreg.scatter [tilespmem:s30], [sflag:$0x1], $0x80, v3, vm0, $0xb8;
	[tilespmem:$0x10080] =	vst v63  }
0x74: {  	p0 =	sne.s32 s7, $0x1  }
0x75: {  	[hbm4b:s5+s2] =	stream.indirect_vreg.scatter [tilespmem:s31], [sflag:$0x1], $0x80, v3, vm0, $0xb8;
	[tilespmem:$0x10080] =	vst v63  }
.Ltmp0:
0x76: {  	_ = 	snop;
	(pc) =	sbr.rel @p0 .LBB2_1-.Ltmp0, $4  }
0x77: {  	[hbm4b:s6+s2] =	stream.indirect_vreg.scatter [tilespmem:s1], [sflag:$0x1], $0x80, v3, vm0, $0xb8;
	[tilespmem:$0x10080] =	vst v63  }
0x78: {  	_ =	swait.ge [sflag:s10], $0x10000  }
0x79: {  	[sflag:s10] =	ssyncset.done $0x0  }
0x7a: {  	s7 =	sadd.s32 $0xFFFFFFFF, s7;
	[sflag:s10] =	ssyncadd.s32 $0xFFFF0000  }
0x7b: {  	_ =	sfence.sel $0x180000  }
0x7c: {  	[bflag:$0x0] =	sbarrier.arrive $0xFFFF  }
0x7d: {  	_ =	strace $0x90000047  }
0x7e: {  	s0 =	stileid.u32;
	[bflag:$0x2] =	sbarrier.arrive $0xFFFF  }
0x7f: {  	p0 =	sne.s32 s0, $0x0;
	s0 =	rddreg [dreg:$0x2]  }
0x80: {  	s0 =	sadd.s32 @!p0 $0x100000, s0  }
0x81: {  	[sflag:s0] =	ssyncadd.tile.s32 @!p0 $0x1;
	_ =	shalt  }
.Lfunc_end2:
_tile_overlayer_lowered:
.L_overlay_start_2:
0x82: {  	(tag) =	ssettag $0x2  }
0x83: {  	s0 =	rddreg [dreg:$0x0];
	s2 =	stileid.u32  }
0x84: {  	s1 =	rddreg [dreg:$0x1];
	p0 =	sne.s32 s2, $0x0  }
0x85: {  	s3 =	rddreg [dreg:$0x2];
	[bflag:$0x3] =	sbarrier.arrive $0xFFFF;
	s2 =	simm.s32 @!p0 $0x1C03  }
0x86: {  	[timem:s3], [sflag:s2] =	dma.local @!p0 [hbm:s0], s1  }
0x87: {  	s0 =	simm.s32 @!p0 $0x3  }
0x88: {  	_ =	swait.ge @!p0 [sflag:s0], s1  }
0x89: {  	s1 =	ssub.s32 @!p0 $0x0, s1;
	[sflag:s0] =	ssyncset.done @!p0 $0x0  }
0x8a: {  	[sflag:s0] =	ssyncadd.s32 @!p0 s1  }
0x8b: {  	[bflag:$0x3] =	sbarrier.arrive $0xFFFF  }
0x8c: {  	_ =	shalt  }

// kernel: kernel.9.cloned.1.call-start
scs
__scs_entry_jumppad:
0x0: {  	(pc) =	sbr.rel $0x88, $3  }
0x1: {  	(tag) =	ssettag $0x0;
	lr =	simm.s32 $0x1  }
0x2: {  	[smem:$0x3F9D] =	sst lr;
	_ =	strace $0xD0000000  }
0x3: {  	_ = 	snop  }
0x4: {  	_ = 	snop  }
0x5: {  	_ = 	snop  }
0x6: {  	_ = 	snop  }
0x7: {  	_ = 	snop  }
__scs_overlays_trampoline_lowered:
0x8: {  	[smem:$0x3FAC] =	sst s0  }
0x9: {  	[smem:$0x3FAD] =	sst s1  }
0xa: {  	[smem:$0x3FAE] =	sst s2  }
0xb: {  	[smem:$0x3FAF] =	sst s3  }
0xc: {  	[smem:$0x3FB0] =	sst s4  }
0xd: {  	[smem:$0x3FB1] =	sst s5  }
0xe: {  	[smem:$0x3FB2] =	sst s6  }
0xf: {  	[smem:$0x3FB3] =	sst s7  }
0x10: {  	[smem:$0x3FB4] =	sst s8  }
0x11: {  	[smem:$0x3FB5] =	sst s9;
	s0 =	simm.s32 @!p0 $0x0  }
0x12: {  	s1 =	sld [smem:$0x3F9B];
	s0 =	simm.s32 @p0 $0x1  }
0x13: {  	[smem:$0x3FB6] =	sst s0;
	s0 =	simm.s32 @!p1 $0x0  }
0x14: {  	s2 =	sld [smem:$0x3F9A];
	s0 =	simm.s32 @p1 $0x1  }
0x15: {  	[smem:$0x3FB7] =	sst s0;
	s0 =	simm.s32 @!p2 $0x0  }
0x16: {  	s3 =	sld [smem:$0x3FDB];
	s0 =	simm.s32 @p2 $0x1  }
0x17: {  	s4 =	simm.s32 $0x1BF5;
	[smem:$0x3FB9] =	sst s0  }
0x18: {  	s0 =	sld [smem:$0x3F9C];
	_ =	swait.ge [sflag:s4], $0x0  }
0x19: {  	s7 =	sld [smem:$0x3F9D]  }
0x1a: {  	s8 =	sadd.s32 $0xFFFFE003, lr  }
0x1b: {  	s9 =	sadd.s32 $0xFFFFFEF7, lr;
	s5 =	simm.s32 $0xFFFFFFFF;
	p2 =	slt.u32 s8, $0xFFFFF086  }
0x1c: {  	p1 =	slt.u32 s9, $0xF7A;
	s5 =	simm.s32 @!p2 $0x0  }
0x1d: {  	s5 =	simm.s32 @p1 $0x1;
	p0 =	seq.s32 s7, s2  }
0x1e: {  	s7 =	smul.u32 @!p0 $0xF7A, s2;
	p2 =	seq.s32 @!p0 s5, $0x0  }
0x1f: {  	s9 =	smul.u32 $0xF7A, s1;
	s8 =	simm.s32 @!p0 $0x1BF5;
	p2 =	por !p2, p0  }
0x20: {  	[sflag:s8] =	ssyncset.s32 @!p0 $0xFFFFF086;
	s6 =	sadd.s32 @!p0 s3, s7;
	s7 =	simm.s32 @!p0 $0x108  }
0x21: {  	s3 =	sadd.s32 s3, s9;
	s6 =	sadd.s32 @!p0 $0x88, s6;
	s7 =	simm.s32 @p2 $0x1082  }
0x22: {  	[simem:s7], [sflag:s8] =	dma.local @!p0 [hbm:s6], $0xF7A  }
0x23: {  	s9 =	sor.u32 $0xD0000000, s2;
	s6 =	simm.s32 $0x108;
	_ =	swait.ge @!p0 [sflag:s8], $0x0  }
0x24: {  	s3 =	sadd.s32 $0x88, s3;
	s6 =	simm.s32 @!p1 $0x1082;
	[sflag:s4] =	ssyncset.s32 $0xFFFFF086  }
0x25: {  	[simem:s6], [sflag:s4] =	dma.local [hbm:s3], $0xF7A  }
0x26: {  	[smem:$0x3F9D] =	sst s1;
	(tag) =	ssettag s2;
	_ =	strace s9  }
0x27: {  	s1 =	sld [smem:$0x3FAD]  }
0x28: {  	s2 =	sld [smem:$0x3FAE]  }
0x29: {  	s4 =	sld [smem:$0x3FB0]  }
0x2a: {  	p0 =	seq.s32 s5, $0x0;
	s5 =	sld [smem:$0x3FB1]  }
0x2b: {  	s6 =	sld [smem:$0x3FB2]  }
0x2c: {  	s7 =	sld [smem:$0x3FB3]  }
0x2d: {  	s3 =	simm.s32 $0x108;
	s8 =	sld [smem:$0x3FB4]  }
0x2e: {  	s3 =	simm.s32 @!p0 $0x1082;
	s9 =	sld [smem:$0x3FB5]  }
0x2f: {  	lr =	sadd.s32 s0, s3;
	s0 =	sld [smem:$0x3FAC]  }
0x30: {  	s3 =	sld [smem:$0x3FAF]  }
0x31: {  	[smem:$0x3FB8] =	sst s10  }
0x32: {  	s10 =	sld [smem:$0x3FB6];
	_ =	sdelay $0x3  }
0x33: {  	p0 =	seq.s32 s10, $0x1;
	s10 =	sld [smem:$0x3FB8];
	_ =	sdelay $0x3  }
0x34: {  	[smem:$0x3FB8] =	sst s10  }
0x35: {  	s10 =	sld [smem:$0x3FB7];
	_ =	sdelay $0x3  }
0x36: {  	p1 =	seq.s32 s10, $0x1;
	s10 =	sld [smem:$0x3FB8];
	_ =	sdelay $0x3  }
0x37: {  	[smem:$0x3FB8] =	sst s10  }
0x38: {  	s10 =	sld [smem:$0x3FB9]  }
0x39: {  	_ = 	snop;
	(pc) =	sbr.ind lr, $3  }
0x3a: {  	_ = 	snop  }
0x3b: {  	_ = 	snop  }
0x3c: {  	p2 =	seq.s32 s10, $0x1;
	s10 =	sld [smem:$0x3FB8]  }
0x3d: {  	_ =	shalt  }
0x3e: {  	_ =	shalt  }
0x3f: {  	_ =	shalt  }
0x40: {  	_ =	shalt  }
0x41: {  	_ =	shalt  }
0x42: {  	_ =	shalt  }
0x43: {  	_ =	shalt  }
0x44: {  	_ =	shalt  }
0x45: {  	_ =	shalt  }
0x46: {  	_ =	shalt  }
0x47: {  	_ =	shalt  }
0x48: {  	_ =	shalt  }
0x49: {  	_ =	shalt  }
0x4a: {  	_ =	shalt  }
0x4b: {  	_ =	shalt  }
0x4c: {  	_ =	shalt  }
0x4d: {  	_ =	shalt  }
0x4e: {  	_ =	shalt  }
0x4f: {  	_ =	shalt  }
0x50: {  	_ =	shalt  }
0x51: {  	_ =	shalt  }
0x52: {  	_ =	shalt  }
0x53: {  	_ =	shalt  }
0x54: {  	_ =	shalt  }
0x55: {  	_ =	shalt  }
0x56: {  	_ =	shalt  }
0x57: {  	_ =	shalt  }
0x58: {  	_ =	shalt  }
0x59: {  	_ =	shalt  }
0x5a: {  	_ =	shalt  }
0x5b: {  	_ =	shalt  }
0x5c: {  	_ =	shalt  }
0x5d: {  	_ =	shalt  }
0x5e: {  	_ =	shalt  }
0x5f: {  	_ =	shalt  }
0x60: {  	_ =	shalt  }
0x61: {  	_ =	shalt  }
0x62: {  	_ =	shalt  }
0x63: {  	_ =	shalt  }
0x64: {  	_ =	shalt  }
0x65: {  	_ =	shalt  }
0x66: {  	_ =	shalt  }
0x67: {  	_ =	shalt  }
0x68: {  	_ =	shalt  }
0x69: {  	_ =	shalt  }
0x6a: {  	_ =	shalt  }
0x6b: {  	_ =	shalt  }
0x6c: {  	_ =	shalt  }
0x6d: {  	_ =	shalt  }
0x6e: {  	_ =	shalt  }
0x6f: {  	_ =	shalt  }
0x70: {  	_ =	shalt  }
0x71: {  	_ =	shalt  }
0x72: {  	_ =	shalt  }
0x73: {  	_ =	shalt  }
0x74: {  	_ =	shalt  }
0x75: {  	_ =	shalt  }
0x76: {  	_ =	shalt  }
0x77: {  	_ =	shalt  }
0x78: {  	_ =	shalt  }
0x79: {  	_ =	shalt  }
0x7a: {  	_ =	shalt  }
0x7b: {  	_ =	shalt  }
0x7c: {  	_ =	shalt  }
0x7d: {  	_ =	shalt  }
0x7e: {  	_ =	shalt  }
0x7f: {  	_ =	shalt  }
0x80: {  	_ =	shalt  }
0x81: {  	_ =	shalt  }
0x82: {  	_ =	shalt  }
0x83: {  	_ =	shalt  }
0x84: {  	_ =	shalt  }
0x85: {  	_ =	shalt  }
0x86: {  	_ =	shalt  }
0x87: {  	_ =	shalt  }
.Lfunc_end0:
.L_simem_size_0:
called_computation.1_lowered:
.L_overlay_start_0:
0x88: {  	s2 =	sld [smem:$0x3FD9]  }
0x89: {  	s3 =	sld [smem:$0x3FFE];
	_ =	sdelay $0x1  }
0x8a: {  	s1 =	srdreg.scid  }
0x8b: {  	s0 =	sand.u32 $0x1, s1  }
0x8c: {  	s14 =	sshll.u32 s0, $0xA;
	s2 =	sadd.s32 s3, s2  }
0x8d: {  	s2 =	sadd.s32 s2, s14  }
0x8e: {  	[smem:$0x3FC4] =	sst s2  }
0x8f: {  	_ = 	snop  }
0x90: {  	s2 =	sld [smem:$0x3FD0];
	_ =	sdelay $0x2  }
0x91: {  	s15 =	simm.s32 $0xA;
	s4 =	simm.s32 $0x10  }
0x92: {  	[smem:s4], [sflag:s15] =	dma.local [hbm:s2], $0x1  }
0x93: {  	_ =	swait.eq [sflag:s15], $0x1  }
0x94: {  	[sflag:s15] =	ssyncset.done $0x0  }
0x95: {  	[sflag:s15] =	ssyncadd.s32 $0xFFFFFFFF  }
0x96: {  	s16 =	sld [smem:$0x10];
	(tm) =	ssettm $0x1  }
0x97: {  	s17 =	sld [smem:$0x3FFB];
	_ =	sdelay $0x3  }
0x98: {  	_ =	strace s17  }
0x99: {  	s3 =	sld [smem:$0x3FFC];
	_ =	sdelay $0x3  }
0x9a: {  	_ =	strace s3  }
0x9b: {  	s3 =	sld [smem:$0x3FFD];
	_ =	sdelay $0x3  }
0x9c: {  	_ =	strace s3  }
0x9d: {  	_ =	strace $0x8FFFFFFF  }
0x9e: {  	s18 =	sld [smem:$0x3FDB];
	_ =	sdelay $0x1  }
0x9f: {  	s19 =	simm.s32 $_scs_section_size  }
0xa0: {  	s5 =	simm.s32 $_size__tile_overlayer_lowered;
	s6 =	simm.s32 $_tile_overlayer_lowered  }
0xa1: {  	s22 =	simm.s32 $0x1BFF;
	s21 =	sshll.u32 s6, $0x1;
	s3 =	sadd.s32 s19, s18  }
0xa2: {  	s7 =	simm.s32 $0x0;
	s20 =	sshll.u32 s5, $0x1;
	s5 =	sadd.s32 s21, s3  }
0xa3: {  	[timem:s7], [sflag:s22] =	dma.local [hbm:s5], s20  }
0xa4: {  	_ =	swait.ge [sflag:s22], s20  }
0xa5: {  	s4 =	ssub.s32 $0x0, s20;
	[sflag:s22] =	ssyncset.done $0x0  }
0xa6: {  	[sflag:s22] =	ssyncadd.s32 s4;
	_ =	sdelay $0x1  }
0xa7: {  	s23 =	simm.s32 $0x1B8B  }
0xa8: {  	_ =	swait.ge [sflag:s23], $0x1  }
0xa9: {  	[sflag:s23] =	ssyncset.done $0x0  }
0xaa: {  	s25 =	simm.s32 $0x1B8E;
	s24 =	sld [smem:$0x3FFE];
	[sflag:s23] =	ssyncadd.s32 $0xFFFFFFFF  }
0xab: {  	s26 =	simm.s32 $execute0_lowered;
	[smem:$0x3FD2] =	sst s25  }
0xac: {  	s5 =	sshll.u32 s26, $0x1;
	_ =	strace $0x80000049;
	[dreg:$0x1] =	wrdreg $0xFFFFFFFF  }
0xad: {  	s28 =	simm.s32 $_size_execute0_lowered;
	s3 =	sadd.s32 s3, s5;
	[dreg:$0x0] =	wrdreg $0x0  }
0xae: {  	s5 =	sshll.u32 s28, $0x1;
	[dreg:$0x2] =	wrdreg s3  }
0xaf: {  	[dreg:$0x3] =	wrdreg s5  }
0xb0: {  	[dreg:$0x4] =	wrdreg $0xC0  }
0xb1: {  	_ =	task [dreg:s7], $0x5FFFF  }
0xb2: {  	[dreg:$0x1] =	wrdreg $0xFFFFFFFF  }
0xb3: {  	[dreg:$0x0] =	wrdreg $0x60  }
0xb4: {  	[dreg:$0x2] =	wrdreg s24  }
0xb5: {  	[dreg:$0x3] =	wrdreg s16  }
0xb6: {  	[dreg:$0x4] =	wrdreg $0x9  }
0xb7: {  	_ =	task.clear_ibuf [dreg:s7], $0x5FFFF;
	_ =	strace $0x90000049  }
0xb8: {  	s29 =	simm.s32 $0x9;
	_ =	strace $0x8000004B  }
0xb9: {  	_ =	swait.ge [sflag:s29], $0x1  }
0xba: {  	[sflag:s29] =	ssyncadd.s32 $0xFFFFFFFF  }
0xbb: {  	_ =	strace $0x9000004B  }
0xbc: {  	_ =	sfence  }
0xbd: {  	s30 =	sld [smem:$0x0];
	_ =	sdelay $0x2  }
0xbe: {  	s31 =	sshll.u32 s1, $0xD;
	s1 =	sshrl.u32 s1, $0x2  }
0xbf: {  	s3 =	sand.u32 $0x4000, s31;
	s1 =	sadd.s32 s1, s30  }
0xc0: {  	s0 =	sor.u32 s3, s0;
	s1 =	sshll.u32 s1, $0x11  }
0xc1: {  	s0 =	sor.u32 s1, s0  }
0xc2: {  	s0 =	sadd.s32 $0x8F2B, s0  }
0xc3: {  	[sflag:s0] =	ssyncadd.remote.s32 $0x1  }
0xc4: {  	_ =	sfence.sel $0xFFFF  }
0xc5: {  	[dreg:$0x0] =	wrdreg $0xFFFFFFFF;
	(pc) =	sbr.abs _section_cstart, $3  }
0xc6: {  	[dreg:$0x1] =	wrdreg $0xFFFFFFFF  }
0xc7: {  	_ =	task.clear_ibuf [dreg:s7], $0x2FFFF;
	_ =	strace $0x9FFFFFFF  }
0xc8: {  	(tm) =	ssettm $0x7FFFFFFF  }
0xc9: {  	_ =	shalt  }
tec
execute0_lowered:
.L_overlay_start_1:
0x0: {  	(tag) =	ssettag $0x1  }
0x1: {  	s1 =	srdreg.scid  }
0x2: {  	s0 =	stileid.u32;
	s6 =	rddreg [dreg:$0x0]  }
0x3: {  	s4 =	rddreg [dreg:$0x1];
	s18 =	simm.s32 $0x880;
	s19 =	simm.s32 $0x1080  }
0x4: {  	s20 =	simm.s32 $0x1880;
	s22 =	simm.s32 $0x2080;
	s23 =	simm.s32 $0x2880  }
0x5: {  	s7 =	simm.s32 $0x3080;
	s24 =	simm.s32 $0x3880;
	s8 =	simm.s32 $0x4080  }
0x6: {  	s25 =	simm.s32 $0x4880;
	s26 =	simm.s32 $0x5080;
	s1 =	sand.u32 $0x1, s1  }
0x7: {  	s9 =	simm.s32 $0x80;
	s2 =	sshll.u32 s0, $0x7;
	s3 =	sshll.u32 s1, $0x6  }
0x8: {  	s11 =	simm.s32 $0x6080;
	s3 =	sor.u32 s3, s2;
	s2 =	simm.s32 $0x0  }
0x9: {  	s12 =	simm.s32 $0x6880;
	s13 =	simm.s32 $0x7080;
	[smem:$0x7FF] =	sst s2  }
0xa: {  	s14 =	simm.s32 $0x7880;
	_ =	strace $0x8000004A;
	[dreg:$0x5] =	wrdreg s18  }
0xb: {  	s15 =	simm.s32 $0x8080;
	s16 =	simm.s32 $0x8880;
	[dreg:$0x6] =	wrdreg s19  }
0xc: {  	s17 =	simm.s32 $0x9080;
	s28 =	simm.s32 $0xE080;
	[dreg:$0x7] =	wrdreg s20  }
0xd: {  	s29 =	simm.s32 $0xE880;
	s30 =	simm.s32 $0xF080;
	[dreg:$0x8] =	wrdreg s22  }
0xe: {  	s31 =	simm.s32 $0xF880;
	s1 =	ssub.s32 $0x2, s1;
	[dreg:$0x9] =	wrdreg s23  }
0xf: {  	s21 =	sshrl.u32 s1, $0x1;
	s5 =	sshrl.u32 s3, $0x3;
	[dreg:$0xa] =	wrdreg s7  }
0x10: {  	s3 =	sshll.u32 s3, $0x7;
	s1 =	ssub.s32 s1, s21;
	[dreg:$0xb] =	wrdreg s24  }
0x11: {  	s21 =	simm.s32 $0xB080;
	s5 =	sadd.s32 s5, s6;
	[dreg:$0xc] =	wrdreg s8  }
0x12: {  	s3 =	sadd.s32 s4, s3;
	s4 =	sadd.s32 $0x900, s6;
	[dreg:$0xd] =	wrdreg s25  }
0x13: {  	s7 =	smax.u32 s1, $0x1;
	s8 =	simm.s32 $0x2;
	[dreg:$0xe] =	wrdreg s26  }
0x14: {  	s18 =	simm.s32 $0x9880;
	s19 =	simm.s32 $0xA080;
	s20 =	simm.s32 $0xA880  }
0x15: {  	s22 =	simm.s32 $0xB880;
	s23 =	simm.s32 $0xC080;
	s24 =	simm.s32 $0xC880  }
0x16: {  	v2 =	vlaneseq.u32;
	s25 =	simm.s32 $0xD080;
	s26 =	simm.s32 $0xD880;
	s1 =	simm.s32 $0x1  }
0x17: {  	vm0 =	vmmov $0xffff;
	v1 =	vshrl.u32 v2, $0x3;
	s5 =	sadd.s32 $0x600, s5;
	[dreg:$0x4] =	wrdreg s3;
	s3 =	sadd.s32 $0x800, s6  }
0x18: {  	v0 =	vand.u32 $0x7, v2;
	v2 =	vor.u32 $0x8, v2;
	v1 =	vmul.u32 $0x8, v1;
	[dreg:$0x3] =	wrdreg s5;
	s5 =	sadd.s32 $0xA00, s6;
	s6 =	sadd.s32 $0xB00, s6  }
.LBB2_1:
0x19: {  	s0 =	rddreg [dreg:$0x3]  }
0x1a: {  	[tilespmem:s2], [sflag:$0x2] =	stream.linear.gather [hbm4b:s0+s2], $0x40, $0x38;
	[tilespmem:$0x10080] =	vst v63  }
0x1b: {  	_ =	swait.ge [sflag:s8], $0x40  }
0x1c: {  	[sflag:s8] =	ssyncset.done $0x0  }
0x1d: {  	[sflag:s8] =	ssyncadd.s32 $0xFFFFFFC0  }
0x1e: {  	v3 =	vld [tilespmem:$0x0];
	_ =	sdelay $0x4  }
0x1f: {  	v4 =	vshll.u32 v3, $0x3  }
0x20: {  	v3 =	vand.u32 $0x7, v3;
	v4 =	vand.u32 $0xFFFFFFC0, v4  }
0x21: {  	v3 =	vor.u32 v3, v4  }
0x22: {  	v4 =	vperm.xlane v3, v0;
	_ =	sdelay $0x1  }
0x23: {  	v4 =	vadd.s32 v1, v4;
	_ =	sdelay $0x4  }
0x24: {  	[tilespmem:s9], [sflag:$0x1] =	stream.indirect_vreg.gather [hbm4b:s3+s2], $0x80, v4, vm0, $0xb8;
	[tilespmem:$0x10080] =	vst v63  }
0x25: {  	s0 =	rddreg [dreg:$0x5];
	v3 =	vperm.xlane v3, v2  }
0x26: {  	[tilespmem:s0], [sflag:$0x1] =	stream.indirect_vreg.gather [hbm4b:s4+s2], $0x80, v4, vm0, $0xb8;
	[tilespmem:$0x10080] =	vst v63  }
0x27: {  	s10 =	rddreg [dreg:$0x6];
	v3 =	vadd.s32 v1, v3  }
0x28: {  	[tilespmem:s10], [sflag:$0x1] =	stream.indirect_vreg.gather [hbm4b:s5+s2], $0x80, v4, vm0, $0xb8;
	[tilespmem:$0x10080] =	vst v63  }
0x29: {  	s0 =	rddreg [dreg:$0x7]  }
0x2a: {  	[tilespmem:s0], [sflag:$0x1] =	stream.indirect_vreg.gather [hbm4b:s6+s2], $0x80, v4, vm0, $0xb8;
	[tilespmem:$0x10080] =	vst v63  }
0x2b: {  	s10 =	rddreg [dreg:$0x8]  }
0x2c: {  	[tilespmem:s10], [sflag:$0x1] =	stream.indirect_vreg.gather [hbm4b:s3+s2], $0x80, v3, vm0, $0xb8;
	[tilespmem:$0x10080] =	vst v63  }
0x2d: {  	s0 =	rddreg [dreg:$0x9]  }
0x2e: {  	[tilespmem:s0], [sflag:$0x1] =	stream.indirect_vreg.gather [hbm4b:s4+s2], $0x80, v3, vm0, $0xb8;
	[tilespmem:$0x10080] =	vst v63  }
0x2f: {  	s10 =	rddreg [dreg:$0xa]  }
0x30: {  	[tilespmem:s10], [sflag:$0x1] =	stream.indirect_vreg.gather [hbm4b:s5+s2], $0x80, v3, vm0, $0xb8;
	[tilespmem:$0x10080] =	vst v63  }
0x31: {  	s0 =	rddreg [dreg:$0xb]  }
0x32: {  	[tilespmem:s0], [sflag:$0x1] =	stream.indirect_vreg.gather [hbm4b:s6+s2], $0x80, v3, vm0, $0xb8;
	[tilespmem:$0x10080] =	vst v63  }
0x33: {  	v3 =	vld [tilespmem:$0x10];
	_ =	sdelay $0x4  }
0x34: {  	v61 =	vshll.u32 v3, $0x3  }
0x35: {  	v3 =	vand.u32 $0x7, v3;
	v4 =	vand.u32 $0xFFFFFFC0, v61  }
0x36: {  	v3 =	vor.u32 v3, v4  }
0x37: {  	v4 =	vperm.xlane v3, v0;
	_ =	sdelay $0x1  }
0x38: {  	v4 =	vadd.s32 v1, v4;
	_ =	sdelay $0x3  }
0x39: {  	s0 =	rddreg [dreg:$0xc]  }
0x3a: {  	[tilespmem:s0], [sflag:$0x1] =	stream.indirect_vreg.gather [hbm4b:s3+s2], $0x80, v4, vm0, $0xb8;
	[tilespmem:$0x10080] =	vst v63  }
0x3b: {  	s10 =	rddreg [dreg:$0xd];
	v3 =	vperm.xlane v3, v2  }
0x3c: {  	[tilespmem:s10], [sflag:$0x1] =	stream.indirect_vreg.gather [hbm4b:s4+s2], $0x80, v4, vm0, $0xb8;
	[tilespmem:$0x10080] =	vst v63  }
0x3d: {  	v3 =	vadd.s32 v1, v3;
	s0 =	rddreg [dreg:$0xe]  }
0x3e: {  	[tilespmem:s0], [sflag:$0x1] =	stream.indirect_vreg.gather [hbm4b:s5+s2], $0x80, v4, vm0, $0xb8;
	[tilespmem:$0x10080] =	vst v63  }
0x3f: {  	s10 =	simm.s32 $0x5880  }
0x40: {  	[tilespmem:s10], [sflag:$0x1] =	stream.indirect_vreg.gather [hbm4b:s6+s2], $0x80, v4, vm0, $0xb8;
	[tilespmem:$0x10080] =	vst v63  }
0x41: {  	_ = 	snop  }
0x42: {  	[tilespmem:s11], [sflag:$0x1] =	stream.indirect_vreg.gather [hbm4b:s3+s2], $0x80, v3, vm0, $0xb8;
	[tilespmem:$0x10080] =	vst v63  }
0x43: {  	_ = 	snop  }
0x44: {  	[tilespmem:s12], [sflag:$0x1] =	stream.indirect_vreg.gather [hbm4b:s4+s2], $0x80, v3, vm0, $0xb8;
	[tilespmem:$0x10080] =	vst v63  }
0x45: {  	_ = 	snop  }
0x46: {  	[tilespmem:s13], [sflag:$0x1] =	stream.indirect_vreg.gather [hbm4b:s5+s2], $0x80, v3, vm0, $0xb8;
	[tilespmem:$0x10080] =	vst v63  }
0x47: {  	_ = 	snop  }
0x48: {  	[tilespmem:s14], [sflag:$0x1] =	stream.indirect_vreg.gather [hbm4b:s6+s2], $0x80, v3, vm0, $0xb8;
	[tilespmem:$0x10080] =	vst v63  }
0x49: {  	v3 =	vld [tilespmem:$0x20];
	_ =	sdelay $0x4  }
0x4a: {  	v62 =	vshll.u32 v3, $0x3  }
0x4b: {  	v3 =	vand.u32 $0x7, v3;
	v4 =	vand.u32 $0xFFFFFFC0, v62  }
0x4c: {  	v3 =	vor.u32 v3, v4  }
0x4d: {  	v4 =	vperm.xlane v3, v0;
	_ =	sdelay $0x1  }
0x4e: {  	v4 =	vadd.s32 v1, v4;
	_ =	sdelay $0x4  }
0x4f: {  	[tilespmem:s15], [sflag:$0x1] =	stream.indirect_vreg.gather [hbm4b:s3+s2], $0x80, v4, vm0, $0xb8;
	[tilespmem:$0x10080] =	vst v63  }
0x50: {  	v3 =	vperm.xlane v3, v2  }
0x51: {  	[tilespmem:s16], [sflag:$0x1] =	stream.indirect_vreg.gather [hbm4b:s4+s2], $0x80, v4, vm0, $0xb8;
	[tilespmem:$0x10080] =	vst v63  }
0x52: {  	v3 =	vadd.s32 v1, v3  }
0x53: {  	[tilespmem:s17], [sflag:$0x1] =	stream.indirect_vreg.gather [hbm4b:s5+s2], $0x80, v4, vm0, $0xb8;
	[tilespmem:$0x10080] =	vst v63  }
0x54: {  	_ = 	snop  }
0x55: {  	[tilespmem:s18], [sflag:$0x1] =	stream.indirect_vreg.gather [hbm4b:s6+s2], $0x80, v4, vm0, $0xb8;
	[tilespmem:$0x10080] =	vst v63  }
0x56: {  	_ = 	snop  }
0x57: {  	[tilespmem:s19], [sflag:$0x1] =	stream.indirect_vreg.gather [hbm4b:s3+s2], $0x80, v3, vm0, $0xb8;
	[tilespmem:$0x10080] =	vst v63  }
0x58: {  	_ = 	snop  }
0x59: {  	[tilespmem:s20], [sflag:$0x1] =	stream.indirect_vreg.gather [hbm4b:s4+s2], $0x80, v3, vm0, $0xb8;
	[tilespmem:$0x10080] =	vst v63  }
0x5a: {  	_ = 	snop  }
0x5b: {  	[tilespmem:s21], [sflag:$0x1] =	stream.indirect_vreg.gather [hbm4b:s5+s2], $0x80, v3, vm0, $0xb8;
	[tilespmem:$0x10080] =	vst v63  }
0x5c: {  	_ = 	snop  }
0x5d: {  	[tilespmem:s22], [sflag:$0x1] =	stream.indirect_vreg.gather [hbm4b:s6+s2], $0x80, v3, vm0, $0xb8;
	[tilespmem:$0x10080] =	vst v63  }
0x5e: {  	v3 =	vld [tilespmem:$0x30];
	_ =	sdelay $0x4  }
0x5f: {  	v63 =	vshll.u32 v3, $0x3  }
0x60: {  	v3 =	vand.u32 $0x7, v3;
	v4 =	vand.u32 $0xFFFFFFC0, v63  }
0x61: {  	v3 =	vor.u32 v3, v4  }
0x62: {  	v4 =	vperm.xlane v3, v0;
	_ =	sdelay $0x1  }
0x63: {  	v4 =	vadd.s32 v1, v4;
	_ =	sdelay $0x4  }
0x64: {  	[tilespmem:s23], [sflag:$0x1] =	stream.indirect_vreg.gather [hbm4b:s3+s2], $0x80, v4, vm0, $0xb8;
	[tilespmem:$0x10080] =	vst v63  }
0x65: {  	v3 =	vperm.xlane v3, v2  }
0x66: {  	[tilespmem:s24], [sflag:$0x1] =	stream.indirect_vreg.gather [hbm4b:s4+s2], $0x80, v4, vm0, $0xb8;
	[tilespmem:$0x10080] =	vst v63  }
0x67: {  	v3 =	vadd.s32 v1, v3  }
0x68: {  	[tilespmem:s25], [sflag:$0x1] =	stream.indirect_vreg.gather [hbm4b:s5+s2], $0x80, v4, vm0, $0xb8;
	[tilespmem:$0x10080] =	vst v63  }
0x69: {  	_ = 	snop  }
0x6a: {  	[tilespmem:s26], [sflag:$0x1] =	stream.indirect_vreg.gather [hbm4b:s6+s2], $0x80, v4, vm0, $0xb8;
	[tilespmem:$0x10080] =	vst v63  }
0x6b: {  	_ = 	snop  }
0x6c: {  	[tilespmem:s28], [sflag:$0x1] =	stream.indirect_vreg.gather [hbm4b:s3+s2], $0x80, v3, vm0, $0xb8;
	[tilespmem:$0x10080] =	vst v63  }
0x6d: {  	_ = 	snop  }
0x6e: {  	[tilespmem:s29], [sflag:$0x1] =	stream.indirect_vreg.gather [hbm4b:s4+s2], $0x80, v3, vm0, $0xb8;
	[tilespmem:$0x10080] =	vst v63  }
0x6f: {  	_ = 	snop  }
0x70: {  	[tilespmem:s30], [sflag:$0x1] =	stream.indirect_vreg.gather [hbm4b:s5+s2], $0x80, v3, vm0, $0xb8;
	[tilespmem:$0x10080] =	vst v63  }
0x71: {  	_ = 	snop  }
0x72: {  	[tilespmem:s31], [sflag:$0x1] =	stream.indirect_vreg.gather [hbm4b:s6+s2], $0x80, v3, vm0, $0xb8;
	[tilespmem:$0x10080] =	vst v63  }
0x73: {  	_ =	swait.ge [sflag:s1], $0x10000  }
0x74: {  	p0 =	sne.s32 s7, $0x1;
	[sflag:s1] =	ssyncset.done $0x0  }
.Ltmp0:
0x75: {  	s10 =	rddreg [dreg:$0x4];
	[sflag:s1] =	ssyncadd.s32 $0xFFFF0000;
	(pc) =	sbr.rel @p0 .LBB2_1-.Ltmp0, $4  }
0x76: {  	[hbm4b:s10+s2] =	stream.linear.scatter [tilespmem:s9], [sflag:$0x2], $0x10000, $0x38;
	[tilespmem:$0x10080] =	vst v63  }
0x77: {  	_ =	swait.ge [sflag:s8], $0x10000  }
0x78: {  	[sflag:s8] =	ssyncset.done $0x0  }
0x79: {  	s7 =	sadd.s32 $0xFFFFFFFF, s7;
	[sflag:s8] =	ssyncadd.s32 $0xFFFF0000  }
0x7a: {  	_ =	sfence.sel $0x180000  }
0x7b: {  	[bflag:$0x0] =	sbarrier.arrive $0xFFFF  }
0x7c: {  	_ =	strace $0x9000004A  }
0x7d: {  	s0 =	stileid.u32;
	[bflag:$0x2] =	sbarrier.arrive $0xFFFF  }
0x7e: {  	p0 =	sne.s32 s0, $0x0;
	s0 =	rddreg [dreg:$0x2]  }
0x7f: {  	s0 =	sadd.s32 @!p0 $0x100000, s0  }
0x80: {  	[sflag:s0] =	ssyncadd.tile.s32 @!p0 $0x1;
	_ =	shalt  }
.Lfunc_end2:
_tile_overlayer_lowered:
.L_overlay_start_2:
0x81: {  	(tag) =	ssettag $0x2  }
0x82: {  	s0 =	rddreg [dreg:$0x0];
	s2 =	stileid.u32  }
0x83: {  	s1 =	rddreg [dreg:$0x1];
	p0 =	sne.s32 s2, $0x0  }
0x84: {  	s3 =	rddreg [dreg:$0x2];
	[bflag:$0x3] =	sbarrier.arrive $0xFFFF;
	s2 =	simm.s32 @!p0 $0x1C02  }
0x85: {  	[timem:s3], [sflag:s2] =	dma.local @!p0 [hbm:s0], s1  }
0x86: {  	s0 =	simm.s32 @!p0 $0x2  }
0x87: {  	_ =	swait.ge @!p0 [sflag:s0], s1  }
0x88: {  	s1 =	ssub.s32 @!p0 $0x0, s1;
	[sflag:s0] =	ssyncset.done @!p0 $0x0  }
0x89: {  	[sflag:s0] =	ssyncadd.s32 @!p0 s1  }
0x8a: {  	[bflag:$0x3] =	sbarrier.arrive $0xFFFF  }
0x8b: {  	_ =	shalt  }

</sc_bundles>
